<compile_context>
chip_gen: v7x
topology: tpu7x:2x2x1
jax: 0.10.2.dev20260603
libtpu: 0.0.44.dev20260713+nightly
codegen_flags: <defaults>
</compile_context>

<pallas_src>
import functools

import jax
import jax.numpy as jnp
from jax import lax
from jax.experimental import pallas as pl
from jax.experimental.pallas import tpu as pltpu
from jax.experimental.pallas import tpu_sc as plsc

ROWS = 64
N = 32768
KSEL = 328
NC = 2
NS = 16
NW = NC * NS
ROWS_PER_W = ROWS // NW
LANES = 16
NVREG = N // LANES
NB1 = 2048
NB23 = 1024
SPANS = ((31, 20), (20, 10), (10, 0))
ABS_MASK = 0x7FFFFFFF


def _pick(cge, kcur, lane):
    istar = jnp.max(jnp.where(cge >= kcur, lane, jnp.int32(-1)))
    istar_v = lane * 0 + istar
    nxt = jnp.max(jnp.where(lane == istar_v + 1, cge, jnp.int32(0)))
    return istar, istar_v, nxt


def _tile_body(x_hbm, out_hbm, xv, hist, wbuf, s2buf, sem_in0, sem_in1,
               sem_out0, sem_out1):
    c = lax.axis_index("c")
    s = lax.axis_index("s")
    wid = s * NC + c
    base_row = wid * ROWS_PER_W
    sems_in = (sem_in0, sem_in1)
    sems_out = (sem_out0, sem_out1)
    in_copies = [
        pltpu.async_copy(x_hbm.at[base_row + r], xv.at[r], sems_in[r])
        for r in range(ROWS_PER_W)
    ]

    lane = lax.iota(jnp.int32, LANES)
    ones = jnp.ones((LANES,), jnp.int32)
    zeros16 = jnp.zeros((LANES,), jnp.int32)

    @plsc.parallel_loop(0, NB1 // LANES, unroll=8)
    def _(j):
        hist[pl.ds(j * LANES, LANES)] = zeros16

    @plsc.parallel_loop(0, 256 // LANES)
    def _(j):
        s2buf[pl.ds(j * LANES, LANES)] = zeros16

    def select(nb, kcur):
        ngroup = nb // 16
        nsuper = ngroup // 16

        @plsc.parallel_loop(0, ngroup, unroll=4)
        def _(g):
            acc = hist[pl.ds(g * 16, 16)]
            hist[pl.ds(g * 16, 16)] = zeros16
            w = lax.rev(plsc.cumsum(lax.rev(acc, (0,))), (0,))
            wbuf[pl.ds(g * 16, 16)] = w

        for h in range(nsuper):
            heads_h = plsc.load_gather(wbuf, [(h * 16 + lane) * 16])
            s2 = lax.rev(plsc.cumsum(lax.rev(heads_h, (0,))), (0,))
            s2buf[pl.ds(h * 16, 16)] = s2
        for h in range(nsuper, NB1 // 256):
            s2buf[pl.ds(h * 16, 16)] = zeros16

        tops = plsc.load_gather(s2buf, [lane * 16])
        a3 = lax.rev(plsc.cumsum(lax.rev(tops, (0,))), (0,))

        hstar, hstar_v, next3 = _pick(a3, kcur, lane)
        above3 = next3

        s2sel = plsc.load_gather(s2buf, [jnp.maximum(hstar_v, 0) * 16 + lane])
        cge2 = s2sel + above3
        gloc, gloc_v, next2 = _pick(cge2, kcur, lane)
        above2 = jnp.where(gloc == 15, above3, next2)
        gstar = hstar * 16 + gloc

        gstar_v = lane * 0 + gstar
        wsel = plsc.load_gather(wbuf, [jnp.maximum(gstar_v, 0) * 16 + lane])
        cge1 = wsel + above2
        ploc, _, next1 = _pick(cge1, kcur, lane)
        above1 = jnp.where(ploc == 15, above2, next1)
        bstar = gstar * 16 + ploc
        new_k = kcur - above1
        return bstar, new_k

    out_copies = []
    for r in range(ROWS_PER_W):
        in_copies[r].wait()
        kcur = jnp.int32(KSEL)

        hi, lo = SPANS[0]

        @plsc.parallel_loop(0, NVREG, unroll=8)
        def _(i, r=r, lo=lo):
            xv16 = xv[r, pl.ds(i * LANES, LANES)]
            u = lax.bitcast_convert_type(xv16, jnp.int32) & ABS_MASK
            d = u >> lo
            plsc.addupdate_scatter(hist, [d], ones)

        bstar, kcur = select(NB1, kcur)
        prefix = bstar

        for hi, lo in SPANS[1:]:
            base = prefix << hi
            lim = jnp.uint32(1 << hi)

            @plsc.parallel_loop(0, NVREG, unroll=8)
            def _(i, r=r, base=base, lim=lim, lo=lo):
                xv16 = xv[r, pl.ds(i * LANES, LANES)]
                u = lax.bitcast_convert_type(xv16, jnp.int32) & ABS_MASK
                t = u - base
                m = lax.bitcast_convert_type(t, jnp.uint32) < lim
                d = t >> lo
                plsc.addupdate_scatter(hist, [d], ones, mask=m)

            bstar, kcur = select(NB23, kcur)
            prefix = (prefix << (hi - lo)) | bstar

        tbits = prefix

        @plsc.parallel_loop(0, NVREG, unroll=8)
        def _(i, r=r, tbits=tbits):
            xv16 = xv[r, pl.ds(i * LANES, LANES)]
            u = lax.bitcast_convert_type(xv16, jnp.int32) & ABS_MASK
            xv[r, pl.ds(i * LANES, LANES)] = jnp.where(u >= tbits, xv16, 0.0)

        out_copies.append(
            pltpu.async_copy(xv.at[r], out_hbm.at[base_row + r], sems_out[r])
        )

    for cp in out_copies:
        cp.wait()


@functools.partial(jax.jit, static_argnames=())
def kernel(x):
    mesh = plsc.VectorSubcoreMesh(
        core_axis_name="c", subcore_axis_name="s", num_cores=NC, num_subcores=NS
    )
    run = pl.kernel(
        _tile_body,
        out_type=jax.ShapeDtypeStruct((ROWS, N), jnp.float32),
        mesh=mesh,
        scratch_types=[
            pltpu.VMEM((ROWS_PER_W, N), jnp.float32),
            pltpu.VMEM((NB1,), jnp.int32),
            pltpu.VMEM((NB1,), jnp.int32),
            pltpu.VMEM((256,), jnp.int32),
            pltpu.SemaphoreType.DMA,
            pltpu.SemaphoreType.DMA,
            pltpu.SemaphoreType.DMA,
            pltpu.SemaphoreType.DMA,
        ],
        compiler_params=pltpu.CompilerParams(needs_layout_passes=False),
    )
    return run(x)

# --- scband reference (transcript-rebuilt; emitter-appended) ---
"""Pipeline reference for scband-top-kmodifier-51719996178486 (READ-ONLY COPY).

The authoritative reference and input builder live on the scoring server;
editing this copy changes nothing except your own understanding.
"""

import jax, jax.numpy as jnp
import numpy as np

RATE = 0.01
INPUT_SHAPE = [32768]
BATCH_DIMS = 1
K = int(round(RATE * float(np.prod(INPUT_SHAPE)))) or 1


def setup_inputs(seed: int = 0) -> dict:
    key = jax.random.key(seed)
    x = jax.random.normal(key, (64, 32768), dtype=jnp.float32)
    return {"x": x}


def reference(x):
    # Faithful translation of TopKModifier.forward
    batch_size_flat = int(np.prod(x.shape[:BATCH_DIMS]))
    x_flat = x.reshape(batch_size_flat, -1)
    abs_x = jnp.abs(x_flat)
    topk_vals, _ = jax.lax.top_k(abs_x, K)  # sorted descending
    thresh = topk_vals[:, -1:]  # k-th largest |x| per row
    big_mask = abs_x >= thresh
    # modified_x = zeros_like(x); modified_x[mask] = x[mask]
    modified_flat = jnp.where(big_mask, x_flat, jnp.zeros_like(x_flat))
    return modified_flat.reshape(x.shape)

if __name__ == "__main__":
    import jax
    _d = setup_inputs()
    print(jax.jit(kernel)(*tuple(_d.values())))

</pallas_src>

<mosaic_0001>
#map = affine_map<(d0, d1) -> (0, 0)>
module attributes {stable_mosaic.version = 14 : i64} {
  func.func @_tile_body(%arg0: i32, %arg1: i32, %arg2: memref<64x32768xf32, #tpu.memory_space<hbm>>, %arg3: memref<64x32768xf32, #tpu.memory_space<hbm>>, %arg4: memref<2x32768xf32, #tpu.memory_space<vmem>>, %arg5: memref<2048xi32, #tpu.memory_space<vmem>>, %arg6: memref<2048xi32, #tpu.memory_space<vmem>>, %arg7: memref<256xi32, #tpu.memory_space<vmem>>, %arg8: memref<!tpu.dma_semaphore, #tpu.memory_space<semaphore_mem>>, %arg9: memref<!tpu.dma_semaphore, #tpu.memory_space<semaphore_mem>>, %arg10: memref<!tpu.dma_semaphore, #tpu.memory_space<semaphore_mem>>, %arg11: memref<!tpu.dma_semaphore, #tpu.memory_space<semaphore_mem>>) attributes {dimension_semantics = [#tpu.dimension_semantics<core_parallel>, #tpu.dimension_semantics<subcore_parallel>], iteration_bounds = array<i64: 2, 16>, scalar_prefetch = 0 : i64, scratch_operands = 8 : i64, tpu.core_type = #tpu.core_type<sc_vector_subcore>, window_params = [{transform_indices = #map}, {transform_indices = #map}]} {
    %mul3A = arith.constant 2 : i32
    %mul3A_0 = arith.muli %arg1, %mul3A : i32
    %add3A = arith.addi %mul3A_0, %arg0 : i32
    %mul3A_1 = arith.constant 2 : i32
    %mul3A_2 = arith.muli %add3A, %mul3A_1 : i32
    %add3A_3 = arith.constant 0 : i32
    %add3A_4 = arith.addi %mul3A_2, %add3A_3 : i32
    %dma_start3A = arith.constant 0 : i32
    %dma_start3A_5 = arith.constant 0 : i32
    %dma_start3A_6 = tpu.memref_slice %arg4[%dma_start3A, %dma_start3A_5] : memref<2x32768xf32, #tpu.memory_space<vmem>> -> memref<1x32768xf32, #tpu.memory_space<vmem>>
    %dma_start3A_7 = tpu.memref_squeeze %dma_start3A_6 : memref<1x32768xf32, #tpu.memory_space<vmem>> -> memref<32768xf32, #tpu.memory_space<vmem>>
    %dma_start3A_8 = arith.constant 0 : i32
    %dma_start3A_9 = tpu.memref_slice %arg2[%add3A_4, %dma_start3A_8] : memref<64x32768xf32, #tpu.memory_space<hbm>> -> memref<1x32768xf32, #tpu.memory_space<hbm>>
    %dma_start3A_10 = tpu.memref_squeeze %dma_start3A_9 : memref<1x32768xf32, #tpu.memory_space<hbm>> -> memref<32768xf32, #tpu.memory_space<hbm>>
    %dma_start3A_11 = arith.constant 0 : i32
    %dma_start3A_12 = tpu.memref_slice %arg4[%dma_start3A, %dma_start3A_11] : memref<2x32768xf32, #tpu.memory_space<vmem>> -> memref<1x32768xf32, #tpu.memory_space<vmem>>
    %dma_start3A_13 = tpu.memref_squeeze %dma_start3A_12 : memref<1x32768xf32, #tpu.memory_space<vmem>> -> memref<32768xf32, #tpu.memory_space<vmem>>
    %dma_start3A_14 = arith.constant 0 : i32
    %dma_start3A_15 = tpu.memref_slice %arg2[%add3A_4, %dma_start3A_14] : memref<64x32768xf32, #tpu.memory_space<hbm>> -> memref<1x32768xf32, #tpu.memory_space<hbm>>
    %dma_start3A_16 = tpu.memref_squeeze %dma_start3A_15 : memref<1x32768xf32, #tpu.memory_space<hbm>> -> memref<32768xf32, #tpu.memory_space<hbm>>
    tpu.enqueue_dma source(%dma_start3A_16 : memref<32768xf32, #tpu.memory_space<hbm>>) target(%dma_start3A_13 : memref<32768xf32, #tpu.memory_space<vmem>>) target_semaphore(%arg8 : memref<!tpu.dma_semaphore, #tpu.memory_space<semaphore_mem>>)
    %add3A_17 = arith.constant 1 : i32
    %add3A_18 = arith.addi %mul3A_2, %add3A_17 : i32
    %dma_start3A_19 = arith.constant 1 : i32
    %dma_start3A_20 = arith.constant 0 : i32
    %dma_start3A_21 = tpu.memref_slice %arg4[%dma_start3A_19, %dma_start3A_20] : memref<2x32768xf32, #tpu.memory_space<vmem>> -> memref<1x32768xf32, #tpu.memory_space<vmem>>
    %dma_start3A_22 = tpu.memref_squeeze %dma_start3A_21 : memref<1x32768xf32, #tpu.memory_space<vmem>> -> memref<32768xf32, #tpu.memory_space<vmem>>
    %dma_start3A_23 = arith.constant 0 : i32
    %dma_start3A_24 = tpu.memref_slice %arg2[%add3A_18, %dma_start3A_23] : memref<64x32768xf32, #tpu.memory_space<hbm>> -> memref<1x32768xf32, #tpu.memory_space<hbm>>
    %dma_start3A_25 = tpu.memref_squeeze %dma_start3A_24 : memref<1x32768xf32, #tpu.memory_space<hbm>> -> memref<32768xf32, #tpu.memory_space<hbm>>
    %dma_start3A_26 = arith.constant 0 : i32
    %dma_start3A_27 = tpu.memref_slice %arg4[%dma_start3A_19, %dma_start3A_26] : memref<2x32768xf32, #tpu.memory_space<vmem>> -> memref<1x32768xf32, #tpu.memory_space<vmem>>
    %dma_start3A_28 = tpu.memref_squeeze %dma_start3A_27 : memref<1x32768xf32, #tpu.memory_space<vmem>> -> memref<32768xf32, #tpu.memory_space<vmem>>
    %dma_start3A_29 = arith.constant 0 : i32
    %dma_start3A_30 = tpu.memref_slice %arg2[%add3A_18, %dma_start3A_29] : memref<64x32768xf32, #tpu.memory_space<hbm>> -> memref<1x32768xf32, #tpu.memory_space<hbm>>
    %dma_start3A_31 = tpu.memref_squeeze %dma_start3A_30 : memref<1x32768xf32, #tpu.memory_space<hbm>> -> memref<32768xf32, #tpu.memory_space<hbm>>
    tpu.enqueue_dma source(%dma_start3A_31 : memref<32768xf32, #tpu.memory_space<hbm>>) target(%dma_start3A_28 : memref<32768xf32, #tpu.memory_space<vmem>>) target_semaphore(%arg9 : memref<!tpu.dma_semaphore, #tpu.memory_space<semaphore_mem>>)
    %iota3A = tpu.iota {dimensions = array<i32: 0>} : vector<16xi32>
    %broadcast_in_dim3A = arith.constant 1 : i32
    %broadcast_in_dim3A_32 = vector.broadcast %broadcast_in_dim3A : i32 to vector<16xi32>
    %broadcast_in_dim3A_33 = arith.constant 0 : i32
    %broadcast_in_dim3A_34 = vector.broadcast %broadcast_in_dim3A_33 : i32 to vector<16xi32>
    %parallel_loop3A = arith.constant 0 : i32
    %parallel_loop3A_35 = arith.constant 128 : i32
    %parallel_loop3A_36 = arith.constant 1 : i32
    scf.for %parallel_loop3A_1842 = %parallel_loop3A to %parallel_loop3A_35 step %parallel_loop3A_36  : i32 {
      %parallel_loop3A_1843 = arith.constant 16 : i32
      %parallel_loop3A_1844 = arith.muli %parallel_loop3A_1842, %parallel_loop3A_1843 : i32
      %parallel_loop3A_1845 = arith.index_cast %parallel_loop3A_1844 : i32 to index
      %parallel_loop3A_1846 = tpu.vector_load %arg5[%parallel_loop3A_1845] {strides = array<i32>} : memref<2048xi32, #tpu.memory_space<vmem>>, vector<16xi32>,
      tpu.vector_store %arg5[%parallel_loop3A_1845], %broadcast_in_dim3A_34 {strides = array<i32>} : memref<2048xi32, #tpu.memory_space<vmem>>, vector<16xi32>,
    } {sc.loop_unroll_factor = 8 : i64, sc.parallel_access}
    %parallel_loop3A_37 = arith.constant 0 : i32
    %parallel_loop3A_38 = arith.constant 16 : i32
    %parallel_loop3A_39 = arith.constant 1 : i32
    scf.for %parallel_loop3A_1842 = %parallel_loop3A_37 to %parallel_loop3A_38 step %parallel_loop3A_39  : i32 {
      %parallel_loop3A_1843 = arith.constant 16 : i32
      %parallel_loop3A_1844 = arith.muli %parallel_loop3A_1842, %parallel_loop3A_1843 : i32
      %parallel_loop3A_1845 = arith.index_cast %parallel_loop3A_1844 : i32 to index
      %parallel_loop3A_1846 = tpu.vector_load %arg7[%parallel_loop3A_1845] {strides = array<i32>} : memref<256xi32, #tpu.memory_space<vmem>>, vector<16xi32>,
      tpu.vector_store %arg7[%parallel_loop3A_1845], %broadcast_in_dim3A_34 {strides = array<i32>} : memref<256xi32, #tpu.memory_space<vmem>>, vector<16xi32>,
    } {sc.loop_unroll_factor = 1 : i64, sc.parallel_access}
    %dma_wait3A = arith.constant 0 : i32
    %dma_wait3A_40 = arith.constant 0 : i32
    %dma_wait3A_41 = tpu.memref_slice %arg4[%dma_wait3A, %dma_wait3A_40] : memref<2x32768xf32, #tpu.memory_space<vmem>> -> memref<1x32768xf32, #tpu.memory_space<vmem>>
    %dma_wait3A_42 = tpu.memref_squeeze %dma_wait3A_41 : memref<1x32768xf32, #tpu.memory_space<vmem>> -> memref<32768xf32, #tpu.memory_space<vmem>>
    %dma_wait3A_43 = arith.constant 0 : i32
    %dma_wait3A_44 = tpu.memref_slice %arg2[%add3A_4, %dma_wait3A_43] : memref<64x32768xf32, #tpu.memory_space<hbm>> -> memref<1x32768xf32, #tpu.memory_space<hbm>>
    %dma_wait3A_45 = tpu.memref_squeeze %dma_wait3A_44 : memref<1x32768xf32, #tpu.memory_space<hbm>> -> memref<32768xf32, #tpu.memory_space<hbm>>
    %dma_wait3A_46 = arith.constant 0 : i32
    %dma_wait3A_47 = tpu.memref_slice %arg4[%dma_wait3A, %dma_wait3A_46] : memref<2x32768xf32, #tpu.memory_space<vmem>> -> memref<1x32768xf32, #tpu.memory_space<vmem>>
    %dma_wait3A_48 = tpu.memref_squeeze %dma_wait3A_47 : memref<1x32768xf32, #tpu.memory_space<vmem>> -> memref<32768xf32, #tpu.memory_space<vmem>>
    %dma_wait3A_49 = arith.constant 0 : i32
    %dma_wait3A_50 = tpu.memref_slice %arg2[%add3A_4, %dma_wait3A_49] : memref<64x32768xf32, #tpu.memory_space<hbm>> -> memref<1x32768xf32, #tpu.memory_space<hbm>>
    %dma_wait3A_51 = tpu.memref_squeeze %dma_wait3A_50 : memref<1x32768xf32, #tpu.memory_space<hbm>> -> memref<32768xf32, #tpu.memory_space<hbm>>
    tpu.wait_dma2 semaphore(%arg8 : memref<!tpu.dma_semaphore, #tpu.memory_space<semaphore_mem>>) src(%dma_wait3A_51 : memref<32768xf32, #tpu.memory_space<hbm>>) dst(%dma_wait3A_48 : memref<32768xf32, #tpu.memory_space<vmem>>)
    %parallel_loop3A_52 = arith.constant 0 : i32
    %parallel_loop3A_53 = arith.constant 2048 : i32
    %parallel_loop3A_54 = arith.constant 1 : i32
    scf.for %parallel_loop3A_1842 = %parallel_loop3A_52 to %parallel_loop3A_53 step %parallel_loop3A_54  : i32 {
      %parallel_loop3A_1843 = arith.constant 16 : i32
      %parallel_loop3A_1844 = arith.muli %parallel_loop3A_1842, %parallel_loop3A_1843 : i32
      %parallel_loop3A_1845 = arith.constant 0 : i32
      %parallel_loop3A_1846 = arith.index_cast %parallel_loop3A_1845 : i32 to index
      %parallel_loop3A_1847 = arith.index_cast %parallel_loop3A_1844 : i32 to index
      %parallel_loop3A_1848 = tpu.vector_load %arg4[%parallel_loop3A_1846, %parallel_loop3A_1847] {strides = array<i32>} : memref<2x32768xf32, #tpu.memory_space<vmem>>, vector<16xf32>,
      %parallel_loop3A_1849 = tpu.bitcast %parallel_loop3A_1848 : vector<16xf32> -> vector<16xi32>
      %parallel_loop3A_1850 = arith.constant 2147483647 : i32
      %parallel_loop3A_1851 = vector.broadcast %parallel_loop3A_1850 : i32 to vector<16xi32>
      %parallel_loop3A_1852 = arith.andi %parallel_loop3A_1849, %parallel_loop3A_1851 : vector<16xi32>
      %parallel_loop3A_1853 = arith.constant 20 : i32
      %parallel_loop3A_1854 = vector.broadcast %parallel_loop3A_1853 : i32 to vector<16xi32>
      %parallel_loop3A_1855 = arith.shrsi %parallel_loop3A_1852, %parallel_loop3A_1854 : vector<16xi32>
      tpu.vector_store_idx %arg5[%parallel_loop3A_1855], %broadcast_in_dim3A_32 {add = true} : memref<2048xi32, #tpu.memory_space<vmem>>[vector<16xi32>], vector<16xi32>,
    } {sc.loop_unroll_factor = 8 : i64, sc.parallel_access}
    %parallel_loop3A_55 = arith.constant 0 : i32
    %parallel_loop3A_56 = arith.constant 128 : i32
    %parallel_loop3A_57 = arith.constant 1 : i32
    scf.for %parallel_loop3A_1842 = %parallel_loop3A_55 to %parallel_loop3A_56 step %parallel_loop3A_57  : i32 {
      %parallel_loop3A_1843 = arith.constant 16 : i32
      %parallel_loop3A_1844 = arith.muli %parallel_loop3A_1842, %parallel_loop3A_1843 : i32
      %parallel_loop3A_1845 = arith.index_cast %parallel_loop3A_1844 : i32 to index
      %parallel_loop3A_1846 = tpu.vector_load %arg5[%parallel_loop3A_1845] {strides = array<i32>} : memref<2048xi32, #tpu.memory_space<vmem>>, vector<16xi32>,
      %parallel_loop3A_1847 = arith.constant 16 : i32
      %parallel_loop3A_1848 = arith.muli %parallel_loop3A_1842, %parallel_loop3A_1847 : i32
      %parallel_loop3A_1849 = arith.index_cast %parallel_loop3A_1848 : i32 to index
      %parallel_loop3A_1850 = tpu.vector_load %arg5[%parallel_loop3A_1849] {strides = array<i32>} : memref<2048xi32, #tpu.memory_space<vmem>>, vector<16xi32>,
      tpu.vector_store %arg5[%parallel_loop3A_1849], %broadcast_in_dim3A_34 {strides = array<i32>} : memref<2048xi32, #tpu.memory_space<vmem>>, vector<16xi32>,
      %parallel_loop3A_1851 = arith.constant 15 : i32
      %parallel_loop3A_1852 = vector.broadcast %parallel_loop3A_1851 : i32 to vector<16xi32>
      %parallel_loop3A_1853 = tpu.iota {dimensions = array<i32: 0>} : vector<16xi32>
      %parallel_loop3A_1854 = arith.subi %parallel_loop3A_1852, %parallel_loop3A_1853 : vector<16xi32>
      %parallel_loop3A_1855 = tpu.dynamic_gather %parallel_loop3A_1846[%parallel_loop3A_1854] in [0] : vector<16xi32>, vector<16xi32> -> vector<16xi32>
      %parallel_loop3A_1856 = arith.constant true
      %parallel_loop3A_1857 = vector.broadcast %parallel_loop3A_1856 : i1 to vector<16xi1>
      %parallel_loop3A_1858 = tpu.scan <sum>, %parallel_loop3A_1855 masked %parallel_loop3A_1857 : vector<16xi32>, vector<16xi1> -> vector<16xi32>
      %parallel_loop3A_1859 = arith.constant 15 : i32
      %parallel_loop3A_1860 = vector.broadcast %parallel_loop3A_1859 : i32 to vector<16xi32>
      %parallel_loop3A_1861 = tpu.iota {dimensions = array<i32: 0>} : vector<16xi32>
      %parallel_loop3A_1862 = arith.subi %parallel_loop3A_1860, %parallel_loop3A_1861 : vector<16xi32>
      %parallel_loop3A_1863 = tpu.dynamic_gather %parallel_loop3A_1858[%parallel_loop3A_1862] in [0] : vector<16xi32>, vector<16xi32> -> vector<16xi32>
      %parallel_loop3A_1864 = arith.constant 16 : i32
      %parallel_loop3A_1865 = arith.muli %parallel_loop3A_1842, %parallel_loop3A_1864 : i32
      %parallel_loop3A_1866 = arith.index_cast %parallel_loop3A_1865 : i32 to index
      %parallel_loop3A_1867 = tpu.vector_load %arg6[%parallel_loop3A_1866] {strides = array<i32>} : memref<2048xi32, #tpu.memory_space<vmem>>, vector<16xi32>,
      tpu.vector_store %arg6[%parallel_loop3A_1866], %parallel_loop3A_1863 {strides = array<i32>} : memref<2048xi32, #tpu.memory_space<vmem>>, vector<16xi32>,
    } {sc.loop_unroll_factor = 4 : i64, sc.parallel_access}
    %add3A_58 = arith.constant 0 : i32
    %add3A_59 = vector.broadcast %add3A_58 : i32 to vector<16xi32>
    %add3A_60 = arith.addi %add3A_59, %iota3A : vector<16xi32>
    %mul3A_61 = arith.constant 16 : i32
    %mul3A_62 = vector.broadcast %mul3A_61 : i32 to vector<16xi32>
    %mul3A_63 = arith.muli %add3A_60, %mul3A_62 : vector<16xi32>
    %gather3A = tpu.vector_load_idx %arg6[%mul3A_63] : memref<2048xi32, #tpu.memory_space<vmem>>[vector<16xi32>], vector<16xi32>,
    %rev3A = arith.constant 15 : i32
    %rev3A_64 = vector.broadcast %rev3A : i32 to vector<16xi32>
    %rev3A_65 = tpu.iota {dimensions = array<i32: 0>} : vector<16xi32>
    %rev3A_66 = arith.subi %rev3A_64, %rev3A_65 : vector<16xi32>
    %rev3A_67 = tpu.dynamic_gather %gather3A[%rev3A_66] in [0] : vector<16xi32>, vector<16xi32> -> vector<16xi32>
    %broadcast_in_dim3A_68 = arith.constant true
    %broadcast_in_dim3A_69 = vector.broadcast %broadcast_in_dim3A_68 : i1 to vector<16xi1>
    %masked_cumsum3A = tpu.scan <sum>, %rev3A_67 masked %broadcast_in_dim3A_69 : vector<16xi32>, vector<16xi1> -> vector<16xi32>
    %rev3A_70 = arith.constant 15 : i32
    %rev3A_71 = vector.broadcast %rev3A_70 : i32 to vector<16xi32>
    %rev3A_72 = tpu.iota {dimensions = array<i32: 0>} : vector<16xi32>
    %rev3A_73 = arith.subi %rev3A_71, %rev3A_72 : vector<16xi32>
    %rev3A_74 = tpu.dynamic_gather %masked_cumsum3A[%rev3A_73] in [0] : vector<16xi32>, vector<16xi32> -> vector<16xi32>
    %swap3A = arith.constant 0 : index
    %swap3A_75 = tpu.vector_load %arg7[%swap3A] {strides = array<i32>} : memref<256xi32, #tpu.memory_space<vmem>>, vector<16xi32>,
    tpu.vector_store %arg7[%swap3A], %rev3A_74 {strides = array<i32>} : memref<256xi32, #tpu.memory_space<vmem>>, vector<16xi32>,
    %add3A_76 = arith.constant 16 : i32
    %add3A_77 = vector.broadcast %add3A_76 : i32 to vector<16xi32>
    %add3A_78 = arith.addi %add3A_77, %iota3A : vector<16xi32>
    %mul3A_79 = arith.constant 16 : i32
    %mul3A_80 = vector.broadcast %mul3A_79 : i32 to vector<16xi32>
    %mul3A_81 = arith.muli %add3A_78, %mul3A_80 : vector<16xi32>
    %gather3A_82 = tpu.vector_load_idx %arg6[%mul3A_81] : memref<2048xi32, #tpu.memory_space<vmem>>[vector<16xi32>], vector<16xi32>,
    %rev3A_83 = arith.constant 15 : i32
    %rev3A_84 = vector.broadcast %rev3A_83 : i32 to vector<16xi32>
    %rev3A_85 = tpu.iota {dimensions = array<i32: 0>} : vector<16xi32>
    %rev3A_86 = arith.subi %rev3A_84, %rev3A_85 : vector<16xi32>
    %rev3A_87 = tpu.dynamic_gather %gather3A_82[%rev3A_86] in [0] : vector<16xi32>, vector<16xi32> -> vector<16xi32>
    %broadcast_in_dim3A_88 = arith.constant true
    %broadcast_in_dim3A_89 = vector.broadcast %broadcast_in_dim3A_88 : i1 to vector<16xi1>
    %masked_cumsum3A_90 = tpu.scan <sum>, %rev3A_87 masked %broadcast_in_dim3A_89 : vector<16xi32>, vector<16xi1> -> vector<16xi32>
    %rev3A_91 = arith.constant 15 : i32
    %rev3A_92 = vector.broadcast %rev3A_91 : i32 to vector<16xi32>
    %rev3A_93 = tpu.iota {dimensions = array<i32: 0>} : vector<16xi32>
    %rev3A_94 = arith.subi %rev3A_92, %rev3A_93 : vector<16xi32>
    %rev3A_95 = tpu.dynamic_gather %masked_cumsum3A_90[%rev3A_94] in [0] : vector<16xi32>, vector<16xi32> -> vector<16xi32>
    %swap3A_96 = arith.constant 16 : index
    %swap3A_97 = tpu.vector_load %arg7[%swap3A_96] {strides = array<i32>} : memref<256xi32, #tpu.memory_space<vmem>>, vector<16xi32>,
    tpu.vector_store %arg7[%swap3A_96], %rev3A_95 {strides = array<i32>} : memref<256xi32, #tpu.memory_space<vmem>>, vector<16xi32>,
    %add3A_98 = arith.constant 32 : i32
    %add3A_99 = vector.broadcast %add3A_98 : i32 to vector<16xi32>
    %add3A_100 = arith.addi %add3A_99, %iota3A : vector<16xi32>
    %mul3A_101 = arith.constant 16 : i32
    %mul3A_102 = vector.broadcast %mul3A_101 : i32 to vector<16xi32>
    %mul3A_103 = arith.muli %add3A_100, %mul3A_102 : vector<16xi32>
    %gather3A_104 = tpu.vector_load_idx %arg6[%mul3A_103] : memref<2048xi32, #tpu.memory_space<vmem>>[vector<16xi32>], vector<16xi32>,
    %rev3A_105 = arith.constant 15 : i32
    %rev3A_106 = vector.broadcast %rev3A_105 : i32 to vector<16xi32>
    %rev3A_107 = tpu.iota {dimensions = array<i32: 0>} : vector<16xi32>
    %rev3A_108 = arith.subi %rev3A_106, %rev3A_107 : vector<16xi32>
    %rev3A_109 = tpu.dynamic_gather %gather3A_104[%rev3A_108] in [0] : vector<16xi32>, vector<16xi32> -> vector<16xi32>
    %broadcast_in_dim3A_110 = arith.constant true
    %broadcast_in_dim3A_111 = vector.broadcast %broadcast_in_dim3A_110 : i1 to vector<16xi1>
    %masked_cumsum3A_112 = tpu.scan <sum>, %rev3A_109 masked %broadcast_in_dim3A_111 : vector<16xi32>, vector<16xi1> -> vector<16xi32>
    %rev3A_113 = arith.constant 15 : i32
    %rev3A_114 = vector.broadcast %rev3A_113 : i32 to vector<16xi32>
    %rev3A_115 = tpu.iota {dimensions = array<i32: 0>} : vector<16xi32>
    %rev3A_116 = arith.subi %rev3A_114, %rev3A_115 : vector<16xi32>
    %rev3A_117 = tpu.dynamic_gather %masked_cumsum3A_112[%rev3A_116] in [0] : vector<16xi32>, vector<16xi32> -> vector<16xi32>
    %swap3A_118 = arith.constant 32 : index
    %swap3A_119 = tpu.vector_load %arg7[%swap3A_118] {strides = array<i32>} : memref<256xi32, #tpu.memory_space<vmem>>, vector<16xi32>,
    tpu.vector_store %arg7[%swap3A_118], %rev3A_117 {strides = array<i32>} : memref<256xi32, #tpu.memory_space<vmem>>, vector<16xi32>,
    %add3A_120 = arith.constant 48 : i32
    %add3A_121 = vector.broadcast %add3A_120 : i32 to vector<16xi32>
    %add3A_122 = arith.addi %add3A_121, %iota3A : vector<16xi32>
    %mul3A_123 = arith.constant 16 : i32
    %mul3A_124 = vector.broadcast %mul3A_123 : i32 to vector<16xi32>
    %mul3A_125 = arith.muli %add3A_122, %mul3A_124 : vector<16xi32>
    %gather3A_126 = tpu.vector_load_idx %arg6[%mul3A_125] : memref<2048xi32, #tpu.memory_space<vmem>>[vector<16xi32>], vector<16xi32>,
    %rev3A_127 = arith.constant 15 : i32
    %rev3A_128 = vector.broadcast %rev3A_127 : i32 to vector<16xi32>
    %rev3A_129 = tpu.iota {dimensions = array<i32: 0>} : vector<16xi32>
    %rev3A_130 = arith.subi %rev3A_128, %rev3A_129 : vector<16xi32>
    %rev3A_131 = tpu.dynamic_gather %gather3A_126[%rev3A_130] in [0] : vector<16xi32>, vector<16xi32> -> vector<16xi32>
    %broadcast_in_dim3A_132 = arith.constant true
    %broadcast_in_dim3A_133 = vector.broadcast %broadcast_in_dim3A_132 : i1 to vector<16xi1>
    %masked_cumsum3A_134 = tpu.scan <sum>, %rev3A_131 masked %broadcast_in_dim3A_133 : vector<16xi32>, vector<16xi1> -> vector<16xi32>
    %rev3A_135 = arith.constant 15 : i32
    %rev3A_136 = vector.broadcast %rev3A_135 : i32 to vector<16xi32>
    %rev3A_137 = tpu.iota {dimensions = array<i32: 0>} : vector<16xi32>
    %rev3A_138 = arith.subi %rev3A_136, %rev3A_137 : vector<16xi32>
    %rev3A_139 = tpu.dynamic_gather %masked_cumsum3A_134[%rev3A_138] in [0] : vector<16xi32>, vector<16xi32> -> vector<16xi32>
    %swap3A_140 = arith.constant 48 : index
    %swap3A_141 = tpu.vector_load %arg7[%swap3A_140] {strides = array<i32>} : memref<256xi32, #tpu.memory_space<vmem>>, vector<16xi32>,
    tpu.vector_store %arg7[%swap3A_140], %rev3A_139 {strides = array<i32>} : memref<256xi32, #tpu.memory_space<vmem>>, vector<16xi32>,
    %add3A_142 = arith.constant 64 : i32
    %add3A_143 = vector.broadcast %add3A_142 : i32 to vector<16xi32>
    %add3A_144 = arith.addi %add3A_143, %iota3A : vector<16xi32>
    %mul3A_145 = arith.constant 16 : i32
    %mul3A_146 = vector.broadcast %mul3A_145 : i32 to vector<16xi32>
    %mul3A_147 = arith.muli %add3A_144, %mul3A_146 : vector<16xi32>
    %gather3A_148 = tpu.vector_load_idx %arg6[%mul3A_147] : memref<2048xi32, #tpu.memory_space<vmem>>[vector<16xi32>], vector<16xi32>,
    %rev3A_149 = arith.constant 15 : i32
    %rev3A_150 = vector.broadcast %rev3A_149 : i32 to vector<16xi32>
    %rev3A_151 = tpu.iota {dimensions = array<i32: 0>} : vector<16xi32>
    %rev3A_152 = arith.subi %rev3A_150, %rev3A_151 : vector<16xi32>
    %rev3A_153 = tpu.dynamic_gather %gather3A_148[%rev3A_152] in [0] : vector<16xi32>, vector<16xi32> -> vector<16xi32>
    %broadcast_in_dim3A_154 = arith.constant true
    %broadcast_in_dim3A_155 = vector.broadcast %broadcast_in_dim3A_154 : i1 to vector<16xi1>
    %masked_cumsum3A_156 = tpu.scan <sum>, %rev3A_153 masked %broadcast_in_dim3A_155 : vector<16xi32>, vector<16xi1> -> vector<16xi32>
    %rev3A_157 = arith.constant 15 : i32
    %rev3A_158 = vector.broadcast %rev3A_157 : i32 to vector<16xi32>
    %rev3A_159 = tpu.iota {dimensions = array<i32: 0>} : vector<16xi32>
    %rev3A_160 = arith.subi %rev3A_158, %rev3A_159 : vector<16xi32>
    %rev3A_161 = tpu.dynamic_gather %masked_cumsum3A_156[%rev3A_160] in [0] : vector<16xi32>, vector<16xi32> -> vector<16xi32>
    %swap3A_162 = arith.constant 64 : index
    %swap3A_163 = tpu.vector_load %arg7[%swap3A_162] {strides = array<i32>} : memref<256xi32, #tpu.memory_space<vmem>>, vector<16xi32>,
    tpu.vector_store %arg7[%swap3A_162], %rev3A_161 {strides = array<i32>} : memref<256xi32, #tpu.memory_space<vmem>>, vector<16xi32>,
    %add3A_164 = arith.constant 80 : i32
    %add3A_165 = vector.broadcast %add3A_164 : i32 to vector<16xi32>
    %add3A_166 = arith.addi %add3A_165, %iota3A : vector<16xi32>
    %mul3A_167 = arith.constant 16 : i32
    %mul3A_168 = vector.broadcast %mul3A_167 : i32 to vector<16xi32>
    %mul3A_169 = arith.muli %add3A_166, %mul3A_168 : vector<16xi32>
    %gather3A_170 = tpu.vector_load_idx %arg6[%mul3A_169] : memref<2048xi32, #tpu.memory_space<vmem>>[vector<16xi32>], vector<16xi32>,
    %rev3A_171 = arith.constant 15 : i32
    %rev3A_172 = vector.broadcast %rev3A_171 : i32 to vector<16xi32>
    %rev3A_173 = tpu.iota {dimensions = array<i32: 0>} : vector<16xi32>
    %rev3A_174 = arith.subi %rev3A_172, %rev3A_173 : vector<16xi32>
    %rev3A_175 = tpu.dynamic_gather %gather3A_170[%rev3A_174] in [0] : vector<16xi32>, vector<16xi32> -> vector<16xi32>
    %broadcast_in_dim3A_176 = arith.constant true
    %broadcast_in_dim3A_177 = vector.broadcast %broadcast_in_dim3A_176 : i1 to vector<16xi1>
    %masked_cumsum3A_178 = tpu.scan <sum>, %rev3A_175 masked %broadcast_in_dim3A_177 : vector<16xi32>, vector<16xi1> -> vector<16xi32>
    %rev3A_179 = arith.constant 15 : i32
    %rev3A_180 = vector.broadcast %rev3A_179 : i32 to vector<16xi32>
    %rev3A_181 = tpu.iota {dimensions = array<i32: 0>} : vector<16xi32>
    %rev3A_182 = arith.subi %rev3A_180, %rev3A_181 : vector<16xi32>
    %rev3A_183 = tpu.dynamic_gather %masked_cumsum3A_178[%rev3A_182] in [0] : vector<16xi32>, vector<16xi32> -> vector<16xi32>
    %swap3A_184 = arith.constant 80 : index
    %swap3A_185 = tpu.vector_load %arg7[%swap3A_184] {strides = array<i32>} : memref<256xi32, #tpu.memory_space<vmem>>, vector<16xi32>,
    tpu.vector_store %arg7[%swap3A_184], %rev3A_183 {strides = array<i32>} : memref<256xi32, #tpu.memory_space<vmem>>, vector<16xi32>,
    %add3A_186 = arith.constant 96 : i32
    %add3A_187 = vector.broadcast %add3A_186 : i32 to vector<16xi32>
    %add3A_188 = arith.addi %add3A_187, %iota3A : vector<16xi32>
    %mul3A_189 = arith.constant 16 : i32
    %mul3A_190 = vector.broadcast %mul3A_189 : i32 to vector<16xi32>
    %mul3A_191 = arith.muli %add3A_188, %mul3A_190 : vector<16xi32>
    %gather3A_192 = tpu.vector_load_idx %arg6[%mul3A_191] : memref<2048xi32, #tpu.memory_space<vmem>>[vector<16xi32>], vector<16xi32>,
    %rev3A_193 = arith.constant 15 : i32
    %rev3A_194 = vector.broadcast %rev3A_193 : i32 to vector<16xi32>
    %rev3A_195 = tpu.iota {dimensions = array<i32: 0>} : vector<16xi32>
    %rev3A_196 = arith.subi %rev3A_194, %rev3A_195 : vector<16xi32>
    %rev3A_197 = tpu.dynamic_gather %gather3A_192[%rev3A_196] in [0] : vector<16xi32>, vector<16xi32> -> vector<16xi32>
    %broadcast_in_dim3A_198 = arith.constant true
    %broadcast_in_dim3A_199 = vector.broadcast %broadcast_in_dim3A_198 : i1 to vector<16xi1>
    %masked_cumsum3A_200 = tpu.scan <sum>, %rev3A_197 masked %broadcast_in_dim3A_199 : vector<16xi32>, vector<16xi1> -> vector<16xi32>
    %rev3A_201 = arith.constant 15 : i32
    %rev3A_202 = vector.broadcast %rev3A_201 : i32 to vector<16xi32>
    %rev3A_203 = tpu.iota {dimensions = array<i32: 0>} : vector<16xi32>
    %rev3A_204 = arith.subi %rev3A_202, %rev3A_203 : vector<16xi32>
    %rev3A_205 = tpu.dynamic_gather %masked_cumsum3A_200[%rev3A_204] in [0] : vector<16xi32>, vector<16xi32> -> vector<16xi32>
    %swap3A_206 = arith.constant 96 : index
    %swap3A_207 = tpu.vector_load %arg7[%swap3A_206] {strides = array<i32>} : memref<256xi32, #tpu.memory_space<vmem>>, vector<16xi32>,
    tpu.vector_store %arg7[%swap3A_206], %rev3A_205 {strides = array<i32>} : memref<256xi32, #tpu.memory_space<vmem>>, vector<16xi32>,
    %add3A_208 = arith.constant 112 : i32
    %add3A_209 = vector.broadcast %add3A_208 : i32 to vector<16xi32>
    %add3A_210 = arith.addi %add3A_209, %iota3A : vector<16xi32>
    %mul3A_211 = arith.constant 16 : i32
    %mul3A_212 = vector.broadcast %mul3A_211 : i32 to vector<16xi32>
    %mul3A_213 = arith.muli %add3A_210, %mul3A_212 : vector<16xi32>
    %gather3A_214 = tpu.vector_load_idx %arg6[%mul3A_213] : memref<2048xi32, #tpu.memory_space<vmem>>[vector<16xi32>], vector<16xi32>,
    %rev3A_215 = arith.constant 15 : i32
    %rev3A_216 = vector.broadcast %rev3A_215 : i32 to vector<16xi32>
    %rev3A_217 = tpu.iota {dimensions = array<i32: 0>} : vector<16xi32>
    %rev3A_218 = arith.subi %rev3A_216, %rev3A_217 : vector<16xi32>
    %rev3A_219 = tpu.dynamic_gather %gather3A_214[%rev3A_218] in [0] : vector<16xi32>, vector<16xi32> -> vector<16xi32>
    %broadcast_in_dim3A_220 = arith.constant true
    %broadcast_in_dim3A_221 = vector.broadcast %broadcast_in_dim3A_220 : i1 to vector<16xi1>
    %masked_cumsum3A_222 = tpu.scan <sum>, %rev3A_219 masked %broadcast_in_dim3A_221 : vector<16xi32>, vector<16xi1> -> vector<16xi32>
    %rev3A_223 = arith.constant 15 : i32
    %rev3A_224 = vector.broadcast %rev3A_223 : i32 to vector<16xi32>
    %rev3A_225 = tpu.iota {dimensions = array<i32: 0>} : vector<16xi32>
    %rev3A_226 = arith.subi %rev3A_224, %rev3A_225 : vector<16xi32>
    %rev3A_227 = tpu.dynamic_gather %masked_cumsum3A_222[%rev3A_226] in [0] : vector<16xi32>, vector<16xi32> -> vector<16xi32>
    %swap3A_228 = arith.constant 112 : index
    %swap3A_229 = tpu.vector_load %arg7[%swap3A_228] {strides = array<i32>} : memref<256xi32, #tpu.memory_space<vmem>>, vector<16xi32>,
    tpu.vector_store %arg7[%swap3A_228], %rev3A_227 {strides = array<i32>} : memref<256xi32, #tpu.memory_space<vmem>>, vector<16xi32>,
    %mul3A_230 = arith.constant 16 : i32
    %mul3A_231 = vector.broadcast %mul3A_230 : i32 to vector<16xi32>
    %mul3A_232 = arith.muli %iota3A, %mul3A_231 : vector<16xi32>
    %gather3A_233 = tpu.vector_load_idx %arg7[%mul3A_232] : memref<256xi32, #tpu.memory_space<vmem>>[vector<16xi32>], vector<16xi32>,
    %rev3A_234 = arith.constant 15 : i32
    %rev3A_235 = vector.broadcast %rev3A_234 : i32 to vector<16xi32>
    %rev3A_236 = tpu.iota {dimensions = array<i32: 0>} : vector<16xi32>
    %rev3A_237 = arith.subi %rev3A_235, %rev3A_236 : vector<16xi32>
    %rev3A_238 = tpu.dynamic_gather %gather3A_233[%rev3A_237] in [0] : vector<16xi32>, vector<16xi32> -> vector<16xi32>
    %broadcast_in_dim3A_239 = arith.constant true
    %broadcast_in_dim3A_240 = vector.broadcast %broadcast_in_dim3A_239 : i1 to vector<16xi1>
    %masked_cumsum3A_241 = tpu.scan <sum>, %rev3A_238 masked %broadcast_in_dim3A_240 : vector<16xi32>, vector<16xi1> -> vector<16xi32>
    %rev3A_242 = arith.constant 15 : i32
    %rev3A_243 = vector.broadcast %rev3A_242 : i32 to vector<16xi32>
    %rev3A_244 = tpu.iota {dimensions = array<i32: 0>} : vector<16xi32>
    %rev3A_245 = arith.subi %rev3A_243, %rev3A_244 : vector<16xi32>
    %rev3A_246 = tpu.dynamic_gather %masked_cumsum3A_241[%rev3A_245] in [0] : vector<16xi32>, vector<16xi32> -> vector<16xi32>
    %ge3A = arith.constant 328 : i32
    %ge3A_247 = vector.broadcast %ge3A : i32 to vector<16xi32>
    %ge3A_248 = arith.cmpi sge, %rev3A_246, %ge3A_247 : vector<16xi32>
    %jit3A = arith.constant -1 : i32
    %broadcast_in_dim3A_249 = vector.broadcast %jit3A : i32 to vector<16xi32>
    %select_n3A = arith.select %ge3A_248, %iota3A, %broadcast_in_dim3A_249 : vector<16xi1>, vector<16xi32>
    %reduce_max3A = arith.constant true
    %reduce_max3A_250 = vector.broadcast %reduce_max3A : i1 to vector<16xi1>
    %reduce_max3A_251 = arith.constant -2147483648 : i32
    %reduce_max3A_252 = vector.broadcast %reduce_max3A_251 : i32 to vector<16xi32>
    %reduce_max3A_253 = arith.xori %select_n3A, %reduce_max3A_252 : vector<16xi32>
    %reduce_max3A_254 = tpu.scan <max>, %reduce_max3A_253 masked %reduce_max3A_250 : vector<16xi32>, vector<16xi1> -> vector<16xi32>
    %reduce_max3A_255 = arith.xori %reduce_max3A_254, %reduce_max3A_252 : vector<16xi32>
    %reduce_max3A_256 = vector.extract %reduce_max3A_255[15] : i32 from vector<16xi32>
    %mul3A_257 = arith.constant 0 : i32
    %mul3A_258 = vector.broadcast %mul3A_257 : i32 to vector<16xi32>
    %mul3A_259 = arith.muli %iota3A, %mul3A_258 : vector<16xi32>
    %add3A_260 = vector.broadcast %reduce_max3A_256 : i32 to vector<16xi32>
    %add3A_261 = arith.addi %mul3A_259, %add3A_260 : vector<16xi32>
    %add3A_262 = arith.constant 1 : i32
    %add3A_263 = vector.broadcast %add3A_262 : i32 to vector<16xi32>
    %add3A_264 = arith.addi %add3A_261, %add3A_263 : vector<16xi32>
    %eq3A = arith.cmpi eq, %iota3A, %add3A_264 : vector<16xi32>
    %jit3A_265 = arith.constant 0 : i32
    %broadcast_in_dim3A_266 = vector.broadcast %jit3A_265 : i32 to vector<16xi32>
    %select_n3A_267 = arith.select %eq3A, %rev3A_246, %broadcast_in_dim3A_266 : vector<16xi1>, vector<16xi32>
    %reduce_max3A_268 = arith.constant true
    %reduce_max3A_269 = vector.broadcast %reduce_max3A_268 : i1 to vector<16xi1>
    %reduce_max3A_270 = arith.constant -2147483648 : i32
    %reduce_max3A_271 = vector.broadcast %reduce_max3A_270 : i32 to vector<16xi32>
    %reduce_max3A_272 = arith.xori %select_n3A_267, %reduce_max3A_271 : vector<16xi32>
    %reduce_max3A_273 = tpu.scan <max>, %reduce_max3A_272 masked %reduce_max3A_269 : vector<16xi32>, vector<16xi1> -> vector<16xi32>
    %reduce_max3A_274 = arith.xori %reduce_max3A_273, %reduce_max3A_271 : vector<16xi32>
    %reduce_max3A_275 = vector.extract %reduce_max3A_274[15] : i32 from vector<16xi32>
    %max3A = arith.constant 0 : i32
    %max3A_276 = vector.broadcast %max3A : i32 to vector<16xi32>
    %max3A_277 = arith.maxsi %add3A_261, %max3A_276 : vector<16xi32>
    %mul3A_278 = arith.constant 16 : i32
    %mul3A_279 = vector.broadcast %mul3A_278 : i32 to vector<16xi32>
    %mul3A_280 = arith.muli %max3A_277, %mul3A_279 : vector<16xi32>
    %add3A_281 = arith.addi %mul3A_280, %iota3A : vector<16xi32>
    %gather3A_282 = tpu.vector_load_idx %arg7[%add3A_281] : memref<256xi32, #tpu.memory_space<vmem>>[vector<16xi32>], vector<16xi32>,
    %add3A_283 = vector.broadcast %reduce_max3A_275 : i32 to vector<16xi32>
    %add3A_284 = arith.addi %gather3A_282, %add3A_283 : vector<16xi32>
    %ge3A_285 = arith.constant 328 : i32
    %ge3A_286 = vector.broadcast %ge3A_285 : i32 to vector<16xi32>
    %ge3A_287 = arith.cmpi sge, %add3A_284, %ge3A_286 : vector<16xi32>
    %jit3A_288 = arith.constant -1 : i32
    %broadcast_in_dim3A_289 = vector.broadcast %jit3A_288 : i32 to vector<16xi32>
    %select_n3A_290 = arith.select %ge3A_287, %iota3A, %broadcast_in_dim3A_289 : vector<16xi1>, vector<16xi32>
    %reduce_max3A_291 = arith.constant true
    %reduce_max3A_292 = vector.broadcast %reduce_max3A_291 : i1 to vector<16xi1>
    %reduce_max3A_293 = arith.constant -2147483648 : i32
    %reduce_max3A_294 = vector.broadcast %reduce_max3A_293 : i32 to vector<16xi32>
    %reduce_max3A_295 = arith.xori %select_n3A_290, %reduce_max3A_294 : vector<16xi32>
    %reduce_max3A_296 = tpu.scan <max>, %reduce_max3A_295 masked %reduce_max3A_292 : vector<16xi32>, vector<16xi1> -> vector<16xi32>
    %reduce_max3A_297 = arith.xori %reduce_max3A_296, %reduce_max3A_294 : vector<16xi32>
    %reduce_max3A_298 = vector.extract %reduce_max3A_297[15] : i32 from vector<16xi32>
    %mul3A_299 = arith.constant 0 : i32
    %mul3A_300 = vector.broadcast %mul3A_299 : i32 to vector<16xi32>
    %mul3A_301 = arith.muli %iota3A, %mul3A_300 : vector<16xi32>
    %add3A_302 = vector.broadcast %reduce_max3A_298 : i32 to vector<16xi32>
    %add3A_303 = arith.addi %mul3A_301, %add3A_302 : vector<16xi32>
    %add3A_304 = arith.constant 1 : i32
    %add3A_305 = vector.broadcast %add3A_304 : i32 to vector<16xi32>
    %add3A_306 = arith.addi %add3A_303, %add3A_305 : vector<16xi32>
    %eq3A_307 = arith.cmpi eq, %iota3A, %add3A_306 : vector<16xi32>
    %jit3A_308 = arith.constant 0 : i32
    %broadcast_in_dim3A_309 = vector.broadcast %jit3A_308 : i32 to vector<16xi32>
    %select_n3A_310 = arith.select %eq3A_307, %add3A_284, %broadcast_in_dim3A_309 : vector<16xi1>, vector<16xi32>
    %reduce_max3A_311 = arith.constant true
    %reduce_max3A_312 = vector.broadcast %reduce_max3A_311 : i1 to vector<16xi1>
    %reduce_max3A_313 = arith.constant -2147483648 : i32
    %reduce_max3A_314 = vector.broadcast %reduce_max3A_313 : i32 to vector<16xi32>
    %reduce_max3A_315 = arith.xori %select_n3A_310, %reduce_max3A_314 : vector<16xi32>
    %reduce_max3A_316 = tpu.scan <max>, %reduce_max3A_315 masked %reduce_max3A_312 : vector<16xi32>, vector<16xi1> -> vector<16xi32>
    %reduce_max3A_317 = arith.xori %reduce_max3A_316, %reduce_max3A_314 : vector<16xi32>
    %reduce_max3A_318 = vector.extract %reduce_max3A_317[15] : i32 from vector<16xi32>
    %eq3A_319 = arith.constant 15 : i32
    %eq3A_320 = arith.cmpi eq, %reduce_max3A_298, %eq3A_319 : i32
    %select_n3A_321 = arith.select %eq3A_320, %reduce_max3A_275, %reduce_max3A_318 : i32
    %mul3A_322 = arith.constant 16 : i32
    %mul3A_323 = arith.muli %reduce_max3A_256, %mul3A_322 : i32
    %add3A_324 = arith.addi %mul3A_323, %reduce_max3A_298 : i32
    %mul3A_325 = arith.constant 0 : i32
    %mul3A_326 = vector.broadcast %mul3A_325 : i32 to vector<16xi32>
    %mul3A_327 = arith.muli %iota3A, %mul3A_326 : vector<16xi32>
    %add3A_328 = vector.broadcast %add3A_324 : i32 to vector<16xi32>
    %add3A_329 = arith.addi %mul3A_327, %add3A_328 : vector<16xi32>
    %max3A_330 = arith.constant 0 : i32
    %max3A_331 = vector.broadcast %max3A_330 : i32 to vector<16xi32>
    %max3A_332 = arith.maxsi %add3A_329, %max3A_331 : vector<16xi32>
    %mul3A_333 = arith.constant 16 : i32
    %mul3A_334 = vector.broadcast %mul3A_333 : i32 to vector<16xi32>
    %mul3A_335 = arith.muli %max3A_332, %mul3A_334 : vector<16xi32>
    %add3A_336 = arith.addi %mul3A_335, %iota3A : vector<16xi32>
    %gather3A_337 = tpu.vector_load_idx %arg6[%add3A_336] : memref<2048xi32, #tpu.memory_space<vmem>>[vector<16xi32>], vector<16xi32>,
    %add3A_338 = vector.broadcast %select_n3A_321 : i32 to vector<16xi32>
    %add3A_339 = arith.addi %gather3A_337, %add3A_338 : vector<16xi32>
    %ge3A_340 = arith.constant 328 : i32
    %ge3A_341 = vector.broadcast %ge3A_340 : i32 to vector<16xi32>
    %ge3A_342 = arith.cmpi sge, %add3A_339, %ge3A_341 : vector<16xi32>
    %jit3A_343 = arith.constant -1 : i32
    %broadcast_in_dim3A_344 = vector.broadcast %jit3A_343 : i32 to vector<16xi32>
    %select_n3A_345 = arith.select %ge3A_342, %iota3A, %broadcast_in_dim3A_344 : vector<16xi1>, vector<16xi32>
    %reduce_max3A_346 = arith.constant true
    %reduce_max3A_347 = vector.broadcast %reduce_max3A_346 : i1 to vector<16xi1>
    %reduce_max3A_348 = arith.constant -2147483648 : i32
    %reduce_max3A_349 = vector.broadcast %reduce_max3A_348 : i32 to vector<16xi32>
    %reduce_max3A_350 = arith.xori %select_n3A_345, %reduce_max3A_349 : vector<16xi32>
    %reduce_max3A_351 = tpu.scan <max>, %reduce_max3A_350 masked %reduce_max3A_347 : vector<16xi32>, vector<16xi1> -> vector<16xi32>
    %reduce_max3A_352 = arith.xori %reduce_max3A_351, %reduce_max3A_349 : vector<16xi32>
    %reduce_max3A_353 = vector.extract %reduce_max3A_352[15] : i32 from vector<16xi32>
    %mul3A_354 = arith.constant 0 : i32
    %mul3A_355 = vector.broadcast %mul3A_354 : i32 to vector<16xi32>
    %mul3A_356 = arith.muli %iota3A, %mul3A_355 : vector<16xi32>
    %add3A_357 = vector.broadcast %reduce_max3A_353 : i32 to vector<16xi32>
    %add3A_358 = arith.addi %mul3A_356, %add3A_357 : vector<16xi32>
    %add3A_359 = arith.constant 1 : i32
    %add3A_360 = vector.broadcast %add3A_359 : i32 to vector<16xi32>
    %add3A_361 = arith.addi %add3A_358, %add3A_360 : vector<16xi32>
    %eq3A_362 = arith.cmpi eq, %iota3A, %add3A_361 : vector<16xi32>
    %jit3A_363 = arith.constant 0 : i32
    %broadcast_in_dim3A_364 = vector.broadcast %jit3A_363 : i32 to vector<16xi32>
    %select_n3A_365 = arith.select %eq3A_362, %add3A_339, %broadcast_in_dim3A_364 : vector<16xi1>, vector<16xi32>
    %reduce_max3A_366 = arith.constant true
    %reduce_max3A_367 = vector.broadcast %reduce_max3A_366 : i1 to vector<16xi1>
    %reduce_max3A_368 = arith.constant -2147483648 : i32
    %reduce_max3A_369 = vector.broadcast %reduce_max3A_368 : i32 to vector<16xi32>
    %reduce_max3A_370 = arith.xori %select_n3A_365, %reduce_max3A_369 : vector<16xi32>
    %reduce_max3A_371 = tpu.scan <max>, %reduce_max3A_370 masked %reduce_max3A_367 : vector<16xi32>, vector<16xi1> -> vector<16xi32>
    %reduce_max3A_372 = arith.xori %reduce_max3A_371, %reduce_max3A_369 : vector<16xi32>
    %reduce_max3A_373 = vector.extract %reduce_max3A_372[15] : i32 from vector<16xi32>
    %eq3A_374 = arith.constant 15 : i32
    %eq3A_375 = arith.cmpi eq, %reduce_max3A_353, %eq3A_374 : i32
    %select_n3A_376 = arith.select %eq3A_375, %select_n3A_321, %reduce_max3A_373 : i32
    %mul3A_377 = arith.constant 16 : i32
    %mul3A_378 = arith.muli %add3A_324, %mul3A_377 : i32
    %add3A_379 = arith.addi %mul3A_378, %reduce_max3A_353 : i32
    %sub3A = arith.constant 328 : i32
    %sub3A_380 = arith.subi %sub3A, %select_n3A_376 : i32
    %shift_left3A = arith.constant 20 : i32
    %shift_left3A_381 = arith.shli %add3A_379, %shift_left3A : i32
    %parallel_loop3A_382 = arith.constant 0 : i32
    %parallel_loop3A_383 = arith.constant 2048 : i32
    %parallel_loop3A_384 = arith.constant 1 : i32
    %parallel_loop3A_385 = arith.constant 1048576 : i32
    scf.for %parallel_loop3A_1842 = %parallel_loop3A_382 to %parallel_loop3A_383 step %parallel_loop3A_384  : i32 {
      %parallel_loop3A_1843 = arith.constant 16 : i32
      %parallel_loop3A_1844 = arith.muli %parallel_loop3A_1842, %parallel_loop3A_1843 : i32
      %parallel_loop3A_1845 = arith.constant 0 : i32
      %parallel_loop3A_1846 = arith.index_cast %parallel_loop3A_1845 : i32 to index
      %parallel_loop3A_1847 = arith.index_cast %parallel_loop3A_1844 : i32 to index
      %parallel_loop3A_1848 = tpu.vector_load %arg4[%parallel_loop3A_1846, %parallel_loop3A_1847] {strides = array<i32>} : memref<2x32768xf32, #tpu.memory_space<vmem>>, vector<16xf32>,
      %parallel_loop3A_1849 = tpu.bitcast %parallel_loop3A_1848 : vector<16xf32> -> vector<16xi32>
      %parallel_loop3A_1850 = arith.constant 2147483647 : i32
      %parallel_loop3A_1851 = vector.broadcast %parallel_loop3A_1850 : i32 to vector<16xi32>
      %parallel_loop3A_1852 = arith.andi %parallel_loop3A_1849, %parallel_loop3A_1851 : vector<16xi32>
      %parallel_loop3A_1853 = vector.broadcast %shift_left3A_381 : i32 to vector<16xi32>
      %parallel_loop3A_1854 = arith.subi %parallel_loop3A_1852, %parallel_loop3A_1853 : vector<16xi32>
      %parallel_loop3A_1855 = tpu.bitcast %parallel_loop3A_1854 : vector<16xi32> -> vector<16xi32>
      %parallel_loop3A_1856 = vector.broadcast %parallel_loop3A_385 : i32 to vector<16xi32>
      %parallel_loop3A_1857 = arith.cmpi ult, %parallel_loop3A_1855, %parallel_loop3A_1856 : vector<16xi32>
      %parallel_loop3A_1858 = arith.constant 10 : i32
      %parallel_loop3A_1859 = vector.broadcast %parallel_loop3A_1858 : i32 to vector<16xi32>
      %parallel_loop3A_1860 = arith.shrsi %parallel_loop3A_1854, %parallel_loop3A_1859 : vector<16xi32>
      tpu.vector_store_idx %arg5[%parallel_loop3A_1860], %broadcast_in_dim3A_32 masked %parallel_loop3A_1857 {add = true} : memref<2048xi32, #tpu.memory_space<vmem>>[vector<16xi32>], vector<16xi32>, vector<16xi1>
    } {sc.loop_unroll_factor = 8 : i64, sc.parallel_access}
    %parallel_loop3A_386 = arith.constant 0 : i32
    %parallel_loop3A_387 = arith.constant 64 : i32
    %parallel_loop3A_388 = arith.constant 1 : i32
    scf.for %parallel_loop3A_1842 = %parallel_loop3A_386 to %parallel_loop3A_387 step %parallel_loop3A_388  : i32 {
      %parallel_loop3A_1843 = arith.constant 16 : i32
      %parallel_loop3A_1844 = arith.muli %parallel_loop3A_1842, %parallel_loop3A_1843 : i32
      %parallel_loop3A_1845 = arith.index_cast %parallel_loop3A_1844 : i32 to index
      %parallel_loop3A_1846 = tpu.vector_load %arg5[%parallel_loop3A_1845] {strides = array<i32>} : memref<2048xi32, #tpu.memory_space<vmem>>, vector<16xi32>,
      %parallel_loop3A_1847 = arith.constant 16 : i32
      %parallel_loop3A_1848 = arith.muli %parallel_loop3A_1842, %parallel_loop3A_1847 : i32
      %parallel_loop3A_1849 = arith.index_cast %parallel_loop3A_1848 : i32 to index
      %parallel_loop3A_1850 = tpu.vector_load %arg5[%parallel_loop3A_1849] {strides = array<i32>} : memref<2048xi32, #tpu.memory_space<vmem>>, vector<16xi32>,
      tpu.vector_store %arg5[%parallel_loop3A_1849], %broadcast_in_dim3A_34 {strides = array<i32>} : memref<2048xi32, #tpu.memory_space<vmem>>, vector<16xi32>,
      %parallel_loop3A_1851 = arith.constant 15 : i32
      %parallel_loop3A_1852 = vector.broadcast %parallel_loop3A_1851 : i32 to vector<16xi32>
      %parallel_loop3A_1853 = tpu.iota {dimensions = array<i32: 0>} : vector<16xi32>
      %parallel_loop3A_1854 = arith.subi %parallel_loop3A_1852, %parallel_loop3A_1853 : vector<16xi32>
      %parallel_loop3A_1855 = tpu.dynamic_gather %parallel_loop3A_1846[%parallel_loop3A_1854] in [0] : vector<16xi32>, vector<16xi32> -> vector<16xi32>
      %parallel_loop3A_1856 = arith.constant true
      %parallel_loop3A_1857 = vector.broadcast %parallel_loop3A_1856 : i1 to vector<16xi1>
      %parallel_loop3A_1858 = tpu.scan <sum>, %parallel_loop3A_1855 masked %parallel_loop3A_1857 : vector<16xi32>, vector<16xi1> -> vector<16xi32>
      %parallel_loop3A_1859 = arith.constant 15 : i32
      %parallel_loop3A_1860 = vector.broadcast %parallel_loop3A_1859 : i32 to vector<16xi32>
      %parallel_loop3A_1861 = tpu.iota {dimensions = array<i32: 0>} : vector<16xi32>
      %parallel_loop3A_1862 = arith.subi %parallel_loop3A_1860, %parallel_loop3A_1861 : vector<16xi32>
      %parallel_loop3A_1863 = tpu.dynamic_gather %parallel_loop3A_1858[%parallel_loop3A_1862] in [0] : vector<16xi32>, vector<16xi32> -> vector<16xi32>
      %parallel_loop3A_1864 = arith.constant 16 : i32
      %parallel_loop3A_1865 = arith.muli %parallel_loop3A_1842, %parallel_loop3A_1864 : i32
      %parallel_loop3A_1866 = arith.index_cast %parallel_loop3A_1865 : i32 to index
      %parallel_loop3A_1867 = tpu.vector_load %arg6[%parallel_loop3A_1866] {strides = array<i32>} : memref<2048xi32, #tpu.memory_space<vmem>>, vector<16xi32>,
      tpu.vector_store %arg6[%parallel_loop3A_1866], %parallel_loop3A_1863 {strides = array<i32>} : memref<2048xi32, #tpu.memory_space<vmem>>, vector<16xi32>,
    } {sc.loop_unroll_factor = 4 : i64, sc.parallel_access}
    %add3A_389 = arith.constant 0 : i32
    %add3A_390 = vector.broadcast %add3A_389 : i32 to vector<16xi32>
    %add3A_391 = arith.addi %add3A_390, %iota3A : vector<16xi32>
    %mul3A_392 = arith.constant 16 : i32
    %mul3A_393 = vector.broadcast %mul3A_392 : i32 to vector<16xi32>
    %mul3A_394 = arith.muli %add3A_391, %mul3A_393 : vector<16xi32>
    %gather3A_395 = tpu.vector_load_idx %arg6[%mul3A_394] : memref<2048xi32, #tpu.memory_space<vmem>>[vector<16xi32>], vector<16xi32>,
    %rev3A_396 = arith.constant 15 : i32
    %rev3A_397 = vector.broadcast %rev3A_396 : i32 to vector<16xi32>
    %rev3A_398 = tpu.iota {dimensions = array<i32: 0>} : vector<16xi32>
    %rev3A_399 = arith.subi %rev3A_397, %rev3A_398 : vector<16xi32>
    %rev3A_400 = tpu.dynamic_gather %gather3A_395[%rev3A_399] in [0] : vector<16xi32>, vector<16xi32> -> vector<16xi32>
    %broadcast_in_dim3A_401 = arith.constant true
    %broadcast_in_dim3A_402 = vector.broadcast %broadcast_in_dim3A_401 : i1 to vector<16xi1>
    %masked_cumsum3A_403 = tpu.scan <sum>, %rev3A_400 masked %broadcast_in_dim3A_402 : vector<16xi32>, vector<16xi1> -> vector<16xi32>
    %rev3A_404 = arith.constant 15 : i32
    %rev3A_405 = vector.broadcast %rev3A_404 : i32 to vector<16xi32>
    %rev3A_406 = tpu.iota {dimensions = array<i32: 0>} : vector<16xi32>
    %rev3A_407 = arith.subi %rev3A_405, %rev3A_406 : vector<16xi32>
    %rev3A_408 = tpu.dynamic_gather %masked_cumsum3A_403[%rev3A_407] in [0] : vector<16xi32>, vector<16xi32> -> vector<16xi32>
    %swap3A_409 = arith.constant 0 : index
    %swap3A_410 = tpu.vector_load %arg7[%swap3A_409] {strides = array<i32>} : memref<256xi32, #tpu.memory_space<vmem>>, vector<16xi32>,
    tpu.vector_store %arg7[%swap3A_409], %rev3A_408 {strides = array<i32>} : memref<256xi32, #tpu.memory_space<vmem>>, vector<16xi32>,
    %add3A_411 = arith.constant 16 : i32
    %add3A_412 = vector.broadcast %add3A_411 : i32 to vector<16xi32>
    %add3A_413 = arith.addi %add3A_412, %iota3A : vector<16xi32>
    %mul3A_414 = arith.constant 16 : i32
    %mul3A_415 = vector.broadcast %mul3A_414 : i32 to vector<16xi32>
    %mul3A_416 = arith.muli %add3A_413, %mul3A_415 : vector<16xi32>
    %gather3A_417 = tpu.vector_load_idx %arg6[%mul3A_416] : memref<2048xi32, #tpu.memory_space<vmem>>[vector<16xi32>], vector<16xi32>,
    %rev3A_418 = arith.constant 15 : i32
    %rev3A_419 = vector.broadcast %rev3A_418 : i32 to vector<16xi32>
    %rev3A_420 = tpu.iota {dimensions = array<i32: 0>} : vector<16xi32>
    %rev3A_421 = arith.subi %rev3A_419, %rev3A_420 : vector<16xi32>
    %rev3A_422 = tpu.dynamic_gather %gather3A_417[%rev3A_421] in [0] : vector<16xi32>, vector<16xi32> -> vector<16xi32>
    %broadcast_in_dim3A_423 = arith.constant true
    %broadcast_in_dim3A_424 = vector.broadcast %broadcast_in_dim3A_423 : i1 to vector<16xi1>
    %masked_cumsum3A_425 = tpu.scan <sum>, %rev3A_422 masked %broadcast_in_dim3A_424 : vector<16xi32>, vector<16xi1> -> vector<16xi32>
    %rev3A_426 = arith.constant 15 : i32
    %rev3A_427 = vector.broadcast %rev3A_426 : i32 to vector<16xi32>
    %rev3A_428 = tpu.iota {dimensions = array<i32: 0>} : vector<16xi32>
    %rev3A_429 = arith.subi %rev3A_427, %rev3A_428 : vector<16xi32>
    %rev3A_430 = tpu.dynamic_gather %masked_cumsum3A_425[%rev3A_429] in [0] : vector<16xi32>, vector<16xi32> -> vector<16xi32>
    %swap3A_431 = arith.constant 16 : index
    %swap3A_432 = tpu.vector_load %arg7[%swap3A_431] {strides = array<i32>} : memref<256xi32, #tpu.memory_space<vmem>>, vector<16xi32>,
    tpu.vector_store %arg7[%swap3A_431], %rev3A_430 {strides = array<i32>} : memref<256xi32, #tpu.memory_space<vmem>>, vector<16xi32>,
    %add3A_433 = arith.constant 32 : i32
    %add3A_434 = vector.broadcast %add3A_433 : i32 to vector<16xi32>
    %add3A_435 = arith.addi %add3A_434, %iota3A : vector<16xi32>
    %mul3A_436 = arith.constant 16 : i32
    %mul3A_437 = vector.broadcast %mul3A_436 : i32 to vector<16xi32>
    %mul3A_438 = arith.muli %add3A_435, %mul3A_437 : vector<16xi32>
    %gather3A_439 = tpu.vector_load_idx %arg6[%mul3A_438] : memref<2048xi32, #tpu.memory_space<vmem>>[vector<16xi32>], vector<16xi32>,
    %rev3A_440 = arith.constant 15 : i32
    %rev3A_441 = vector.broadcast %rev3A_440 : i32 to vector<16xi32>
    %rev3A_442 = tpu.iota {dimensions = array<i32: 0>} : vector<16xi32>
    %rev3A_443 = arith.subi %rev3A_441, %rev3A_442 : vector<16xi32>
    %rev3A_444 = tpu.dynamic_gather %gather3A_439[%rev3A_443] in [0] : vector<16xi32>, vector<16xi32> -> vector<16xi32>
    %broadcast_in_dim3A_445 = arith.constant true
    %broadcast_in_dim3A_446 = vector.broadcast %broadcast_in_dim3A_445 : i1 to vector<16xi1>
    %masked_cumsum3A_447 = tpu.scan <sum>, %rev3A_444 masked %broadcast_in_dim3A_446 : vector<16xi32>, vector<16xi1> -> vector<16xi32>
    %rev3A_448 = arith.constant 15 : i32
    %rev3A_449 = vector.broadcast %rev3A_448 : i32 to vector<16xi32>
    %rev3A_450 = tpu.iota {dimensions = array<i32: 0>} : vector<16xi32>
    %rev3A_451 = arith.subi %rev3A_449, %rev3A_450 : vector<16xi32>
    %rev3A_452 = tpu.dynamic_gather %masked_cumsum3A_447[%rev3A_451] in [0] : vector<16xi32>, vector<16xi32> -> vector<16xi32>
    %swap3A_453 = arith.constant 32 : index
    %swap3A_454 = tpu.vector_load %arg7[%swap3A_453] {strides = array<i32>} : memref<256xi32, #tpu.memory_space<vmem>>, vector<16xi32>,
    tpu.vector_store %arg7[%swap3A_453], %rev3A_452 {strides = array<i32>} : memref<256xi32, #tpu.memory_space<vmem>>, vector<16xi32>,
    %add3A_455 = arith.constant 48 : i32
    %add3A_456 = vector.broadcast %add3A_455 : i32 to vector<16xi32>
    %add3A_457 = arith.addi %add3A_456, %iota3A : vector<16xi32>
    %mul3A_458 = arith.constant 16 : i32
    %mul3A_459 = vector.broadcast %mul3A_458 : i32 to vector<16xi32>
    %mul3A_460 = arith.muli %add3A_457, %mul3A_459 : vector<16xi32>
    %gather3A_461 = tpu.vector_load_idx %arg6[%mul3A_460] : memref<2048xi32, #tpu.memory_space<vmem>>[vector<16xi32>], vector<16xi32>,
    %rev3A_462 = arith.constant 15 : i32
    %rev3A_463 = vector.broadcast %rev3A_462 : i32 to vector<16xi32>
    %rev3A_464 = tpu.iota {dimensions = array<i32: 0>} : vector<16xi32>
    %rev3A_465 = arith.subi %rev3A_463, %rev3A_464 : vector<16xi32>
    %rev3A_466 = tpu.dynamic_gather %gather3A_461[%rev3A_465] in [0] : vector<16xi32>, vector<16xi32> -> vector<16xi32>
    %broadcast_in_dim3A_467 = arith.constant true
    %broadcast_in_dim3A_468 = vector.broadcast %broadcast_in_dim3A_467 : i1 to vector<16xi1>
    %masked_cumsum3A_469 = tpu.scan <sum>, %rev3A_466 masked %broadcast_in_dim3A_468 : vector<16xi32>, vector<16xi1> -> vector<16xi32>
    %rev3A_470 = arith.constant 15 : i32
    %rev3A_471 = vector.broadcast %rev3A_470 : i32 to vector<16xi32>
    %rev3A_472 = tpu.iota {dimensions = array<i32: 0>} : vector<16xi32>
    %rev3A_473 = arith.subi %rev3A_471, %rev3A_472 : vector<16xi32>
    %rev3A_474 = tpu.dynamic_gather %masked_cumsum3A_469[%rev3A_473] in [0] : vector<16xi32>, vector<16xi32> -> vector<16xi32>
    %swap3A_475 = arith.constant 48 : index
    %swap3A_476 = tpu.vector_load %arg7[%swap3A_475] {strides = array<i32>} : memref<256xi32, #tpu.memory_space<vmem>>, vector<16xi32>,
    tpu.vector_store %arg7[%swap3A_475], %rev3A_474 {strides = array<i32>} : memref<256xi32, #tpu.memory_space<vmem>>, vector<16xi32>,
    %swap3A_477 = arith.constant 64 : index
    %swap3A_478 = tpu.vector_load %arg7[%swap3A_477] {strides = array<i32>} : memref<256xi32, #tpu.memory_space<vmem>>, vector<16xi32>,
    tpu.vector_store %arg7[%swap3A_477], %broadcast_in_dim3A_34 {strides = array<i32>} : memref<256xi32, #tpu.memory_space<vmem>>, vector<16xi32>,
    %swap3A_479 = arith.constant 80 : index
    %swap3A_480 = tpu.vector_load %arg7[%swap3A_479] {strides = array<i32>} : memref<256xi32, #tpu.memory_space<vmem>>, vector<16xi32>,
    tpu.vector_store %arg7[%swap3A_479], %broadcast_in_dim3A_34 {strides = array<i32>} : memref<256xi32, #tpu.memory_space<vmem>>, vector<16xi32>,
    %swap3A_481 = arith.constant 96 : index
    %swap3A_482 = tpu.vector_load %arg7[%swap3A_481] {strides = array<i32>} : memref<256xi32, #tpu.memory_space<vmem>>, vector<16xi32>,
    tpu.vector_store %arg7[%swap3A_481], %broadcast_in_dim3A_34 {strides = array<i32>} : memref<256xi32, #tpu.memory_space<vmem>>, vector<16xi32>,
    %swap3A_483 = arith.constant 112 : index
    %swap3A_484 = tpu.vector_load %arg7[%swap3A_483] {strides = array<i32>} : memref<256xi32, #tpu.memory_space<vmem>>, vector<16xi32>,
    tpu.vector_store %arg7[%swap3A_483], %broadcast_in_dim3A_34 {strides = array<i32>} : memref<256xi32, #tpu.memory_space<vmem>>, vector<16xi32>,
    %mul3A_485 = arith.constant 16 : i32
    %mul3A_486 = vector.broadcast %mul3A_485 : i32 to vector<16xi32>
    %mul3A_487 = arith.muli %iota3A, %mul3A_486 : vector<16xi32>
    %gather3A_488 = tpu.vector_load_idx %arg7[%mul3A_487] : memref<256xi32, #tpu.memory_space<vmem>>[vector<16xi32>], vector<16xi32>,
    %rev3A_489 = arith.constant 15 : i32
    %rev3A_490 = vector.broadcast %rev3A_489 : i32 to vector<16xi32>
    %rev3A_491 = tpu.iota {dimensions = array<i32: 0>} : vector<16xi32>
    %rev3A_492 = arith.subi %rev3A_490, %rev3A_491 : vector<16xi32>
    %rev3A_493 = tpu.dynamic_gather %gather3A_488[%rev3A_492] in [0] : vector<16xi32>, vector<16xi32> -> vector<16xi32>
    %broadcast_in_dim3A_494 = arith.constant true
    %broadcast_in_dim3A_495 = vector.broadcast %broadcast_in_dim3A_494 : i1 to vector<16xi1>
    %masked_cumsum3A_496 = tpu.scan <sum>, %rev3A_493 masked %broadcast_in_dim3A_495 : vector<16xi32>, vector<16xi1> -> vector<16xi32>
    %rev3A_497 = arith.constant 15 : i32
    %rev3A_498 = vector.broadcast %rev3A_497 : i32 to vector<16xi32>
    %rev3A_499 = tpu.iota {dimensions = array<i32: 0>} : vector<16xi32>
    %rev3A_500 = arith.subi %rev3A_498, %rev3A_499 : vector<16xi32>
    %rev3A_501 = tpu.dynamic_gather %masked_cumsum3A_496[%rev3A_500] in [0] : vector<16xi32>, vector<16xi32> -> vector<16xi32>
    %ge3A_502 = vector.broadcast %sub3A_380 : i32 to vector<16xi32>
    %ge3A_503 = arith.cmpi sge, %rev3A_501, %ge3A_502 : vector<16xi32>
    %jit3A_504 = arith.constant -1 : i32
    %broadcast_in_dim3A_505 = vector.broadcast %jit3A_504 : i32 to vector<16xi32>
    %select_n3A_506 = arith.select %ge3A_503, %iota3A, %broadcast_in_dim3A_505 : vector<16xi1>, vector<16xi32>
    %reduce_max3A_507 = arith.constant true
    %reduce_max3A_508 = vector.broadcast %reduce_max3A_507 : i1 to vector<16xi1>
    %reduce_max3A_509 = arith.constant -2147483648 : i32
    %reduce_max3A_510 = vector.broadcast %reduce_max3A_509 : i32 to vector<16xi32>
    %reduce_max3A_511 = arith.xori %select_n3A_506, %reduce_max3A_510 : vector<16xi32>
    %reduce_max3A_512 = tpu.scan <max>, %reduce_max3A_511 masked %reduce_max3A_508 : vector<16xi32>, vector<16xi1> -> vector<16xi32>
    %reduce_max3A_513 = arith.xori %reduce_max3A_512, %reduce_max3A_510 : vector<16xi32>
    %reduce_max3A_514 = vector.extract %reduce_max3A_513[15] : i32 from vector<16xi32>
    %mul3A_515 = arith.constant 0 : i32
    %mul3A_516 = vector.broadcast %mul3A_515 : i32 to vector<16xi32>
    %mul3A_517 = arith.muli %iota3A, %mul3A_516 : vector<16xi32>
    %add3A_518 = vector.broadcast %reduce_max3A_514 : i32 to vector<16xi32>
    %add3A_519 = arith.addi %mul3A_517, %add3A_518 : vector<16xi32>
    %add3A_520 = arith.constant 1 : i32
    %add3A_521 = vector.broadcast %add3A_520 : i32 to vector<16xi32>
    %add3A_522 = arith.addi %add3A_519, %add3A_521 : vector<16xi32>
    %eq3A_523 = arith.cmpi eq, %iota3A, %add3A_522 : vector<16xi32>
    %jit3A_524 = arith.constant 0 : i32
    %broadcast_in_dim3A_525 = vector.broadcast %jit3A_524 : i32 to vector<16xi32>
    %select_n3A_526 = arith.select %eq3A_523, %rev3A_501, %broadcast_in_dim3A_525 : vector<16xi1>, vector<16xi32>
    %reduce_max3A_527 = arith.constant true
    %reduce_max3A_528 = vector.broadcast %reduce_max3A_527 : i1 to vector<16xi1>
    %reduce_max3A_529 = arith.constant -2147483648 : i32
    %reduce_max3A_530 = vector.broadcast %reduce_max3A_529 : i32 to vector<16xi32>
    %reduce_max3A_531 = arith.xori %select_n3A_526, %reduce_max3A_530 : vector<16xi32>
    %reduce_max3A_532 = tpu.scan <max>, %reduce_max3A_531 masked %reduce_max3A_528 : vector<16xi32>, vector<16xi1> -> vector<16xi32>
    %reduce_max3A_533 = arith.xori %reduce_max3A_532, %reduce_max3A_530 : vector<16xi32>
    %reduce_max3A_534 = vector.extract %reduce_max3A_533[15] : i32 from vector<16xi32>
    %max3A_535 = arith.constant 0 : i32
    %max3A_536 = vector.broadcast %max3A_535 : i32 to vector<16xi32>
    %max3A_537 = arith.maxsi %add3A_519, %max3A_536 : vector<16xi32>
    %mul3A_538 = arith.constant 16 : i32
    %mul3A_539 = vector.broadcast %mul3A_538 : i32 to vector<16xi32>
    %mul3A_540 = arith.muli %max3A_537, %mul3A_539 : vector<16xi32>
    %add3A_541 = arith.addi %mul3A_540, %iota3A : vector<16xi32>
    %gather3A_542 = tpu.vector_load_idx %arg7[%add3A_541] : memref<256xi32, #tpu.memory_space<vmem>>[vector<16xi32>], vector<16xi32>,
    %add3A_543 = vector.broadcast %reduce_max3A_534 : i32 to vector<16xi32>
    %add3A_544 = arith.addi %gather3A_542, %add3A_543 : vector<16xi32>
    %ge3A_545 = vector.broadcast %sub3A_380 : i32 to vector<16xi32>
    %ge3A_546 = arith.cmpi sge, %add3A_544, %ge3A_545 : vector<16xi32>
    %jit3A_547 = arith.constant -1 : i32
    %broadcast_in_dim3A_548 = vector.broadcast %jit3A_547 : i32 to vector<16xi32>
    %select_n3A_549 = arith.select %ge3A_546, %iota3A, %broadcast_in_dim3A_548 : vector<16xi1>, vector<16xi32>
    %reduce_max3A_550 = arith.constant true
    %reduce_max3A_551 = vector.broadcast %reduce_max3A_550 : i1 to vector<16xi1>
    %reduce_max3A_552 = arith.constant -2147483648 : i32
    %reduce_max3A_553 = vector.broadcast %reduce_max3A_552 : i32 to vector<16xi32>
    %reduce_max3A_554 = arith.xori %select_n3A_549, %reduce_max3A_553 : vector<16xi32>
    %reduce_max3A_555 = tpu.scan <max>, %reduce_max3A_554 masked %reduce_max3A_551 : vector<16xi32>, vector<16xi1> -> vector<16xi32>
    %reduce_max3A_556 = arith.xori %reduce_max3A_555, %reduce_max3A_553 : vector<16xi32>
    %reduce_max3A_557 = vector.extract %reduce_max3A_556[15] : i32 from vector<16xi32>
    %mul3A_558 = arith.constant 0 : i32
    %mul3A_559 = vector.broadcast %mul3A_558 : i32 to vector<16xi32>
    %mul3A_560 = arith.muli %iota3A, %mul3A_559 : vector<16xi32>
    %add3A_561 = vector.broadcast %reduce_max3A_557 : i32 to vector<16xi32>
    %add3A_562 = arith.addi %mul3A_560, %add3A_561 : vector<16xi32>
    %add3A_563 = arith.constant 1 : i32
    %add3A_564 = vector.broadcast %add3A_563 : i32 to vector<16xi32>
    %add3A_565 = arith.addi %add3A_562, %add3A_564 : vector<16xi32>
    %eq3A_566 = arith.cmpi eq, %iota3A, %add3A_565 : vector<16xi32>
    %jit3A_567 = arith.constant 0 : i32
    %broadcast_in_dim3A_568 = vector.broadcast %jit3A_567 : i32 to vector<16xi32>
    %select_n3A_569 = arith.select %eq3A_566, %add3A_544, %broadcast_in_dim3A_568 : vector<16xi1>, vector<16xi32>
    %reduce_max3A_570 = arith.constant true
    %reduce_max3A_571 = vector.broadcast %reduce_max3A_570 : i1 to vector<16xi1>
    %reduce_max3A_572 = arith.constant -2147483648 : i32
    %reduce_max3A_573 = vector.broadcast %reduce_max3A_572 : i32 to vector<16xi32>
    %reduce_max3A_574 = arith.xori %select_n3A_569, %reduce_max3A_573 : vector<16xi32>
    %reduce_max3A_575 = tpu.scan <max>, %reduce_max3A_574 masked %reduce_max3A_571 : vector<16xi32>, vector<16xi1> -> vector<16xi32>
    %reduce_max3A_576 = arith.xori %reduce_max3A_575, %reduce_max3A_573 : vector<16xi32>
    %reduce_max3A_577 = vector.extract %reduce_max3A_576[15] : i32 from vector<16xi32>
    %eq3A_578 = arith.constant 15 : i32
    %eq3A_579 = arith.cmpi eq, %reduce_max3A_557, %eq3A_578 : i32
    %select_n3A_580 = arith.select %eq3A_579, %reduce_max3A_534, %reduce_max3A_577 : i32
    %mul3A_581 = arith.constant 16 : i32
    %mul3A_582 = arith.muli %reduce_max3A_514, %mul3A_581 : i32
    %add3A_583 = arith.addi %mul3A_582, %reduce_max3A_557 : i32
    %mul3A_584 = arith.constant 0 : i32
    %mul3A_585 = vector.broadcast %mul3A_584 : i32 to vector<16xi32>
    %mul3A_586 = arith.muli %iota3A, %mul3A_585 : vector<16xi32>
    %add3A_587 = vector.broadcast %add3A_583 : i32 to vector<16xi32>
    %add3A_588 = arith.addi %mul3A_586, %add3A_587 : vector<16xi32>
    %max3A_589 = arith.constant 0 : i32
    %max3A_590 = vector.broadcast %max3A_589 : i32 to vector<16xi32>
    %max3A_591 = arith.maxsi %add3A_588, %max3A_590 : vector<16xi32>
    %mul3A_592 = arith.constant 16 : i32
    %mul3A_593 = vector.broadcast %mul3A_592 : i32 to vector<16xi32>
    %mul3A_594 = arith.muli %max3A_591, %mul3A_593 : vector<16xi32>
    %add3A_595 = arith.addi %mul3A_594, %iota3A : vector<16xi32>
    %gather3A_596 = tpu.vector_load_idx %arg6[%add3A_595] : memref<2048xi32, #tpu.memory_space<vmem>>[vector<16xi32>], vector<16xi32>,
    %add3A_597 = vector.broadcast %select_n3A_580 : i32 to vector<16xi32>
    %add3A_598 = arith.addi %gather3A_596, %add3A_597 : vector<16xi32>
    %ge3A_599 = vector.broadcast %sub3A_380 : i32 to vector<16xi32>
    %ge3A_600 = arith.cmpi sge, %add3A_598, %ge3A_599 : vector<16xi32>
    %jit3A_601 = arith.constant -1 : i32
    %broadcast_in_dim3A_602 = vector.broadcast %jit3A_601 : i32 to vector<16xi32>
    %select_n3A_603 = arith.select %ge3A_600, %iota3A, %broadcast_in_dim3A_602 : vector<16xi1>, vector<16xi32>
    %reduce_max3A_604 = arith.constant true
    %reduce_max3A_605 = vector.broadcast %reduce_max3A_604 : i1 to vector<16xi1>
    %reduce_max3A_606 = arith.constant -2147483648 : i32
    %reduce_max3A_607 = vector.broadcast %reduce_max3A_606 : i32 to vector<16xi32>
    %reduce_max3A_608 = arith.xori %select_n3A_603, %reduce_max3A_607 : vector<16xi32>
    %reduce_max3A_609 = tpu.scan <max>, %reduce_max3A_608 masked %reduce_max3A_605 : vector<16xi32>, vector<16xi1> -> vector<16xi32>
    %reduce_max3A_610 = arith.xori %reduce_max3A_609, %reduce_max3A_607 : vector<16xi32>
    %reduce_max3A_611 = vector.extract %reduce_max3A_610[15] : i32 from vector<16xi32>
    %mul3A_612 = arith.constant 0 : i32
    %mul3A_613 = vector.broadcast %mul3A_612 : i32 to vector<16xi32>
    %mul3A_614 = arith.muli %iota3A, %mul3A_613 : vector<16xi32>
    %add3A_615 = vector.broadcast %reduce_max3A_611 : i32 to vector<16xi32>
    %add3A_616 = arith.addi %mul3A_614, %add3A_615 : vector<16xi32>
    %add3A_617 = arith.constant 1 : i32
    %add3A_618 = vector.broadcast %add3A_617 : i32 to vector<16xi32>
    %add3A_619 = arith.addi %add3A_616, %add3A_618 : vector<16xi32>
    %eq3A_620 = arith.cmpi eq, %iota3A, %add3A_619 : vector<16xi32>
    %jit3A_621 = arith.constant 0 : i32
    %broadcast_in_dim3A_622 = vector.broadcast %jit3A_621 : i32 to vector<16xi32>
    %select_n3A_623 = arith.select %eq3A_620, %add3A_598, %broadcast_in_dim3A_622 : vector<16xi1>, vector<16xi32>
    %reduce_max3A_624 = arith.constant true
    %reduce_max3A_625 = vector.broadcast %reduce_max3A_624 : i1 to vector<16xi1>
    %reduce_max3A_626 = arith.constant -2147483648 : i32
    %reduce_max3A_627 = vector.broadcast %reduce_max3A_626 : i32 to vector<16xi32>
    %reduce_max3A_628 = arith.xori %select_n3A_623, %reduce_max3A_627 : vector<16xi32>
    %reduce_max3A_629 = tpu.scan <max>, %reduce_max3A_628 masked %reduce_max3A_625 : vector<16xi32>, vector<16xi1> -> vector<16xi32>
    %reduce_max3A_630 = arith.xori %reduce_max3A_629, %reduce_max3A_627 : vector<16xi32>
    %reduce_max3A_631 = vector.extract %reduce_max3A_630[15] : i32 from vector<16xi32>
    %eq3A_632 = arith.constant 15 : i32
    %eq3A_633 = arith.cmpi eq, %reduce_max3A_611, %eq3A_632 : i32
    %select_n3A_634 = arith.select %eq3A_633, %select_n3A_580, %reduce_max3A_631 : i32
    %mul3A_635 = arith.constant 16 : i32
    %mul3A_636 = arith.muli %add3A_583, %mul3A_635 : i32
    %add3A_637 = arith.addi %mul3A_636, %reduce_max3A_611 : i32
    %sub3A_638 = arith.subi %sub3A_380, %select_n3A_634 : i32
    %shift_left3A_639 = arith.constant 10 : i32
    %shift_left3A_640 = arith.shli %add3A_379, %shift_left3A_639 : i32
    %or3A = arith.ori %shift_left3A_640, %add3A_637 : i32
    %shift_left3A_641 = arith.constant 10 : i32
    %shift_left3A_642 = arith.shli %or3A, %shift_left3A_641 : i32
    %parallel_loop3A_643 = arith.constant 0 : i32
    %parallel_loop3A_644 = arith.constant 2048 : i32
    %parallel_loop3A_645 = arith.constant 1 : i32
    %parallel_loop3A_646 = arith.constant 1024 : i32
    scf.for %parallel_loop3A_1842 = %parallel_loop3A_643 to %parallel_loop3A_644 step %parallel_loop3A_645  : i32 {
      %parallel_loop3A_1843 = arith.constant 16 : i32
      %parallel_loop3A_1844 = arith.muli %parallel_loop3A_1842, %parallel_loop3A_1843 : i32
      %parallel_loop3A_1845 = arith.constant 0 : i32
      %parallel_loop3A_1846 = arith.index_cast %parallel_loop3A_1845 : i32 to index
      %parallel_loop3A_1847 = arith.index_cast %parallel_loop3A_1844 : i32 to index
      %parallel_loop3A_1848 = tpu.vector_load %arg4[%parallel_loop3A_1846, %parallel_loop3A_1847] {strides = array<i32>} : memref<2x32768xf32, #tpu.memory_space<vmem>>, vector<16xf32>,
      %parallel_loop3A_1849 = tpu.bitcast %parallel_loop3A_1848 : vector<16xf32> -> vector<16xi32>
      %parallel_loop3A_1850 = arith.constant 2147483647 : i32
      %parallel_loop3A_1851 = vector.broadcast %parallel_loop3A_1850 : i32 to vector<16xi32>
      %parallel_loop3A_1852 = arith.andi %parallel_loop3A_1849, %parallel_loop3A_1851 : vector<16xi32>
      %parallel_loop3A_1853 = vector.broadcast %shift_left3A_642 : i32 to vector<16xi32>
      %parallel_loop3A_1854 = arith.subi %parallel_loop3A_1852, %parallel_loop3A_1853 : vector<16xi32>
      %parallel_loop3A_1855 = tpu.bitcast %parallel_loop3A_1854 : vector<16xi32> -> vector<16xi32>
      %parallel_loop3A_1856 = vector.broadcast %parallel_loop3A_646 : i32 to vector<16xi32>
      %parallel_loop3A_1857 = arith.cmpi ult, %parallel_loop3A_1855, %parallel_loop3A_1856 : vector<16xi32>
      %parallel_loop3A_1858 = arith.constant 0 : i32
      %parallel_loop3A_1859 = vector.broadcast %parallel_loop3A_1858 : i32 to vector<16xi32>
      %parallel_loop3A_1860 = arith.shrsi %parallel_loop3A_1854, %parallel_loop3A_1859 : vector<16xi32>
      tpu.vector_store_idx %arg5[%parallel_loop3A_1860], %broadcast_in_dim3A_32 masked %parallel_loop3A_1857 {add = true} : memref<2048xi32, #tpu.memory_space<vmem>>[vector<16xi32>], vector<16xi32>, vector<16xi1>
    } {sc.loop_unroll_factor = 8 : i64, sc.parallel_access}
    %parallel_loop3A_647 = arith.constant 0 : i32
    %parallel_loop3A_648 = arith.constant 64 : i32
    %parallel_loop3A_649 = arith.constant 1 : i32
    scf.for %parallel_loop3A_1842 = %parallel_loop3A_647 to %parallel_loop3A_648 step %parallel_loop3A_649  : i32 {
      %parallel_loop3A_1843 = arith.constant 16 : i32
      %parallel_loop3A_1844 = arith.muli %parallel_loop3A_1842, %parallel_loop3A_1843 : i32
      %parallel_loop3A_1845 = arith.index_cast %parallel_loop3A_1844 : i32 to index
      %parallel_loop3A_1846 = tpu.vector_load %arg5[%parallel_loop3A_1845] {strides = array<i32>} : memref<2048xi32, #tpu.memory_space<vmem>>, vector<16xi32>,
      %parallel_loop3A_1847 = arith.constant 16 : i32
      %parallel_loop3A_1848 = arith.muli %parallel_loop3A_1842, %parallel_loop3A_1847 : i32
      %parallel_loop3A_1849 = arith.index_cast %parallel_loop3A_1848 : i32 to index
      %parallel_loop3A_1850 = tpu.vector_load %arg5[%parallel_loop3A_1849] {strides = array<i32>} : memref<2048xi32, #tpu.memory_space<vmem>>, vector<16xi32>,
      tpu.vector_store %arg5[%parallel_loop3A_1849], %broadcast_in_dim3A_34 {strides = array<i32>} : memref<2048xi32, #tpu.memory_space<vmem>>, vector<16xi32>,
      %parallel_loop3A_1851 = arith.constant 15 : i32
      %parallel_loop3A_1852 = vector.broadcast %parallel_loop3A_1851 : i32 to vector<16xi32>
      %parallel_loop3A_1853 = tpu.iota {dimensions = array<i32: 0>} : vector<16xi32>
      %parallel_loop3A_1854 = arith.subi %parallel_loop3A_1852, %parallel_loop3A_1853 : vector<16xi32>
      %parallel_loop3A_1855 = tpu.dynamic_gather %parallel_loop3A_1846[%parallel_loop3A_1854] in [0] : vector<16xi32>, vector<16xi32> -> vector<16xi32>
      %parallel_loop3A_1856 = arith.constant true
      %parallel_loop3A_1857 = vector.broadcast %parallel_loop3A_1856 : i1 to vector<16xi1>
      %parallel_loop3A_1858 = tpu.scan <sum>, %parallel_loop3A_1855 masked %parallel_loop3A_1857 : vector<16xi32>, vector<16xi1> -> vector<16xi32>
      %parallel_loop3A_1859 = arith.constant 15 : i32
      %parallel_loop3A_1860 = vector.broadcast %parallel_loop3A_1859 : i32 to vector<16xi32>
      %parallel_loop3A_1861 = tpu.iota {dimensions = array<i32: 0>} : vector<16xi32>
      %parallel_loop3A_1862 = arith.subi %parallel_loop3A_1860, %parallel_loop3A_1861 : vector<16xi32>
      %parallel_loop3A_1863 = tpu.dynamic_gather %parallel_loop3A_1858[%parallel_loop3A_1862] in [0] : vector<16xi32>, vector<16xi32> -> vector<16xi32>
      %parallel_loop3A_1864 = arith.constant 16 : i32
      %parallel_loop3A_1865 = arith.muli %parallel_loop3A_1842, %parallel_loop3A_1864 : i32
      %parallel_loop3A_1866 = arith.index_cast %parallel_loop3A_1865 : i32 to index
      %parallel_loop3A_1867 = tpu.vector_load %arg6[%parallel_loop3A_1866] {strides = array<i32>} : memref<2048xi32, #tpu.memory_space<vmem>>, vector<16xi32>,
      tpu.vector_store %arg6[%parallel_loop3A_1866], %parallel_loop3A_1863 {strides = array<i32>} : memref<2048xi32, #tpu.memory_space<vmem>>, vector<16xi32>,
    } {sc.loop_unroll_factor = 4 : i64, sc.parallel_access}
    %add3A_650 = arith.constant 0 : i32
    %add3A_651 = vector.broadcast %add3A_650 : i32 to vector<16xi32>
    %add3A_652 = arith.addi %add3A_651, %iota3A : vector<16xi32>
    %mul3A_653 = arith.constant 16 : i32
    %mul3A_654 = vector.broadcast %mul3A_653 : i32 to vector<16xi32>
    %mul3A_655 = arith.muli %add3A_652, %mul3A_654 : vector<16xi32>
    %gather3A_656 = tpu.vector_load_idx %arg6[%mul3A_655] : memref<2048xi32, #tpu.memory_space<vmem>>[vector<16xi32>], vector<16xi32>,
    %rev3A_657 = arith.constant 15 : i32
    %rev3A_658 = vector.broadcast %rev3A_657 : i32 to vector<16xi32>
    %rev3A_659 = tpu.iota {dimensions = array<i32: 0>} : vector<16xi32>
    %rev3A_660 = arith.subi %rev3A_658, %rev3A_659 : vector<16xi32>
    %rev3A_661 = tpu.dynamic_gather %gather3A_656[%rev3A_660] in [0] : vector<16xi32>, vector<16xi32> -> vector<16xi32>
    %broadcast_in_dim3A_662 = arith.constant true
    %broadcast_in_dim3A_663 = vector.broadcast %broadcast_in_dim3A_662 : i1 to vector<16xi1>
    %masked_cumsum3A_664 = tpu.scan <sum>, %rev3A_661 masked %broadcast_in_dim3A_663 : vector<16xi32>, vector<16xi1> -> vector<16xi32>
    %rev3A_665 = arith.constant 15 : i32
    %rev3A_666 = vector.broadcast %rev3A_665 : i32 to vector<16xi32>
    %rev3A_667 = tpu.iota {dimensions = array<i32: 0>} : vector<16xi32>
    %rev3A_668 = arith.subi %rev3A_666, %rev3A_667 : vector<16xi32>
    %rev3A_669 = tpu.dynamic_gather %masked_cumsum3A_664[%rev3A_668] in [0] : vector<16xi32>, vector<16xi32> -> vector<16xi32>
    %swap3A_670 = arith.constant 0 : index
    %swap3A_671 = tpu.vector_load %arg7[%swap3A_670] {strides = array<i32>} : memref<256xi32, #tpu.memory_space<vmem>>, vector<16xi32>,
    tpu.vector_store %arg7[%swap3A_670], %rev3A_669 {strides = array<i32>} : memref<256xi32, #tpu.memory_space<vmem>>, vector<16xi32>,
    %add3A_672 = arith.constant 16 : i32
    %add3A_673 = vector.broadcast %add3A_672 : i32 to vector<16xi32>
    %add3A_674 = arith.addi %add3A_673, %iota3A : vector<16xi32>
    %mul3A_675 = arith.constant 16 : i32
    %mul3A_676 = vector.broadcast %mul3A_675 : i32 to vector<16xi32>
    %mul3A_677 = arith.muli %add3A_674, %mul3A_676 : vector<16xi32>
    %gather3A_678 = tpu.vector_load_idx %arg6[%mul3A_677] : memref<2048xi32, #tpu.memory_space<vmem>>[vector<16xi32>], vector<16xi32>,
    %rev3A_679 = arith.constant 15 : i32
    %rev3A_680 = vector.broadcast %rev3A_679 : i32 to vector<16xi32>
    %rev3A_681 = tpu.iota {dimensions = array<i32: 0>} : vector<16xi32>
    %rev3A_682 = arith.subi %rev3A_680, %rev3A_681 : vector<16xi32>
    %rev3A_683 = tpu.dynamic_gather %gather3A_678[%rev3A_682] in [0] : vector<16xi32>, vector<16xi32> -> vector<16xi32>
    %broadcast_in_dim3A_684 = arith.constant true
    %broadcast_in_dim3A_685 = vector.broadcast %broadcast_in_dim3A_684 : i1 to vector<16xi1>
    %masked_cumsum3A_686 = tpu.scan <sum>, %rev3A_683 masked %broadcast_in_dim3A_685 : vector<16xi32>, vector<16xi1> -> vector<16xi32>
    %rev3A_687 = arith.constant 15 : i32
    %rev3A_688 = vector.broadcast %rev3A_687 : i32 to vector<16xi32>
    %rev3A_689 = tpu.iota {dimensions = array<i32: 0>} : vector<16xi32>
    %rev3A_690 = arith.subi %rev3A_688, %rev3A_689 : vector<16xi32>
    %rev3A_691 = tpu.dynamic_gather %masked_cumsum3A_686[%rev3A_690] in [0] : vector<16xi32>, vector<16xi32> -> vector<16xi32>
    %swap3A_692 = arith.constant 16 : index
    %swap3A_693 = tpu.vector_load %arg7[%swap3A_692] {strides = array<i32>} : memref<256xi32, #tpu.memory_space<vmem>>, vector<16xi32>,
    tpu.vector_store %arg7[%swap3A_692], %rev3A_691 {strides = array<i32>} : memref<256xi32, #tpu.memory_space<vmem>>, vector<16xi32>,
    %add3A_694 = arith.constant 32 : i32
    %add3A_695 = vector.broadcast %add3A_694 : i32 to vector<16xi32>
    %add3A_696 = arith.addi %add3A_695, %iota3A : vector<16xi32>
    %mul3A_697 = arith.constant 16 : i32
    %mul3A_698 = vector.broadcast %mul3A_697 : i32 to vector<16xi32>
    %mul3A_699 = arith.muli %add3A_696, %mul3A_698 : vector<16xi32>
    %gather3A_700 = tpu.vector_load_idx %arg6[%mul3A_699] : memref<2048xi32, #tpu.memory_space<vmem>>[vector<16xi32>], vector<16xi32>,
    %rev3A_701 = arith.constant 15 : i32
    %rev3A_702 = vector.broadcast %rev3A_701 : i32 to vector<16xi32>
    %rev3A_703 = tpu.iota {dimensions = array<i32: 0>} : vector<16xi32>
    %rev3A_704 = arith.subi %rev3A_702, %rev3A_703 : vector<16xi32>
    %rev3A_705 = tpu.dynamic_gather %gather3A_700[%rev3A_704] in [0] : vector<16xi32>, vector<16xi32> -> vector<16xi32>
    %broadcast_in_dim3A_706 = arith.constant true
    %broadcast_in_dim3A_707 = vector.broadcast %broadcast_in_dim3A_706 : i1 to vector<16xi1>
    %masked_cumsum3A_708 = tpu.scan <sum>, %rev3A_705 masked %broadcast_in_dim3A_707 : vector<16xi32>, vector<16xi1> -> vector<16xi32>
    %rev3A_709 = arith.constant 15 : i32
    %rev3A_710 = vector.broadcast %rev3A_709 : i32 to vector<16xi32>
    %rev3A_711 = tpu.iota {dimensions = array<i32: 0>} : vector<16xi32>
    %rev3A_712 = arith.subi %rev3A_710, %rev3A_711 : vector<16xi32>
    %rev3A_713 = tpu.dynamic_gather %masked_cumsum3A_708[%rev3A_712] in [0] : vector<16xi32>, vector<16xi32> -> vector<16xi32>
    %swap3A_714 = arith.constant 32 : index
    %swap3A_715 = tpu.vector_load %arg7[%swap3A_714] {strides = array<i32>} : memref<256xi32, #tpu.memory_space<vmem>>, vector<16xi32>,
    tpu.vector_store %arg7[%swap3A_714], %rev3A_713 {strides = array<i32>} : memref<256xi32, #tpu.memory_space<vmem>>, vector<16xi32>,
    %add3A_716 = arith.constant 48 : i32
    %add3A_717 = vector.broadcast %add3A_716 : i32 to vector<16xi32>
    %add3A_718 = arith.addi %add3A_717, %iota3A : vector<16xi32>
    %mul3A_719 = arith.constant 16 : i32
    %mul3A_720 = vector.broadcast %mul3A_719 : i32 to vector<16xi32>
    %mul3A_721 = arith.muli %add3A_718, %mul3A_720 : vector<16xi32>
    %gather3A_722 = tpu.vector_load_idx %arg6[%mul3A_721] : memref<2048xi32, #tpu.memory_space<vmem>>[vector<16xi32>], vector<16xi32>,
    %rev3A_723 = arith.constant 15 : i32
    %rev3A_724 = vector.broadcast %rev3A_723 : i32 to vector<16xi32>
    %rev3A_725 = tpu.iota {dimensions = array<i32: 0>} : vector<16xi32>
    %rev3A_726 = arith.subi %rev3A_724, %rev3A_725 : vector<16xi32>
    %rev3A_727 = tpu.dynamic_gather %gather3A_722[%rev3A_726] in [0] : vector<16xi32>, vector<16xi32> -> vector<16xi32>
    %broadcast_in_dim3A_728 = arith.constant true
    %broadcast_in_dim3A_729 = vector.broadcast %broadcast_in_dim3A_728 : i1 to vector<16xi1>
    %masked_cumsum3A_730 = tpu.scan <sum>, %rev3A_727 masked %broadcast_in_dim3A_729 : vector<16xi32>, vector<16xi1> -> vector<16xi32>
    %rev3A_731 = arith.constant 15 : i32
    %rev3A_732 = vector.broadcast %rev3A_731 : i32 to vector<16xi32>
    %rev3A_733 = tpu.iota {dimensions = array<i32: 0>} : vector<16xi32>
    %rev3A_734 = arith.subi %rev3A_732, %rev3A_733 : vector<16xi32>
    %rev3A_735 = tpu.dynamic_gather %masked_cumsum3A_730[%rev3A_734] in [0] : vector<16xi32>, vector<16xi32> -> vector<16xi32>
    %swap3A_736 = arith.constant 48 : index
    %swap3A_737 = tpu.vector_load %arg7[%swap3A_736] {strides = array<i32>} : memref<256xi32, #tpu.memory_space<vmem>>, vector<16xi32>,
    tpu.vector_store %arg7[%swap3A_736], %rev3A_735 {strides = array<i32>} : memref<256xi32, #tpu.memory_space<vmem>>, vector<16xi32>,
    %swap3A_738 = arith.constant 64 : index
    %swap3A_739 = tpu.vector_load %arg7[%swap3A_738] {strides = array<i32>} : memref<256xi32, #tpu.memory_space<vmem>>, vector<16xi32>,
    tpu.vector_store %arg7[%swap3A_738], %broadcast_in_dim3A_34 {strides = array<i32>} : memref<256xi32, #tpu.memory_space<vmem>>, vector<16xi32>,
    %swap3A_740 = arith.constant 80 : index
    %swap3A_741 = tpu.vector_load %arg7[%swap3A_740] {strides = array<i32>} : memref<256xi32, #tpu.memory_space<vmem>>, vector<16xi32>,
    tpu.vector_store %arg7[%swap3A_740], %broadcast_in_dim3A_34 {strides = array<i32>} : memref<256xi32, #tpu.memory_space<vmem>>, vector<16xi32>,
    %swap3A_742 = arith.constant 96 : index
    %swap3A_743 = tpu.vector_load %arg7[%swap3A_742] {strides = array<i32>} : memref<256xi32, #tpu.memory_space<vmem>>, vector<16xi32>,
    tpu.vector_store %arg7[%swap3A_742], %broadcast_in_dim3A_34 {strides = array<i32>} : memref<256xi32, #tpu.memory_space<vmem>>, vector<16xi32>,
    %swap3A_744 = arith.constant 112 : index
    %swap3A_745 = tpu.vector_load %arg7[%swap3A_744] {strides = array<i32>} : memref<256xi32, #tpu.memory_space<vmem>>, vector<16xi32>,
    tpu.vector_store %arg7[%swap3A_744], %broadcast_in_dim3A_34 {strides = array<i32>} : memref<256xi32, #tpu.memory_space<vmem>>, vector<16xi32>,
    %mul3A_746 = arith.constant 16 : i32
    %mul3A_747 = vector.broadcast %mul3A_746 : i32 to vector<16xi32>
    %mul3A_748 = arith.muli %iota3A, %mul3A_747 : vector<16xi32>
    %gather3A_749 = tpu.vector_load_idx %arg7[%mul3A_748] : memref<256xi32, #tpu.memory_space<vmem>>[vector<16xi32>], vector<16xi32>,
    %rev3A_750 = arith.constant 15 : i32
    %rev3A_751 = vector.broadcast %rev3A_750 : i32 to vector<16xi32>
    %rev3A_752 = tpu.iota {dimensions = array<i32: 0>} : vector<16xi32>
    %rev3A_753 = arith.subi %rev3A_751, %rev3A_752 : vector<16xi32>
    %rev3A_754 = tpu.dynamic_gather %gather3A_749[%rev3A_753] in [0] : vector<16xi32>, vector<16xi32> -> vector<16xi32>
    %broadcast_in_dim3A_755 = arith.constant true
    %broadcast_in_dim3A_756 = vector.broadcast %broadcast_in_dim3A_755 : i1 to vector<16xi1>
    %masked_cumsum3A_757 = tpu.scan <sum>, %rev3A_754 masked %broadcast_in_dim3A_756 : vector<16xi32>, vector<16xi1> -> vector<16xi32>
    %rev3A_758 = arith.constant 15 : i32
    %rev3A_759 = vector.broadcast %rev3A_758 : i32 to vector<16xi32>
    %rev3A_760 = tpu.iota {dimensions = array<i32: 0>} : vector<16xi32>
    %rev3A_761 = arith.subi %rev3A_759, %rev3A_760 : vector<16xi32>
    %rev3A_762 = tpu.dynamic_gather %masked_cumsum3A_757[%rev3A_761] in [0] : vector<16xi32>, vector<16xi32> -> vector<16xi32>
    %ge3A_763 = vector.broadcast %sub3A_638 : i32 to vector<16xi32>
    %ge3A_764 = arith.cmpi sge, %rev3A_762, %ge3A_763 : vector<16xi32>
    %jit3A_765 = arith.constant -1 : i32
    %broadcast_in_dim3A_766 = vector.broadcast %jit3A_765 : i32 to vector<16xi32>
    %select_n3A_767 = arith.select %ge3A_764, %iota3A, %broadcast_in_dim3A_766 : vector<16xi1>, vector<16xi32>
    %reduce_max3A_768 = arith.constant true
    %reduce_max3A_769 = vector.broadcast %reduce_max3A_768 : i1 to vector<16xi1>
    %reduce_max3A_770 = arith.constant -2147483648 : i32
    %reduce_max3A_771 = vector.broadcast %reduce_max3A_770 : i32 to vector<16xi32>
    %reduce_max3A_772 = arith.xori %select_n3A_767, %reduce_max3A_771 : vector<16xi32>
    %reduce_max3A_773 = tpu.scan <max>, %reduce_max3A_772 masked %reduce_max3A_769 : vector<16xi32>, vector<16xi1> -> vector<16xi32>
    %reduce_max3A_774 = arith.xori %reduce_max3A_773, %reduce_max3A_771 : vector<16xi32>
    %reduce_max3A_775 = vector.extract %reduce_max3A_774[15] : i32 from vector<16xi32>
    %mul3A_776 = arith.constant 0 : i32
    %mul3A_777 = vector.broadcast %mul3A_776 : i32 to vector<16xi32>
    %mul3A_778 = arith.muli %iota3A, %mul3A_777 : vector<16xi32>
    %add3A_779 = vector.broadcast %reduce_max3A_775 : i32 to vector<16xi32>
    %add3A_780 = arith.addi %mul3A_778, %add3A_779 : vector<16xi32>
    %add3A_781 = arith.constant 1 : i32
    %add3A_782 = vector.broadcast %add3A_781 : i32 to vector<16xi32>
    %add3A_783 = arith.addi %add3A_780, %add3A_782 : vector<16xi32>
    %eq3A_784 = arith.cmpi eq, %iota3A, %add3A_783 : vector<16xi32>
    %jit3A_785 = arith.constant 0 : i32
    %broadcast_in_dim3A_786 = vector.broadcast %jit3A_785 : i32 to vector<16xi32>
    %select_n3A_787 = arith.select %eq3A_784, %rev3A_762, %broadcast_in_dim3A_786 : vector<16xi1>, vector<16xi32>
    %reduce_max3A_788 = arith.constant true
    %reduce_max3A_789 = vector.broadcast %reduce_max3A_788 : i1 to vector<16xi1>
    %reduce_max3A_790 = arith.constant -2147483648 : i32
    %reduce_max3A_791 = vector.broadcast %reduce_max3A_790 : i32 to vector<16xi32>
    %reduce_max3A_792 = arith.xori %select_n3A_787, %reduce_max3A_791 : vector<16xi32>
    %reduce_max3A_793 = tpu.scan <max>, %reduce_max3A_792 masked %reduce_max3A_789 : vector<16xi32>, vector<16xi1> -> vector<16xi32>
    %reduce_max3A_794 = arith.xori %reduce_max3A_793, %reduce_max3A_791 : vector<16xi32>
    %reduce_max3A_795 = vector.extract %reduce_max3A_794[15] : i32 from vector<16xi32>
    %max3A_796 = arith.constant 0 : i32
    %max3A_797 = vector.broadcast %max3A_796 : i32 to vector<16xi32>
    %max3A_798 = arith.maxsi %add3A_780, %max3A_797 : vector<16xi32>
    %mul3A_799 = arith.constant 16 : i32
    %mul3A_800 = vector.broadcast %mul3A_799 : i32 to vector<16xi32>
    %mul3A_801 = arith.muli %max3A_798, %mul3A_800 : vector<16xi32>
    %add3A_802 = arith.addi %mul3A_801, %iota3A : vector<16xi32>
    %gather3A_803 = tpu.vector_load_idx %arg7[%add3A_802] : memref<256xi32, #tpu.memory_space<vmem>>[vector<16xi32>], vector<16xi32>,
    %add3A_804 = vector.broadcast %reduce_max3A_795 : i32 to vector<16xi32>
    %add3A_805 = arith.addi %gather3A_803, %add3A_804 : vector<16xi32>
    %ge3A_806 = vector.broadcast %sub3A_638 : i32 to vector<16xi32>
    %ge3A_807 = arith.cmpi sge, %add3A_805, %ge3A_806 : vector<16xi32>
    %jit3A_808 = arith.constant -1 : i32
    %broadcast_in_dim3A_809 = vector.broadcast %jit3A_808 : i32 to vector<16xi32>
    %select_n3A_810 = arith.select %ge3A_807, %iota3A, %broadcast_in_dim3A_809 : vector<16xi1>, vector<16xi32>
    %reduce_max3A_811 = arith.constant true
    %reduce_max3A_812 = vector.broadcast %reduce_max3A_811 : i1 to vector<16xi1>
    %reduce_max3A_813 = arith.constant -2147483648 : i32
    %reduce_max3A_814 = vector.broadcast %reduce_max3A_813 : i32 to vector<16xi32>
    %reduce_max3A_815 = arith.xori %select_n3A_810, %reduce_max3A_814 : vector<16xi32>
    %reduce_max3A_816 = tpu.scan <max>, %reduce_max3A_815 masked %reduce_max3A_812 : vector<16xi32>, vector<16xi1> -> vector<16xi32>
    %reduce_max3A_817 = arith.xori %reduce_max3A_816, %reduce_max3A_814 : vector<16xi32>
    %reduce_max3A_818 = vector.extract %reduce_max3A_817[15] : i32 from vector<16xi32>
    %mul3A_819 = arith.constant 0 : i32
    %mul3A_820 = vector.broadcast %mul3A_819 : i32 to vector<16xi32>
    %mul3A_821 = arith.muli %iota3A, %mul3A_820 : vector<16xi32>
    %add3A_822 = vector.broadcast %reduce_max3A_818 : i32 to vector<16xi32>
    %add3A_823 = arith.addi %mul3A_821, %add3A_822 : vector<16xi32>
    %add3A_824 = arith.constant 1 : i32
    %add3A_825 = vector.broadcast %add3A_824 : i32 to vector<16xi32>
    %add3A_826 = arith.addi %add3A_823, %add3A_825 : vector<16xi32>
    %eq3A_827 = arith.cmpi eq, %iota3A, %add3A_826 : vector<16xi32>
    %jit3A_828 = arith.constant 0 : i32
    %broadcast_in_dim3A_829 = vector.broadcast %jit3A_828 : i32 to vector<16xi32>
    %select_n3A_830 = arith.select %eq3A_827, %add3A_805, %broadcast_in_dim3A_829 : vector<16xi1>, vector<16xi32>
    %reduce_max3A_831 = arith.constant true
    %reduce_max3A_832 = vector.broadcast %reduce_max3A_831 : i1 to vector<16xi1>
    %reduce_max3A_833 = arith.constant -2147483648 : i32
    %reduce_max3A_834 = vector.broadcast %reduce_max3A_833 : i32 to vector<16xi32>
    %reduce_max3A_835 = arith.xori %select_n3A_830, %reduce_max3A_834 : vector<16xi32>
    %reduce_max3A_836 = tpu.scan <max>, %reduce_max3A_835 masked %reduce_max3A_832 : vector<16xi32>, vector<16xi1> -> vector<16xi32>
    %reduce_max3A_837 = arith.xori %reduce_max3A_836, %reduce_max3A_834 : vector<16xi32>
    %reduce_max3A_838 = vector.extract %reduce_max3A_837[15] : i32 from vector<16xi32>
    %eq3A_839 = arith.constant 15 : i32
    %eq3A_840 = arith.cmpi eq, %reduce_max3A_818, %eq3A_839 : i32
    %select_n3A_841 = arith.select %eq3A_840, %reduce_max3A_795, %reduce_max3A_838 : i32
    %mul3A_842 = arith.constant 16 : i32
    %mul3A_843 = arith.muli %reduce_max3A_775, %mul3A_842 : i32
    %add3A_844 = arith.addi %mul3A_843, %reduce_max3A_818 : i32
    %mul3A_845 = arith.constant 0 : i32
    %mul3A_846 = vector.broadcast %mul3A_845 : i32 to vector<16xi32>
    %mul3A_847 = arith.muli %iota3A, %mul3A_846 : vector<16xi32>
    %add3A_848 = vector.broadcast %add3A_844 : i32 to vector<16xi32>
    %add3A_849 = arith.addi %mul3A_847, %add3A_848 : vector<16xi32>
    %max3A_850 = arith.constant 0 : i32
    %max3A_851 = vector.broadcast %max3A_850 : i32 to vector<16xi32>
    %max3A_852 = arith.maxsi %add3A_849, %max3A_851 : vector<16xi32>
    %mul3A_853 = arith.constant 16 : i32
    %mul3A_854 = vector.broadcast %mul3A_853 : i32 to vector<16xi32>
    %mul3A_855 = arith.muli %max3A_852, %mul3A_854 : vector<16xi32>
    %add3A_856 = arith.addi %mul3A_855, %iota3A : vector<16xi32>
    %gather3A_857 = tpu.vector_load_idx %arg6[%add3A_856] : memref<2048xi32, #tpu.memory_space<vmem>>[vector<16xi32>], vector<16xi32>,
    %add3A_858 = vector.broadcast %select_n3A_841 : i32 to vector<16xi32>
    %add3A_859 = arith.addi %gather3A_857, %add3A_858 : vector<16xi32>
    %ge3A_860 = vector.broadcast %sub3A_638 : i32 to vector<16xi32>
    %ge3A_861 = arith.cmpi sge, %add3A_859, %ge3A_860 : vector<16xi32>
    %jit3A_862 = arith.constant -1 : i32
    %broadcast_in_dim3A_863 = vector.broadcast %jit3A_862 : i32 to vector<16xi32>
    %select_n3A_864 = arith.select %ge3A_861, %iota3A, %broadcast_in_dim3A_863 : vector<16xi1>, vector<16xi32>
    %reduce_max3A_865 = arith.constant true
    %reduce_max3A_866 = vector.broadcast %reduce_max3A_865 : i1 to vector<16xi1>
    %reduce_max3A_867 = arith.constant -2147483648 : i32
    %reduce_max3A_868 = vector.broadcast %reduce_max3A_867 : i32 to vector<16xi32>
    %reduce_max3A_869 = arith.xori %select_n3A_864, %reduce_max3A_868 : vector<16xi32>
    %reduce_max3A_870 = tpu.scan <max>, %reduce_max3A_869 masked %reduce_max3A_866 : vector<16xi32>, vector<16xi1> -> vector<16xi32>
    %reduce_max3A_871 = arith.xori %reduce_max3A_870, %reduce_max3A_868 : vector<16xi32>
    %reduce_max3A_872 = vector.extract %reduce_max3A_871[15] : i32 from vector<16xi32>
    %mul3A_873 = arith.constant 0 : i32
    %mul3A_874 = vector.broadcast %mul3A_873 : i32 to vector<16xi32>
    %mul3A_875 = arith.muli %iota3A, %mul3A_874 : vector<16xi32>
    %add3A_876 = vector.broadcast %reduce_max3A_872 : i32 to vector<16xi32>
    %add3A_877 = arith.addi %mul3A_875, %add3A_876 : vector<16xi32>
    %add3A_878 = arith.constant 1 : i32
    %add3A_879 = vector.broadcast %add3A_878 : i32 to vector<16xi32>
    %add3A_880 = arith.addi %add3A_877, %add3A_879 : vector<16xi32>
    %eq3A_881 = arith.cmpi eq, %iota3A, %add3A_880 : vector<16xi32>
    %jit3A_882 = arith.constant 0 : i32
    %broadcast_in_dim3A_883 = vector.broadcast %jit3A_882 : i32 to vector<16xi32>
    %select_n3A_884 = arith.select %eq3A_881, %add3A_859, %broadcast_in_dim3A_883 : vector<16xi1>, vector<16xi32>
    %reduce_max3A_885 = arith.constant true
    %reduce_max3A_886 = vector.broadcast %reduce_max3A_885 : i1 to vector<16xi1>
    %reduce_max3A_887 = arith.constant -2147483648 : i32
    %reduce_max3A_888 = vector.broadcast %reduce_max3A_887 : i32 to vector<16xi32>
    %reduce_max3A_889 = arith.xori %select_n3A_884, %reduce_max3A_888 : vector<16xi32>
    %reduce_max3A_890 = tpu.scan <max>, %reduce_max3A_889 masked %reduce_max3A_886 : vector<16xi32>, vector<16xi1> -> vector<16xi32>
    %reduce_max3A_891 = arith.xori %reduce_max3A_890, %reduce_max3A_888 : vector<16xi32>
    %reduce_max3A_892 = vector.extract %reduce_max3A_891[15] : i32 from vector<16xi32>
    %eq3A_893 = arith.constant 15 : i32
    %eq3A_894 = arith.cmpi eq, %reduce_max3A_872, %eq3A_893 : i32
    %select_n3A_895 = arith.select %eq3A_894, %select_n3A_841, %reduce_max3A_892 : i32
    %mul3A_896 = arith.constant 16 : i32
    %mul3A_897 = arith.muli %add3A_844, %mul3A_896 : i32
    %add3A_898 = arith.addi %mul3A_897, %reduce_max3A_872 : i32
    %sub3A_899 = arith.subi %sub3A_638, %select_n3A_895 : i32
    %shift_left3A_900 = arith.constant 10 : i32
    %shift_left3A_901 = arith.shli %or3A, %shift_left3A_900 : i32
    %or3A_902 = arith.ori %shift_left3A_901, %add3A_898 : i32
    %parallel_loop3A_903 = arith.constant 0 : i32
    %parallel_loop3A_904 = arith.constant 2048 : i32
    %parallel_loop3A_905 = arith.constant 1 : i32
    scf.for %parallel_loop3A_1842 = %parallel_loop3A_903 to %parallel_loop3A_904 step %parallel_loop3A_905  : i32 {
      %parallel_loop3A_1843 = arith.constant 16 : i32
      %parallel_loop3A_1844 = arith.muli %parallel_loop3A_1842, %parallel_loop3A_1843 : i32
      %parallel_loop3A_1845 = arith.constant 0 : i32
      %parallel_loop3A_1846 = arith.index_cast %parallel_loop3A_1845 : i32 to index
      %parallel_loop3A_1847 = arith.index_cast %parallel_loop3A_1844 : i32 to index
      %parallel_loop3A_1848 = tpu.vector_load %arg4[%parallel_loop3A_1846, %parallel_loop3A_1847] {strides = array<i32>} : memref<2x32768xf32, #tpu.memory_space<vmem>>, vector<16xf32>,
      %parallel_loop3A_1849 = tpu.bitcast %parallel_loop3A_1848 : vector<16xf32> -> vector<16xi32>
      %parallel_loop3A_1850 = arith.constant 2147483647 : i32
      %parallel_loop3A_1851 = vector.broadcast %parallel_loop3A_1850 : i32 to vector<16xi32>
      %parallel_loop3A_1852 = arith.andi %parallel_loop3A_1849, %parallel_loop3A_1851 : vector<16xi32>
      %parallel_loop3A_1853 = vector.broadcast %or3A_902 : i32 to vector<16xi32>
      %parallel_loop3A_1854 = arith.cmpi sge, %parallel_loop3A_1852, %parallel_loop3A_1853 : vector<16xi32>
      %parallel_loop3A_1855 = arith.constant 0.000000e+00 : f32
      %parallel_loop3A_1856 = vector.broadcast %parallel_loop3A_1855 : f32 to vector<16xf32>
      %parallel_loop3A_1857 = arith.select %parallel_loop3A_1854, %parallel_loop3A_1848, %parallel_loop3A_1856 : vector<16xi1>, vector<16xf32>
      %parallel_loop3A_1858 = arith.constant 16 : i32
      %parallel_loop3A_1859 = arith.muli %parallel_loop3A_1842, %parallel_loop3A_1858 : i32
      %parallel_loop3A_1860 = arith.constant 0 : i32
      %parallel_loop3A_1861 = arith.index_cast %parallel_loop3A_1860 : i32 to index
      %parallel_loop3A_1862 = arith.index_cast %parallel_loop3A_1859 : i32 to index
      %parallel_loop3A_1863 = tpu.vector_load %arg4[%parallel_loop3A_1861, %parallel_loop3A_1862] {strides = array<i32>} : memref<2x32768xf32, #tpu.memory_space<vmem>>, vector<16xf32>,
      tpu.vector_store %arg4[%parallel_loop3A_1861, %parallel_loop3A_1862], %parallel_loop3A_1857 {strides = array<i32>} : memref<2x32768xf32, #tpu.memory_space<vmem>>, vector<16xf32>,
    } {sc.loop_unroll_factor = 8 : i64, sc.parallel_access}
    %add3A_906 = arith.constant 0 : i32
    %add3A_907 = arith.addi %mul3A_2, %add3A_906 : i32
    %dma_start3A_908 = arith.constant 0 : i32
    %dma_start3A_909 = arith.constant 0 : i32
    %dma_start3A_910 = tpu.memref_slice %arg4[%dma_start3A_908, %dma_start3A_909] : memref<2x32768xf32, #tpu.memory_space<vmem>> -> memref<1x32768xf32, #tpu.memory_space<vmem>>
    %dma_start3A_911 = tpu.memref_squeeze %dma_start3A_910 : memref<1x32768xf32, #tpu.memory_space<vmem>> -> memref<32768xf32, #tpu.memory_space<vmem>>
    %dma_start3A_912 = arith.constant 0 : i32
    %dma_start3A_913 = tpu.memref_slice %arg3[%add3A_907, %dma_start3A_912] : memref<64x32768xf32, #tpu.memory_space<hbm>> -> memref<1x32768xf32, #tpu.memory_space<hbm>>
    %dma_start3A_914 = tpu.memref_squeeze %dma_start3A_913 : memref<1x32768xf32, #tpu.memory_space<hbm>> -> memref<32768xf32, #tpu.memory_space<hbm>>
    %dma_start3A_915 = arith.constant 0 : i32
    %dma_start3A_916 = tpu.memref_slice %arg3[%add3A_907, %dma_start3A_915] : memref<64x32768xf32, #tpu.memory_space<hbm>> -> memref<1x32768xf32, #tpu.memory_space<hbm>>
    %dma_start3A_917 = tpu.memref_squeeze %dma_start3A_916 : memref<1x32768xf32, #tpu.memory_space<hbm>> -> memref<32768xf32, #tpu.memory_space<hbm>>
    %dma_start3A_918 = arith.constant 0 : i32
    %dma_start3A_919 = tpu.memref_slice %arg4[%dma_start3A_908, %dma_start3A_918] : memref<2x32768xf32, #tpu.memory_space<vmem>> -> memref<1x32768xf32, #tpu.memory_space<vmem>>
    %dma_start3A_920 = tpu.memref_squeeze %dma_start3A_919 : memref<1x32768xf32, #tpu.memory_space<vmem>> -> memref<32768xf32, #tpu.memory_space<vmem>>
    tpu.enqueue_dma source(%dma_start3A_920 : memref<32768xf32, #tpu.memory_space<vmem>>) target(%dma_start3A_917 : memref<32768xf32, #tpu.memory_space<hbm>>) target_semaphore(%arg10 : memref<!tpu.dma_semaphore, #tpu.memory_space<semaphore_mem>>)
    %dma_wait3A_921 = arith.constant 1 : i32
    %dma_wait3A_922 = arith.constant 0 : i32
    %dma_wait3A_923 = tpu.memref_slice %arg4[%dma_wait3A_921, %dma_wait3A_922] : memref<2x32768xf32, #tpu.memory_space<vmem>> -> memref<1x32768xf32, #tpu.memory_space<vmem>>
    %dma_wait3A_924 = tpu.memref_squeeze %dma_wait3A_923 : memref<1x32768xf32, #tpu.memory_space<vmem>> -> memref<32768xf32, #tpu.memory_space<vmem>>
    %dma_wait3A_925 = arith.constant 0 : i32
    %dma_wait3A_926 = tpu.memref_slice %arg2[%add3A_18, %dma_wait3A_925] : memref<64x32768xf32, #tpu.memory_space<hbm>> -> memref<1x32768xf32, #tpu.memory_space<hbm>>
    %dma_wait3A_927 = tpu.memref_squeeze %dma_wait3A_926 : memref<1x32768xf32, #tpu.memory_space<hbm>> -> memref<32768xf32, #tpu.memory_space<hbm>>
    %dma_wait3A_928 = arith.constant 0 : i32
    %dma_wait3A_929 = tpu.memref_slice %arg4[%dma_wait3A_921, %dma_wait3A_928] : memref<2x32768xf32, #tpu.memory_space<vmem>> -> memref<1x32768xf32, #tpu.memory_space<vmem>>
    %dma_wait3A_930 = tpu.memref_squeeze %dma_wait3A_929 : memref<1x32768xf32, #tpu.memory_space<vmem>> -> memref<32768xf32, #tpu.memory_space<vmem>>
    %dma_wait3A_931 = arith.constant 0 : i32
    %dma_wait3A_932 = tpu.memref_slice %arg2[%add3A_18, %dma_wait3A_931] : memref<64x32768xf32, #tpu.memory_space<hbm>> -> memref<1x32768xf32, #tpu.memory_space<hbm>>
    %dma_wait3A_933 = tpu.memref_squeeze %dma_wait3A_932 : memref<1x32768xf32, #tpu.memory_space<hbm>> -> memref<32768xf32, #tpu.memory_space<hbm>>
    tpu.wait_dma2 semaphore(%arg9 : memref<!tpu.dma_semaphore, #tpu.memory_space<semaphore_mem>>) src(%dma_wait3A_933 : memref<32768xf32, #tpu.memory_space<hbm>>) dst(%dma_wait3A_930 : memref<32768xf32, #tpu.memory_space<vmem>>)
    %parallel_loop3A_934 = arith.constant 0 : i32
    %parallel_loop3A_935 = arith.constant 2048 : i32
    %parallel_loop3A_936 = arith.constant 1 : i32
    scf.for %parallel_loop3A_1842 = %parallel_loop3A_934 to %parallel_loop3A_935 step %parallel_loop3A_936  : i32 {
      %parallel_loop3A_1843 = arith.constant 16 : i32
      %parallel_loop3A_1844 = arith.muli %parallel_loop3A_1842, %parallel_loop3A_1843 : i32
      %parallel_loop3A_1845 = arith.constant 1 : i32
      %parallel_loop3A_1846 = arith.index_cast %parallel_loop3A_1845 : i32 to index
      %parallel_loop3A_1847 = arith.index_cast %parallel_loop3A_1844 : i32 to index
      %parallel_loop3A_1848 = tpu.vector_load %arg4[%parallel_loop3A_1846, %parallel_loop3A_1847] {strides = array<i32>} : memref<2x32768xf32, #tpu.memory_space<vmem>>, vector<16xf32>,
      %parallel_loop3A_1849 = tpu.bitcast %parallel_loop3A_1848 : vector<16xf32> -> vector<16xi32>
      %parallel_loop3A_1850 = arith.constant 2147483647 : i32
      %parallel_loop3A_1851 = vector.broadcast %parallel_loop3A_1850 : i32 to vector<16xi32>
      %parallel_loop3A_1852 = arith.andi %parallel_loop3A_1849, %parallel_loop3A_1851 : vector<16xi32>
      %parallel_loop3A_1853 = arith.constant 20 : i32
      %parallel_loop3A_1854 = vector.broadcast %parallel_loop3A_1853 : i32 to vector<16xi32>
      %parallel_loop3A_1855 = arith.shrsi %parallel_loop3A_1852, %parallel_loop3A_1854 : vector<16xi32>
      tpu.vector_store_idx %arg5[%parallel_loop3A_1855], %broadcast_in_dim3A_32 {add = true} : memref<2048xi32, #tpu.memory_space<vmem>>[vector<16xi32>], vector<16xi32>,
    } {sc.loop_unroll_factor = 8 : i64, sc.parallel_access}
    %parallel_loop3A_937 = arith.constant 0 : i32
    %parallel_loop3A_938 = arith.constant 128 : i32
    %parallel_loop3A_939 = arith.constant 1 : i32
    scf.for %parallel_loop3A_1842 = %parallel_loop3A_937 to %parallel_loop3A_938 step %parallel_loop3A_939  : i32 {
      %parallel_loop3A_1843 = arith.constant 16 : i32
      %parallel_loop3A_1844 = arith.muli %parallel_loop3A_1842, %parallel_loop3A_1843 : i32
      %parallel_loop3A_1845 = arith.index_cast %parallel_loop3A_1844 : i32 to index
      %parallel_loop3A_1846 = tpu.vector_load %arg5[%parallel_loop3A_1845] {strides = array<i32>} : memref<2048xi32, #tpu.memory_space<vmem>>, vector<16xi32>,
      %parallel_loop3A_1847 = arith.constant 16 : i32
      %parallel_loop3A_1848 = arith.muli %parallel_loop3A_1842, %parallel_loop3A_1847 : i32
      %parallel_loop3A_1849 = arith.index_cast %parallel_loop3A_1848 : i32 to index
      %parallel_loop3A_1850 = tpu.vector_load %arg5[%parallel_loop3A_1849] {strides = array<i32>} : memref<2048xi32, #tpu.memory_space<vmem>>, vector<16xi32>,
      tpu.vector_store %arg5[%parallel_loop3A_1849], %broadcast_in_dim3A_34 {strides = array<i32>} : memref<2048xi32, #tpu.memory_space<vmem>>, vector<16xi32>,
      %parallel_loop3A_1851 = arith.constant 15 : i32
      %parallel_loop3A_1852 = vector.broadcast %parallel_loop3A_1851 : i32 to vector<16xi32>
      %parallel_loop3A_1853 = tpu.iota {dimensions = array<i32: 0>} : vector<16xi32>
      %parallel_loop3A_1854 = arith.subi %parallel_loop3A_1852, %parallel_loop3A_1853 : vector<16xi32>
      %parallel_loop3A_1855 = tpu.dynamic_gather %parallel_loop3A_1846[%parallel_loop3A_1854] in [0] : vector<16xi32>, vector<16xi32> -> vector<16xi32>
      %parallel_loop3A_1856 = arith.constant true
      %parallel_loop3A_1857 = vector.broadcast %parallel_loop3A_1856 : i1 to vector<16xi1>
      %parallel_loop3A_1858 = tpu.scan <sum>, %parallel_loop3A_1855 masked %parallel_loop3A_1857 : vector<16xi32>, vector<16xi1> -> vector<16xi32>
      %parallel_loop3A_1859 = arith.constant 15 : i32
      %parallel_loop3A_1860 = vector.broadcast %parallel_loop3A_1859 : i32 to vector<16xi32>
      %parallel_loop3A_1861 = tpu.iota {dimensions = array<i32: 0>} : vector<16xi32>
      %parallel_loop3A_1862 = arith.subi %parallel_loop3A_1860, %parallel_loop3A_1861 : vector<16xi32>
      %parallel_loop3A_1863 = tpu.dynamic_gather %parallel_loop3A_1858[%parallel_loop3A_1862] in [0] : vector<16xi32>, vector<16xi32> -> vector<16xi32>
      %parallel_loop3A_1864 = arith.constant 16 : i32
      %parallel_loop3A_1865 = arith.muli %parallel_loop3A_1842, %parallel_loop3A_1864 : i32
      %parallel_loop3A_1866 = arith.index_cast %parallel_loop3A_1865 : i32 to index
      %parallel_loop3A_1867 = tpu.vector_load %arg6[%parallel_loop3A_1866] {strides = array<i32>} : memref<2048xi32, #tpu.memory_space<vmem>>, vector<16xi32>,
      tpu.vector_store %arg6[%parallel_loop3A_1866], %parallel_loop3A_1863 {strides = array<i32>} : memref<2048xi32, #tpu.memory_space<vmem>>, vector<16xi32>,
    } {sc.loop_unroll_factor = 4 : i64, sc.parallel_access}
    %add3A_940 = arith.constant 0 : i32
    %add3A_941 = vector.broadcast %add3A_940 : i32 to vector<16xi32>
    %add3A_942 = arith.addi %add3A_941, %iota3A : vector<16xi32>
    %mul3A_943 = arith.constant 16 : i32
    %mul3A_944 = vector.broadcast %mul3A_943 : i32 to vector<16xi32>
    %mul3A_945 = arith.muli %add3A_942, %mul3A_944 : vector<16xi32>
    %gather3A_946 = tpu.vector_load_idx %arg6[%mul3A_945] : memref<2048xi32, #tpu.memory_space<vmem>>[vector<16xi32>], vector<16xi32>,
    %rev3A_947 = arith.constant 15 : i32
    %rev3A_948 = vector.broadcast %rev3A_947 : i32 to vector<16xi32>
    %rev3A_949 = tpu.iota {dimensions = array<i32: 0>} : vector<16xi32>
    %rev3A_950 = arith.subi %rev3A_948, %rev3A_949 : vector<16xi32>
    %rev3A_951 = tpu.dynamic_gather %gather3A_946[%rev3A_950] in [0] : vector<16xi32>, vector<16xi32> -> vector<16xi32>
    %broadcast_in_dim3A_952 = arith.constant true
    %broadcast_in_dim3A_953 = vector.broadcast %broadcast_in_dim3A_952 : i1 to vector<16xi1>
    %masked_cumsum3A_954 = tpu.scan <sum>, %rev3A_951 masked %broadcast_in_dim3A_953 : vector<16xi32>, vector<16xi1> -> vector<16xi32>
    %rev3A_955 = arith.constant 15 : i32
    %rev3A_956 = vector.broadcast %rev3A_955 : i32 to vector<16xi32>
    %rev3A_957 = tpu.iota {dimensions = array<i32: 0>} : vector<16xi32>
    %rev3A_958 = arith.subi %rev3A_956, %rev3A_957 : vector<16xi32>
    %rev3A_959 = tpu.dynamic_gather %masked_cumsum3A_954[%rev3A_958] in [0] : vector<16xi32>, vector<16xi32> -> vector<16xi32>
    %swap3A_960 = arith.constant 0 : index
    %swap3A_961 = tpu.vector_load %arg7[%swap3A_960] {strides = array<i32>} : memref<256xi32, #tpu.memory_space<vmem>>, vector<16xi32>,
    tpu.vector_store %arg7[%swap3A_960], %rev3A_959 {strides = array<i32>} : memref<256xi32, #tpu.memory_space<vmem>>, vector<16xi32>,
    %add3A_962 = arith.constant 16 : i32
    %add3A_963 = vector.broadcast %add3A_962 : i32 to vector<16xi32>
    %add3A_964 = arith.addi %add3A_963, %iota3A : vector<16xi32>
    %mul3A_965 = arith.constant 16 : i32
    %mul3A_966 = vector.broadcast %mul3A_965 : i32 to vector<16xi32>
    %mul3A_967 = arith.muli %add3A_964, %mul3A_966 : vector<16xi32>
    %gather3A_968 = tpu.vector_load_idx %arg6[%mul3A_967] : memref<2048xi32, #tpu.memory_space<vmem>>[vector<16xi32>], vector<16xi32>,
    %rev3A_969 = arith.constant 15 : i32
    %rev3A_970 = vector.broadcast %rev3A_969 : i32 to vector<16xi32>
    %rev3A_971 = tpu.iota {dimensions = array<i32: 0>} : vector<16xi32>
    %rev3A_972 = arith.subi %rev3A_970, %rev3A_971 : vector<16xi32>
    %rev3A_973 = tpu.dynamic_gather %gather3A_968[%rev3A_972] in [0] : vector<16xi32>, vector<16xi32> -> vector<16xi32>
    %broadcast_in_dim3A_974 = arith.constant true
    %broadcast_in_dim3A_975 = vector.broadcast %broadcast_in_dim3A_974 : i1 to vector<16xi1>
    %masked_cumsum3A_976 = tpu.scan <sum>, %rev3A_973 masked %broadcast_in_dim3A_975 : vector<16xi32>, vector<16xi1> -> vector<16xi32>
    %rev3A_977 = arith.constant 15 : i32
    %rev3A_978 = vector.broadcast %rev3A_977 : i32 to vector<16xi32>
    %rev3A_979 = tpu.iota {dimensions = array<i32: 0>} : vector<16xi32>
    %rev3A_980 = arith.subi %rev3A_978, %rev3A_979 : vector<16xi32>
    %rev3A_981 = tpu.dynamic_gather %masked_cumsum3A_976[%rev3A_980] in [0] : vector<16xi32>, vector<16xi32> -> vector<16xi32>
    %swap3A_982 = arith.constant 16 : index
    %swap3A_983 = tpu.vector_load %arg7[%swap3A_982] {strides = array<i32>} : memref<256xi32, #tpu.memory_space<vmem>>, vector<16xi32>,
    tpu.vector_store %arg7[%swap3A_982], %rev3A_981 {strides = array<i32>} : memref<256xi32, #tpu.memory_space<vmem>>, vector<16xi32>,
    %add3A_984 = arith.constant 32 : i32
    %add3A_985 = vector.broadcast %add3A_984 : i32 to vector<16xi32>
    %add3A_986 = arith.addi %add3A_985, %iota3A : vector<16xi32>
    %mul3A_987 = arith.constant 16 : i32
    %mul3A_988 = vector.broadcast %mul3A_987 : i32 to vector<16xi32>
    %mul3A_989 = arith.muli %add3A_986, %mul3A_988 : vector<16xi32>
    %gather3A_990 = tpu.vector_load_idx %arg6[%mul3A_989] : memref<2048xi32, #tpu.memory_space<vmem>>[vector<16xi32>], vector<16xi32>,
    %rev3A_991 = arith.constant 15 : i32
    %rev3A_992 = vector.broadcast %rev3A_991 : i32 to vector<16xi32>
    %rev3A_993 = tpu.iota {dimensions = array<i32: 0>} : vector<16xi32>
    %rev3A_994 = arith.subi %rev3A_992, %rev3A_993 : vector<16xi32>
    %rev3A_995 = tpu.dynamic_gather %gather3A_990[%rev3A_994] in [0] : vector<16xi32>, vector<16xi32> -> vector<16xi32>
    %broadcast_in_dim3A_996 = arith.constant true
    %broadcast_in_dim3A_997 = vector.broadcast %broadcast_in_dim3A_996 : i1 to vector<16xi1>
    %masked_cumsum3A_998 = tpu.scan <sum>, %rev3A_995 masked %broadcast_in_dim3A_997 : vector<16xi32>, vector<16xi1> -> vector<16xi32>
    %rev3A_999 = arith.constant 15 : i32
    %rev3A_1000 = vector.broadcast %rev3A_999 : i32 to vector<16xi32>
    %rev3A_1001 = tpu.iota {dimensions = array<i32: 0>} : vector<16xi32>
    %rev3A_1002 = arith.subi %rev3A_1000, %rev3A_1001 : vector<16xi32>
    %rev3A_1003 = tpu.dynamic_gather %masked_cumsum3A_998[%rev3A_1002] in [0] : vector<16xi32>, vector<16xi32> -> vector<16xi32>
    %swap3A_1004 = arith.constant 32 : index
    %swap3A_1005 = tpu.vector_load %arg7[%swap3A_1004] {strides = array<i32>} : memref<256xi32, #tpu.memory_space<vmem>>, vector<16xi32>,
    tpu.vector_store %arg7[%swap3A_1004], %rev3A_1003 {strides = array<i32>} : memref<256xi32, #tpu.memory_space<vmem>>, vector<16xi32>,
    %add3A_1006 = arith.constant 48 : i32
    %add3A_1007 = vector.broadcast %add3A_1006 : i32 to vector<16xi32>
    %add3A_1008 = arith.addi %add3A_1007, %iota3A : vector<16xi32>
    %mul3A_1009 = arith.constant 16 : i32
    %mul3A_1010 = vector.broadcast %mul3A_1009 : i32 to vector<16xi32>
    %mul3A_1011 = arith.muli %add3A_1008, %mul3A_1010 : vector<16xi32>
    %gather3A_1012 = tpu.vector_load_idx %arg6[%mul3A_1011] : memref<2048xi32, #tpu.memory_space<vmem>>[vector<16xi32>], vector<16xi32>,
    %rev3A_1013 = arith.constant 15 : i32
    %rev3A_1014 = vector.broadcast %rev3A_1013 : i32 to vector<16xi32>
    %rev3A_1015 = tpu.iota {dimensions = array<i32: 0>} : vector<16xi32>
    %rev3A_1016 = arith.subi %rev3A_1014, %rev3A_1015 : vector<16xi32>
    %rev3A_1017 = tpu.dynamic_gather %gather3A_1012[%rev3A_1016] in [0] : vector<16xi32>, vector<16xi32> -> vector<16xi32>
    %broadcast_in_dim3A_1018 = arith.constant true
    %broadcast_in_dim3A_1019 = vector.broadcast %broadcast_in_dim3A_1018 : i1 to vector<16xi1>
    %masked_cumsum3A_1020 = tpu.scan <sum>, %rev3A_1017 masked %broadcast_in_dim3A_1019 : vector<16xi32>, vector<16xi1> -> vector<16xi32>
    %rev3A_1021 = arith.constant 15 : i32
    %rev3A_1022 = vector.broadcast %rev3A_1021 : i32 to vector<16xi32>
    %rev3A_1023 = tpu.iota {dimensions = array<i32: 0>} : vector<16xi32>
    %rev3A_1024 = arith.subi %rev3A_1022, %rev3A_1023 : vector<16xi32>
    %rev3A_1025 = tpu.dynamic_gather %masked_cumsum3A_1020[%rev3A_1024] in [0] : vector<16xi32>, vector<16xi32> -> vector<16xi32>
    %swap3A_1026 = arith.constant 48 : index
    %swap3A_1027 = tpu.vector_load %arg7[%swap3A_1026] {strides = array<i32>} : memref<256xi32, #tpu.memory_space<vmem>>, vector<16xi32>,
    tpu.vector_store %arg7[%swap3A_1026], %rev3A_1025 {strides = array<i32>} : memref<256xi32, #tpu.memory_space<vmem>>, vector<16xi32>,
    %add3A_1028 = arith.constant 64 : i32
    %add3A_1029 = vector.broadcast %add3A_1028 : i32 to vector<16xi32>
    %add3A_1030 = arith.addi %add3A_1029, %iota3A : vector<16xi32>
    %mul3A_1031 = arith.constant 16 : i32
    %mul3A_1032 = vector.broadcast %mul3A_1031 : i32 to vector<16xi32>
    %mul3A_1033 = arith.muli %add3A_1030, %mul3A_1032 : vector<16xi32>
    %gather3A_1034 = tpu.vector_load_idx %arg6[%mul3A_1033] : memref<2048xi32, #tpu.memory_space<vmem>>[vector<16xi32>], vector<16xi32>,
    %rev3A_1035 = arith.constant 15 : i32
    %rev3A_1036 = vector.broadcast %rev3A_1035 : i32 to vector<16xi32>
    %rev3A_1037 = tpu.iota {dimensions = array<i32: 0>} : vector<16xi32>
    %rev3A_1038 = arith.subi %rev3A_1036, %rev3A_1037 : vector<16xi32>
    %rev3A_1039 = tpu.dynamic_gather %gather3A_1034[%rev3A_1038] in [0] : vector<16xi32>, vector<16xi32> -> vector<16xi32>
    %broadcast_in_dim3A_1040 = arith.constant true
    %broadcast_in_dim3A_1041 = vector.broadcast %broadcast_in_dim3A_1040 : i1 to vector<16xi1>
    %masked_cumsum3A_1042 = tpu.scan <sum>, %rev3A_1039 masked %broadcast_in_dim3A_1041 : vector<16xi32>, vector<16xi1> -> vector<16xi32>
    %rev3A_1043 = arith.constant 15 : i32
    %rev3A_1044 = vector.broadcast %rev3A_1043 : i32 to vector<16xi32>
    %rev3A_1045 = tpu.iota {dimensions = array<i32: 0>} : vector<16xi32>
    %rev3A_1046 = arith.subi %rev3A_1044, %rev3A_1045 : vector<16xi32>
    %rev3A_1047 = tpu.dynamic_gather %masked_cumsum3A_1042[%rev3A_1046] in [0] : vector<16xi32>, vector<16xi32> -> vector<16xi32>
    %swap3A_1048 = arith.constant 64 : index
    %swap3A_1049 = tpu.vector_load %arg7[%swap3A_1048] {strides = array<i32>} : memref<256xi32, #tpu.memory_space<vmem>>, vector<16xi32>,
    tpu.vector_store %arg7[%swap3A_1048], %rev3A_1047 {strides = array<i32>} : memref<256xi32, #tpu.memory_space<vmem>>, vector<16xi32>,
    %add3A_1050 = arith.constant 80 : i32
    %add3A_1051 = vector.broadcast %add3A_1050 : i32 to vector<16xi32>
    %add3A_1052 = arith.addi %add3A_1051, %iota3A : vector<16xi32>
    %mul3A_1053 = arith.constant 16 : i32
    %mul3A_1054 = vector.broadcast %mul3A_1053 : i32 to vector<16xi32>
    %mul3A_1055 = arith.muli %add3A_1052, %mul3A_1054 : vector<16xi32>
    %gather3A_1056 = tpu.vector_load_idx %arg6[%mul3A_1055] : memref<2048xi32, #tpu.memory_space<vmem>>[vector<16xi32>], vector<16xi32>,
    %rev3A_1057 = arith.constant 15 : i32
    %rev3A_1058 = vector.broadcast %rev3A_1057 : i32 to vector<16xi32>
    %rev3A_1059 = tpu.iota {dimensions = array<i32: 0>} : vector<16xi32>
    %rev3A_1060 = arith.subi %rev3A_1058, %rev3A_1059 : vector<16xi32>
    %rev3A_1061 = tpu.dynamic_gather %gather3A_1056[%rev3A_1060] in [0] : vector<16xi32>, vector<16xi32> -> vector<16xi32>
    %broadcast_in_dim3A_1062 = arith.constant true
    %broadcast_in_dim3A_1063 = vector.broadcast %broadcast_in_dim3A_1062 : i1 to vector<16xi1>
    %masked_cumsum3A_1064 = tpu.scan <sum>, %rev3A_1061 masked %broadcast_in_dim3A_1063 : vector<16xi32>, vector<16xi1> -> vector<16xi32>
    %rev3A_1065 = arith.constant 15 : i32
    %rev3A_1066 = vector.broadcast %rev3A_1065 : i32 to vector<16xi32>
    %rev3A_1067 = tpu.iota {dimensions = array<i32: 0>} : vector<16xi32>
    %rev3A_1068 = arith.subi %rev3A_1066, %rev3A_1067 : vector<16xi32>
    %rev3A_1069 = tpu.dynamic_gather %masked_cumsum3A_1064[%rev3A_1068] in [0] : vector<16xi32>, vector<16xi32> -> vector<16xi32>
    %swap3A_1070 = arith.constant 80 : index
    %swap3A_1071 = tpu.vector_load %arg7[%swap3A_1070] {strides = array<i32>} : memref<256xi32, #tpu.memory_space<vmem>>, vector<16xi32>,
    tpu.vector_store %arg7[%swap3A_1070], %rev3A_1069 {strides = array<i32>} : memref<256xi32, #tpu.memory_space<vmem>>, vector<16xi32>,
    %add3A_1072 = arith.constant 96 : i32
    %add3A_1073 = vector.broadcast %add3A_1072 : i32 to vector<16xi32>
    %add3A_1074 = arith.addi %add3A_1073, %iota3A : vector<16xi32>
    %mul3A_1075 = arith.constant 16 : i32
    %mul3A_1076 = vector.broadcast %mul3A_1075 : i32 to vector<16xi32>
    %mul3A_1077 = arith.muli %add3A_1074, %mul3A_1076 : vector<16xi32>
    %gather3A_1078 = tpu.vector_load_idx %arg6[%mul3A_1077] : memref<2048xi32, #tpu.memory_space<vmem>>[vector<16xi32>], vector<16xi32>,
    %rev3A_1079 = arith.constant 15 : i32
    %rev3A_1080 = vector.broadcast %rev3A_1079 : i32 to vector<16xi32>
    %rev3A_1081 = tpu.iota {dimensions = array<i32: 0>} : vector<16xi32>
    %rev3A_1082 = arith.subi %rev3A_1080, %rev3A_1081 : vector<16xi32>
    %rev3A_1083 = tpu.dynamic_gather %gather3A_1078[%rev3A_1082] in [0] : vector<16xi32>, vector<16xi32> -> vector<16xi32>
    %broadcast_in_dim3A_1084 = arith.constant true
    %broadcast_in_dim3A_1085 = vector.broadcast %broadcast_in_dim3A_1084 : i1 to vector<16xi1>
    %masked_cumsum3A_1086 = tpu.scan <sum>, %rev3A_1083 masked %broadcast_in_dim3A_1085 : vector<16xi32>, vector<16xi1> -> vector<16xi32>
    %rev3A_1087 = arith.constant 15 : i32
    %rev3A_1088 = vector.broadcast %rev3A_1087 : i32 to vector<16xi32>
    %rev3A_1089 = tpu.iota {dimensions = array<i32: 0>} : vector<16xi32>
    %rev3A_1090 = arith.subi %rev3A_1088, %rev3A_1089 : vector<16xi32>
    %rev3A_1091 = tpu.dynamic_gather %masked_cumsum3A_1086[%rev3A_1090] in [0] : vector<16xi32>, vector<16xi32> -> vector<16xi32>
    %swap3A_1092 = arith.constant 96 : index
    %swap3A_1093 = tpu.vector_load %arg7[%swap3A_1092] {strides = array<i32>} : memref<256xi32, #tpu.memory_space<vmem>>, vector<16xi32>,
    tpu.vector_store %arg7[%swap3A_1092], %rev3A_1091 {strides = array<i32>} : memref<256xi32, #tpu.memory_space<vmem>>, vector<16xi32>,
    %add3A_1094 = arith.constant 112 : i32
    %add3A_1095 = vector.broadcast %add3A_1094 : i32 to vector<16xi32>
    %add3A_1096 = arith.addi %add3A_1095, %iota3A : vector<16xi32>
    %mul3A_1097 = arith.constant 16 : i32
    %mul3A_1098 = vector.broadcast %mul3A_1097 : i32 to vector<16xi32>
    %mul3A_1099 = arith.muli %add3A_1096, %mul3A_1098 : vector<16xi32>
    %gather3A_1100 = tpu.vector_load_idx %arg6[%mul3A_1099] : memref<2048xi32, #tpu.memory_space<vmem>>[vector<16xi32>], vector<16xi32>,
    %rev3A_1101 = arith.constant 15 : i32
    %rev3A_1102 = vector.broadcast %rev3A_1101 : i32 to vector<16xi32>
    %rev3A_1103 = tpu.iota {dimensions = array<i32: 0>} : vector<16xi32>
    %rev3A_1104 = arith.subi %rev3A_1102, %rev3A_1103 : vector<16xi32>
    %rev3A_1105 = tpu.dynamic_gather %gather3A_1100[%rev3A_1104] in [0] : vector<16xi32>, vector<16xi32> -> vector<16xi32>
    %broadcast_in_dim3A_1106 = arith.constant true
    %broadcast_in_dim3A_1107 = vector.broadcast %broadcast_in_dim3A_1106 : i1 to vector<16xi1>
    %masked_cumsum3A_1108 = tpu.scan <sum>, %rev3A_1105 masked %broadcast_in_dim3A_1107 : vector<16xi32>, vector<16xi1> -> vector<16xi32>
    %rev3A_1109 = arith.constant 15 : i32
    %rev3A_1110 = vector.broadcast %rev3A_1109 : i32 to vector<16xi32>
    %rev3A_1111 = tpu.iota {dimensions = array<i32: 0>} : vector<16xi32>
    %rev3A_1112 = arith.subi %rev3A_1110, %rev3A_1111 : vector<16xi32>
    %rev3A_1113 = tpu.dynamic_gather %masked_cumsum3A_1108[%rev3A_1112] in [0] : vector<16xi32>, vector<16xi32> -> vector<16xi32>
    %swap3A_1114 = arith.constant 112 : index
    %swap3A_1115 = tpu.vector_load %arg7[%swap3A_1114] {strides = array<i32>} : memref<256xi32, #tpu.memory_space<vmem>>, vector<16xi32>,
    tpu.vector_store %arg7[%swap3A_1114], %rev3A_1113 {strides = array<i32>} : memref<256xi32, #tpu.memory_space<vmem>>, vector<16xi32>,
    %mul3A_1116 = arith.constant 16 : i32
    %mul3A_1117 = vector.broadcast %mul3A_1116 : i32 to vector<16xi32>
    %mul3A_1118 = arith.muli %iota3A, %mul3A_1117 : vector<16xi32>
    %gather3A_1119 = tpu.vector_load_idx %arg7[%mul3A_1118] : memref<256xi32, #tpu.memory_space<vmem>>[vector<16xi32>], vector<16xi32>,
    %rev3A_1120 = arith.constant 15 : i32
    %rev3A_1121 = vector.broadcast %rev3A_1120 : i32 to vector<16xi32>
    %rev3A_1122 = tpu.iota {dimensions = array<i32: 0>} : vector<16xi32>
    %rev3A_1123 = arith.subi %rev3A_1121, %rev3A_1122 : vector<16xi32>
    %rev3A_1124 = tpu.dynamic_gather %gather3A_1119[%rev3A_1123] in [0] : vector<16xi32>, vector<16xi32> -> vector<16xi32>
    %broadcast_in_dim3A_1125 = arith.constant true
    %broadcast_in_dim3A_1126 = vector.broadcast %broadcast_in_dim3A_1125 : i1 to vector<16xi1>
    %masked_cumsum3A_1127 = tpu.scan <sum>, %rev3A_1124 masked %broadcast_in_dim3A_1126 : vector<16xi32>, vector<16xi1> -> vector<16xi32>
    %rev3A_1128 = arith.constant 15 : i32
    %rev3A_1129 = vector.broadcast %rev3A_1128 : i32 to vector<16xi32>
    %rev3A_1130 = tpu.iota {dimensions = array<i32: 0>} : vector<16xi32>
    %rev3A_1131 = arith.subi %rev3A_1129, %rev3A_1130 : vector<16xi32>
    %rev3A_1132 = tpu.dynamic_gather %masked_cumsum3A_1127[%rev3A_1131] in [0] : vector<16xi32>, vector<16xi32> -> vector<16xi32>
    %ge3A_1133 = arith.constant 328 : i32
    %ge3A_1134 = vector.broadcast %ge3A_1133 : i32 to vector<16xi32>
    %ge3A_1135 = arith.cmpi sge, %rev3A_1132, %ge3A_1134 : vector<16xi32>
    %jit3A_1136 = arith.constant -1 : i32
    %broadcast_in_dim3A_1137 = vector.broadcast %jit3A_1136 : i32 to vector<16xi32>
    %select_n3A_1138 = arith.select %ge3A_1135, %iota3A, %broadcast_in_dim3A_1137 : vector<16xi1>, vector<16xi32>
    %reduce_max3A_1139 = arith.constant true
    %reduce_max3A_1140 = vector.broadcast %reduce_max3A_1139 : i1 to vector<16xi1>
    %reduce_max3A_1141 = arith.constant -2147483648 : i32
    %reduce_max3A_1142 = vector.broadcast %reduce_max3A_1141 : i32 to vector<16xi32>
    %reduce_max3A_1143 = arith.xori %select_n3A_1138, %reduce_max3A_1142 : vector<16xi32>
    %reduce_max3A_1144 = tpu.scan <max>, %reduce_max3A_1143 masked %reduce_max3A_1140 : vector<16xi32>, vector<16xi1> -> vector<16xi32>
    %reduce_max3A_1145 = arith.xori %reduce_max3A_1144, %reduce_max3A_1142 : vector<16xi32>
    %reduce_max3A_1146 = vector.extract %reduce_max3A_1145[15] : i32 from vector<16xi32>
    %mul3A_1147 = arith.constant 0 : i32
    %mul3A_1148 = vector.broadcast %mul3A_1147 : i32 to vector<16xi32>
    %mul3A_1149 = arith.muli %iota3A, %mul3A_1148 : vector<16xi32>
    %add3A_1150 = vector.broadcast %reduce_max3A_1146 : i32 to vector<16xi32>
    %add3A_1151 = arith.addi %mul3A_1149, %add3A_1150 : vector<16xi32>
    %add3A_1152 = arith.constant 1 : i32
    %add3A_1153 = vector.broadcast %add3A_1152 : i32 to vector<16xi32>
    %add3A_1154 = arith.addi %add3A_1151, %add3A_1153 : vector<16xi32>
    %eq3A_1155 = arith.cmpi eq, %iota3A, %add3A_1154 : vector<16xi32>
    %jit3A_1156 = arith.constant 0 : i32
    %broadcast_in_dim3A_1157 = vector.broadcast %jit3A_1156 : i32 to vector<16xi32>
    %select_n3A_1158 = arith.select %eq3A_1155, %rev3A_1132, %broadcast_in_dim3A_1157 : vector<16xi1>, vector<16xi32>
    %reduce_max3A_1159 = arith.constant true
    %reduce_max3A_1160 = vector.broadcast %reduce_max3A_1159 : i1 to vector<16xi1>
    %reduce_max3A_1161 = arith.constant -2147483648 : i32
    %reduce_max3A_1162 = vector.broadcast %reduce_max3A_1161 : i32 to vector<16xi32>
    %reduce_max3A_1163 = arith.xori %select_n3A_1158, %reduce_max3A_1162 : vector<16xi32>
    %reduce_max3A_1164 = tpu.scan <max>, %reduce_max3A_1163 masked %reduce_max3A_1160 : vector<16xi32>, vector<16xi1> -> vector<16xi32>
    %reduce_max3A_1165 = arith.xori %reduce_max3A_1164, %reduce_max3A_1162 : vector<16xi32>
    %reduce_max3A_1166 = vector.extract %reduce_max3A_1165[15] : i32 from vector<16xi32>
    %max3A_1167 = arith.constant 0 : i32
    %max3A_1168 = vector.broadcast %max3A_1167 : i32 to vector<16xi32>
    %max3A_1169 = arith.maxsi %add3A_1151, %max3A_1168 : vector<16xi32>
    %mul3A_1170 = arith.constant 16 : i32
    %mul3A_1171 = vector.broadcast %mul3A_1170 : i32 to vector<16xi32>
    %mul3A_1172 = arith.muli %max3A_1169, %mul3A_1171 : vector<16xi32>
    %add3A_1173 = arith.addi %mul3A_1172, %iota3A : vector<16xi32>
    %gather3A_1174 = tpu.vector_load_idx %arg7[%add3A_1173] : memref<256xi32, #tpu.memory_space<vmem>>[vector<16xi32>], vector<16xi32>,
    %add3A_1175 = vector.broadcast %reduce_max3A_1166 : i32 to vector<16xi32>
    %add3A_1176 = arith.addi %gather3A_1174, %add3A_1175 : vector<16xi32>
    %ge3A_1177 = arith.constant 328 : i32
    %ge3A_1178 = vector.broadcast %ge3A_1177 : i32 to vector<16xi32>
    %ge3A_1179 = arith.cmpi sge, %add3A_1176, %ge3A_1178 : vector<16xi32>
    %jit3A_1180 = arith.constant -1 : i32
    %broadcast_in_dim3A_1181 = vector.broadcast %jit3A_1180 : i32 to vector<16xi32>
    %select_n3A_1182 = arith.select %ge3A_1179, %iota3A, %broadcast_in_dim3A_1181 : vector<16xi1>, vector<16xi32>
    %reduce_max3A_1183 = arith.constant true
    %reduce_max3A_1184 = vector.broadcast %reduce_max3A_1183 : i1 to vector<16xi1>
    %reduce_max3A_1185 = arith.constant -2147483648 : i32
    %reduce_max3A_1186 = vector.broadcast %reduce_max3A_1185 : i32 to vector<16xi32>
    %reduce_max3A_1187 = arith.xori %select_n3A_1182, %reduce_max3A_1186 : vector<16xi32>
    %reduce_max3A_1188 = tpu.scan <max>, %reduce_max3A_1187 masked %reduce_max3A_1184 : vector<16xi32>, vector<16xi1> -> vector<16xi32>
    %reduce_max3A_1189 = arith.xori %reduce_max3A_1188, %reduce_max3A_1186 : vector<16xi32>
    %reduce_max3A_1190 = vector.extract %reduce_max3A_1189[15] : i32 from vector<16xi32>
    %mul3A_1191 = arith.constant 0 : i32
    %mul3A_1192 = vector.broadcast %mul3A_1191 : i32 to vector<16xi32>
    %mul3A_1193 = arith.muli %iota3A, %mul3A_1192 : vector<16xi32>
    %add3A_1194 = vector.broadcast %reduce_max3A_1190 : i32 to vector<16xi32>
    %add3A_1195 = arith.addi %mul3A_1193, %add3A_1194 : vector<16xi32>
    %add3A_1196 = arith.constant 1 : i32
    %add3A_1197 = vector.broadcast %add3A_1196 : i32 to vector<16xi32>
    %add3A_1198 = arith.addi %add3A_1195, %add3A_1197 : vector<16xi32>
    %eq3A_1199 = arith.cmpi eq, %iota3A, %add3A_1198 : vector<16xi32>
    %jit3A_1200 = arith.constant 0 : i32
    %broadcast_in_dim3A_1201 = vector.broadcast %jit3A_1200 : i32 to vector<16xi32>
    %select_n3A_1202 = arith.select %eq3A_1199, %add3A_1176, %broadcast_in_dim3A_1201 : vector<16xi1>, vector<16xi32>
    %reduce_max3A_1203 = arith.constant true
    %reduce_max3A_1204 = vector.broadcast %reduce_max3A_1203 : i1 to vector<16xi1>
    %reduce_max3A_1205 = arith.constant -2147483648 : i32
    %reduce_max3A_1206 = vector.broadcast %reduce_max3A_1205 : i32 to vector<16xi32>
    %reduce_max3A_1207 = arith.xori %select_n3A_1202, %reduce_max3A_1206 : vector<16xi32>
    %reduce_max3A_1208 = tpu.scan <max>, %reduce_max3A_1207 masked %reduce_max3A_1204 : vector<16xi32>, vector<16xi1> -> vector<16xi32>
    %reduce_max3A_1209 = arith.xori %reduce_max3A_1208, %reduce_max3A_1206 : vector<16xi32>
    %reduce_max3A_1210 = vector.extract %reduce_max3A_1209[15] : i32 from vector<16xi32>
    %eq3A_1211 = arith.constant 15 : i32
    %eq3A_1212 = arith.cmpi eq, %reduce_max3A_1190, %eq3A_1211 : i32
    %select_n3A_1213 = arith.select %eq3A_1212, %reduce_max3A_1166, %reduce_max3A_1210 : i32
    %mul3A_1214 = arith.constant 16 : i32
    %mul3A_1215 = arith.muli %reduce_max3A_1146, %mul3A_1214 : i32
    %add3A_1216 = arith.addi %mul3A_1215, %reduce_max3A_1190 : i32
    %mul3A_1217 = arith.constant 0 : i32
    %mul3A_1218 = vector.broadcast %mul3A_1217 : i32 to vector<16xi32>
    %mul3A_1219 = arith.muli %iota3A, %mul3A_1218 : vector<16xi32>
    %add3A_1220 = vector.broadcast %add3A_1216 : i32 to vector<16xi32>
    %add3A_1221 = arith.addi %mul3A_1219, %add3A_1220 : vector<16xi32>
    %max3A_1222 = arith.constant 0 : i32
    %max3A_1223 = vector.broadcast %max3A_1222 : i32 to vector<16xi32>
    %max3A_1224 = arith.maxsi %add3A_1221, %max3A_1223 : vector<16xi32>
    %mul3A_1225 = arith.constant 16 : i32
    %mul3A_1226 = vector.broadcast %mul3A_1225 : i32 to vector<16xi32>
    %mul3A_1227 = arith.muli %max3A_1224, %mul3A_1226 : vector<16xi32>
    %add3A_1228 = arith.addi %mul3A_1227, %iota3A : vector<16xi32>
    %gather3A_1229 = tpu.vector_load_idx %arg6[%add3A_1228] : memref<2048xi32, #tpu.memory_space<vmem>>[vector<16xi32>], vector<16xi32>,
    %add3A_1230 = vector.broadcast %select_n3A_1213 : i32 to vector<16xi32>
    %add3A_1231 = arith.addi %gather3A_1229, %add3A_1230 : vector<16xi32>
    %ge3A_1232 = arith.constant 328 : i32
    %ge3A_1233 = vector.broadcast %ge3A_1232 : i32 to vector<16xi32>
    %ge3A_1234 = arith.cmpi sge, %add3A_1231, %ge3A_1233 : vector<16xi32>
    %jit3A_1235 = arith.constant -1 : i32
    %broadcast_in_dim3A_1236 = vector.broadcast %jit3A_1235 : i32 to vector<16xi32>
    %select_n3A_1237 = arith.select %ge3A_1234, %iota3A, %broadcast_in_dim3A_1236 : vector<16xi1>, vector<16xi32>
    %reduce_max3A_1238 = arith.constant true
    %reduce_max3A_1239 = vector.broadcast %reduce_max3A_1238 : i1 to vector<16xi1>
    %reduce_max3A_1240 = arith.constant -2147483648 : i32
    %reduce_max3A_1241 = vector.broadcast %reduce_max3A_1240 : i32 to vector<16xi32>
    %reduce_max3A_1242 = arith.xori %select_n3A_1237, %reduce_max3A_1241 : vector<16xi32>
    %reduce_max3A_1243 = tpu.scan <max>, %reduce_max3A_1242 masked %reduce_max3A_1239 : vector<16xi32>, vector<16xi1> -> vector<16xi32>
    %reduce_max3A_1244 = arith.xori %reduce_max3A_1243, %reduce_max3A_1241 : vector<16xi32>
    %reduce_max3A_1245 = vector.extract %reduce_max3A_1244[15] : i32 from vector<16xi32>
    %mul3A_1246 = arith.constant 0 : i32
    %mul3A_1247 = vector.broadcast %mul3A_1246 : i32 to vector<16xi32>
    %mul3A_1248 = arith.muli %iota3A, %mul3A_1247 : vector<16xi32>
    %add3A_1249 = vector.broadcast %reduce_max3A_1245 : i32 to vector<16xi32>
    %add3A_1250 = arith.addi %mul3A_1248, %add3A_1249 : vector<16xi32>
    %add3A_1251 = arith.constant 1 : i32
    %add3A_1252 = vector.broadcast %add3A_1251 : i32 to vector<16xi32>
    %add3A_1253 = arith.addi %add3A_1250, %add3A_1252 : vector<16xi32>
    %eq3A_1254 = arith.cmpi eq, %iota3A, %add3A_1253 : vector<16xi32>
    %jit3A_1255 = arith.constant 0 : i32
    %broadcast_in_dim3A_1256 = vector.broadcast %jit3A_1255 : i32 to vector<16xi32>
    %select_n3A_1257 = arith.select %eq3A_1254, %add3A_1231, %broadcast_in_dim3A_1256 : vector<16xi1>, vector<16xi32>
    %reduce_max3A_1258 = arith.constant true
    %reduce_max3A_1259 = vector.broadcast %reduce_max3A_1258 : i1 to vector<16xi1>
    %reduce_max3A_1260 = arith.constant -2147483648 : i32
    %reduce_max3A_1261 = vector.broadcast %reduce_max3A_1260 : i32 to vector<16xi32>
    %reduce_max3A_1262 = arith.xori %select_n3A_1257, %reduce_max3A_1261 : vector<16xi32>
    %reduce_max3A_1263 = tpu.scan <max>, %reduce_max3A_1262 masked %reduce_max3A_1259 : vector<16xi32>, vector<16xi1> -> vector<16xi32>
    %reduce_max3A_1264 = arith.xori %reduce_max3A_1263, %reduce_max3A_1261 : vector<16xi32>
    %reduce_max3A_1265 = vector.extract %reduce_max3A_1264[15] : i32 from vector<16xi32>
    %eq3A_1266 = arith.constant 15 : i32
    %eq3A_1267 = arith.cmpi eq, %reduce_max3A_1245, %eq3A_1266 : i32
    %select_n3A_1268 = arith.select %eq3A_1267, %select_n3A_1213, %reduce_max3A_1265 : i32
    %mul3A_1269 = arith.constant 16 : i32
    %mul3A_1270 = arith.muli %add3A_1216, %mul3A_1269 : i32
    %add3A_1271 = arith.addi %mul3A_1270, %reduce_max3A_1245 : i32
    %sub3A_1272 = arith.constant 328 : i32
    %sub3A_1273 = arith.subi %sub3A_1272, %select_n3A_1268 : i32
    %shift_left3A_1274 = arith.constant 20 : i32
    %shift_left3A_1275 = arith.shli %add3A_1271, %shift_left3A_1274 : i32
    %parallel_loop3A_1276 = arith.constant 0 : i32
    %parallel_loop3A_1277 = arith.constant 2048 : i32
    %parallel_loop3A_1278 = arith.constant 1 : i32
    %parallel_loop3A_1279 = arith.constant 1048576 : i32
    scf.for %parallel_loop3A_1842 = %parallel_loop3A_1276 to %parallel_loop3A_1277 step %parallel_loop3A_1278  : i32 {
      %parallel_loop3A_1843 = arith.constant 16 : i32
      %parallel_loop3A_1844 = arith.muli %parallel_loop3A_1842, %parallel_loop3A_1843 : i32
      %parallel_loop3A_1845 = arith.constant 1 : i32
      %parallel_loop3A_1846 = arith.index_cast %parallel_loop3A_1845 : i32 to index
      %parallel_loop3A_1847 = arith.index_cast %parallel_loop3A_1844 : i32 to index
      %parallel_loop3A_1848 = tpu.vector_load %arg4[%parallel_loop3A_1846, %parallel_loop3A_1847] {strides = array<i32>} : memref<2x32768xf32, #tpu.memory_space<vmem>>, vector<16xf32>,
      %parallel_loop3A_1849 = tpu.bitcast %parallel_loop3A_1848 : vector<16xf32> -> vector<16xi32>
      %parallel_loop3A_1850 = arith.constant 2147483647 : i32
      %parallel_loop3A_1851 = vector.broadcast %parallel_loop3A_1850 : i32 to vector<16xi32>
      %parallel_loop3A_1852 = arith.andi %parallel_loop3A_1849, %parallel_loop3A_1851 : vector<16xi32>
      %parallel_loop3A_1853 = vector.broadcast %shift_left3A_1275 : i32 to vector<16xi32>
      %parallel_loop3A_1854 = arith.subi %parallel_loop3A_1852, %parallel_loop3A_1853 : vector<16xi32>
      %parallel_loop3A_1855 = tpu.bitcast %parallel_loop3A_1854 : vector<16xi32> -> vector<16xi32>
      %parallel_loop3A_1856 = vector.broadcast %parallel_loop3A_1279 : i32 to vector<16xi32>
      %parallel_loop3A_1857 = arith.cmpi ult, %parallel_loop3A_1855, %parallel_loop3A_1856 : vector<16xi32>
      %parallel_loop3A_1858 = arith.constant 10 : i32
      %parallel_loop3A_1859 = vector.broadcast %parallel_loop3A_1858 : i32 to vector<16xi32>
      %parallel_loop3A_1860 = arith.shrsi %parallel_loop3A_1854, %parallel_loop3A_1859 : vector<16xi32>
      tpu.vector_store_idx %arg5[%parallel_loop3A_1860], %broadcast_in_dim3A_32 masked %parallel_loop3A_1857 {add = true} : memref<2048xi32, #tpu.memory_space<vmem>>[vector<16xi32>], vector<16xi32>, vector<16xi1>
    } {sc.loop_unroll_factor = 8 : i64, sc.parallel_access}
    %parallel_loop3A_1280 = arith.constant 0 : i32
    %parallel_loop3A_1281 = arith.constant 64 : i32
    %parallel_loop3A_1282 = arith.constant 1 : i32
    scf.for %parallel_loop3A_1842 = %parallel_loop3A_1280 to %parallel_loop3A_1281 step %parallel_loop3A_1282  : i32 {
      %parallel_loop3A_1843 = arith.constant 16 : i32
      %parallel_loop3A_1844 = arith.muli %parallel_loop3A_1842, %parallel_loop3A_1843 : i32
      %parallel_loop3A_1845 = arith.index_cast %parallel_loop3A_1844 : i32 to index
      %parallel_loop3A_1846 = tpu.vector_load %arg5[%parallel_loop3A_1845] {strides = array<i32>} : memref<2048xi32, #tpu.memory_space<vmem>>, vector<16xi32>,
      %parallel_loop3A_1847 = arith.constant 16 : i32
      %parallel_loop3A_1848 = arith.muli %parallel_loop3A_1842, %parallel_loop3A_1847 : i32
      %parallel_loop3A_1849 = arith.index_cast %parallel_loop3A_1848 : i32 to index
      %parallel_loop3A_1850 = tpu.vector_load %arg5[%parallel_loop3A_1849] {strides = array<i32>} : memref<2048xi32, #tpu.memory_space<vmem>>, vector<16xi32>,
      tpu.vector_store %arg5[%parallel_loop3A_1849], %broadcast_in_dim3A_34 {strides = array<i32>} : memref<2048xi32, #tpu.memory_space<vmem>>, vector<16xi32>,
      %parallel_loop3A_1851 = arith.constant 15 : i32
      %parallel_loop3A_1852 = vector.broadcast %parallel_loop3A_1851 : i32 to vector<16xi32>
      %parallel_loop3A_1853 = tpu.iota {dimensions = array<i32: 0>} : vector<16xi32>
      %parallel_loop3A_1854 = arith.subi %parallel_loop3A_1852, %parallel_loop3A_1853 : vector<16xi32>
      %parallel_loop3A_1855 = tpu.dynamic_gather %parallel_loop3A_1846[%parallel_loop3A_1854] in [0] : vector<16xi32>, vector<16xi32> -> vector<16xi32>
      %parallel_loop3A_1856 = arith.constant true
      %parallel_loop3A_1857 = vector.broadcast %parallel_loop3A_1856 : i1 to vector<16xi1>
      %parallel_loop3A_1858 = tpu.scan <sum>, %parallel_loop3A_1855 masked %parallel_loop3A_1857 : vector<16xi32>, vector<16xi1> -> vector<16xi32>
      %parallel_loop3A_1859 = arith.constant 15 : i32
      %parallel_loop3A_1860 = vector.broadcast %parallel_loop3A_1859 : i32 to vector<16xi32>
      %parallel_loop3A_1861 = tpu.iota {dimensions = array<i32: 0>} : vector<16xi32>
      %parallel_loop3A_1862 = arith.subi %parallel_loop3A_1860, %parallel_loop3A_1861 : vector<16xi32>
      %parallel_loop3A_1863 = tpu.dynamic_gather %parallel_loop3A_1858[%parallel_loop3A_1862] in [0] : vector<16xi32>, vector<16xi32> -> vector<16xi32>
      %parallel_loop3A_1864 = arith.constant 16 : i32
      %parallel_loop3A_1865 = arith.muli %parallel_loop3A_1842, %parallel_loop3A_1864 : i32
      %parallel_loop3A_1866 = arith.index_cast %parallel_loop3A_1865 : i32 to index
      %parallel_loop3A_1867 = tpu.vector_load %arg6[%parallel_loop3A_1866] {strides = array<i32>} : memref<2048xi32, #tpu.memory_space<vmem>>, vector<16xi32>,
      tpu.vector_store %arg6[%parallel_loop3A_1866], %parallel_loop3A_1863 {strides = array<i32>} : memref<2048xi32, #tpu.memory_space<vmem>>, vector<16xi32>,
    } {sc.loop_unroll_factor = 4 : i64, sc.parallel_access}
    %add3A_1283 = arith.constant 0 : i32
    %add3A_1284 = vector.broadcast %add3A_1283 : i32 to vector<16xi32>
    %add3A_1285 = arith.addi %add3A_1284, %iota3A : vector<16xi32>
    %mul3A_1286 = arith.constant 16 : i32
    %mul3A_1287 = vector.broadcast %mul3A_1286 : i32 to vector<16xi32>
    %mul3A_1288 = arith.muli %add3A_1285, %mul3A_1287 : vector<16xi32>
    %gather3A_1289 = tpu.vector_load_idx %arg6[%mul3A_1288] : memref<2048xi32, #tpu.memory_space<vmem>>[vector<16xi32>], vector<16xi32>,
    %rev3A_1290 = arith.constant 15 : i32
    %rev3A_1291 = vector.broadcast %rev3A_1290 : i32 to vector<16xi32>
    %rev3A_1292 = tpu.iota {dimensions = array<i32: 0>} : vector<16xi32>
    %rev3A_1293 = arith.subi %rev3A_1291, %rev3A_1292 : vector<16xi32>
    %rev3A_1294 = tpu.dynamic_gather %gather3A_1289[%rev3A_1293] in [0] : vector<16xi32>, vector<16xi32> -> vector<16xi32>
    %broadcast_in_dim3A_1295 = arith.constant true
    %broadcast_in_dim3A_1296 = vector.broadcast %broadcast_in_dim3A_1295 : i1 to vector<16xi1>
    %masked_cumsum3A_1297 = tpu.scan <sum>, %rev3A_1294 masked %broadcast_in_dim3A_1296 : vector<16xi32>, vector<16xi1> -> vector<16xi32>
    %rev3A_1298 = arith.constant 15 : i32
    %rev3A_1299 = vector.broadcast %rev3A_1298 : i32 to vector<16xi32>
    %rev3A_1300 = tpu.iota {dimensions = array<i32: 0>} : vector<16xi32>
    %rev3A_1301 = arith.subi %rev3A_1299, %rev3A_1300 : vector<16xi32>
    %rev3A_1302 = tpu.dynamic_gather %masked_cumsum3A_1297[%rev3A_1301] in [0] : vector<16xi32>, vector<16xi32> -> vector<16xi32>
    %swap3A_1303 = arith.constant 0 : index
    %swap3A_1304 = tpu.vector_load %arg7[%swap3A_1303] {strides = array<i32>} : memref<256xi32, #tpu.memory_space<vmem>>, vector<16xi32>,
    tpu.vector_store %arg7[%swap3A_1303], %rev3A_1302 {strides = array<i32>} : memref<256xi32, #tpu.memory_space<vmem>>, vector<16xi32>,
    %add3A_1305 = arith.constant 16 : i32
    %add3A_1306 = vector.broadcast %add3A_1305 : i32 to vector<16xi32>
    %add3A_1307 = arith.addi %add3A_1306, %iota3A : vector<16xi32>
    %mul3A_1308 = arith.constant 16 : i32
    %mul3A_1309 = vector.broadcast %mul3A_1308 : i32 to vector<16xi32>
    %mul3A_1310 = arith.muli %add3A_1307, %mul3A_1309 : vector<16xi32>
    %gather3A_1311 = tpu.vector_load_idx %arg6[%mul3A_1310] : memref<2048xi32, #tpu.memory_space<vmem>>[vector<16xi32>], vector<16xi32>,
    %rev3A_1312 = arith.constant 15 : i32
    %rev3A_1313 = vector.broadcast %rev3A_1312 : i32 to vector<16xi32>
    %rev3A_1314 = tpu.iota {dimensions = array<i32: 0>} : vector<16xi32>
    %rev3A_1315 = arith.subi %rev3A_1313, %rev3A_1314 : vector<16xi32>
    %rev3A_1316 = tpu.dynamic_gather %gather3A_1311[%rev3A_1315] in [0] : vector<16xi32>, vector<16xi32> -> vector<16xi32>
    %broadcast_in_dim3A_1317 = arith.constant true
    %broadcast_in_dim3A_1318 = vector.broadcast %broadcast_in_dim3A_1317 : i1 to vector<16xi1>
    %masked_cumsum3A_1319 = tpu.scan <sum>, %rev3A_1316 masked %broadcast_in_dim3A_1318 : vector<16xi32>, vector<16xi1> -> vector<16xi32>
    %rev3A_1320 = arith.constant 15 : i32
    %rev3A_1321 = vector.broadcast %rev3A_1320 : i32 to vector<16xi32>
    %rev3A_1322 = tpu.iota {dimensions = array<i32: 0>} : vector<16xi32>
    %rev3A_1323 = arith.subi %rev3A_1321, %rev3A_1322 : vector<16xi32>
    %rev3A_1324 = tpu.dynamic_gather %masked_cumsum3A_1319[%rev3A_1323] in [0] : vector<16xi32>, vector<16xi32> -> vector<16xi32>
    %swap3A_1325 = arith.constant 16 : index
    %swap3A_1326 = tpu.vector_load %arg7[%swap3A_1325] {strides = array<i32>} : memref<256xi32, #tpu.memory_space<vmem>>, vector<16xi32>,
    tpu.vector_store %arg7[%swap3A_1325], %rev3A_1324 {strides = array<i32>} : memref<256xi32, #tpu.memory_space<vmem>>, vector<16xi32>,
    %add3A_1327 = arith.constant 32 : i32
    %add3A_1328 = vector.broadcast %add3A_1327 : i32 to vector<16xi32>
    %add3A_1329 = arith.addi %add3A_1328, %iota3A : vector<16xi32>
    %mul3A_1330 = arith.constant 16 : i32
    %mul3A_1331 = vector.broadcast %mul3A_1330 : i32 to vector<16xi32>
    %mul3A_1332 = arith.muli %add3A_1329, %mul3A_1331 : vector<16xi32>
    %gather3A_1333 = tpu.vector_load_idx %arg6[%mul3A_1332] : memref<2048xi32, #tpu.memory_space<vmem>>[vector<16xi32>], vector<16xi32>,
    %rev3A_1334 = arith.constant 15 : i32
    %rev3A_1335 = vector.broadcast %rev3A_1334 : i32 to vector<16xi32>
    %rev3A_1336 = tpu.iota {dimensions = array<i32: 0>} : vector<16xi32>
    %rev3A_1337 = arith.subi %rev3A_1335, %rev3A_1336 : vector<16xi32>
    %rev3A_1338 = tpu.dynamic_gather %gather3A_1333[%rev3A_1337] in [0] : vector<16xi32>, vector<16xi32> -> vector<16xi32>
    %broadcast_in_dim3A_1339 = arith.constant true
    %broadcast_in_dim3A_1340 = vector.broadcast %broadcast_in_dim3A_1339 : i1 to vector<16xi1>
    %masked_cumsum3A_1341 = tpu.scan <sum>, %rev3A_1338 masked %broadcast_in_dim3A_1340 : vector<16xi32>, vector<16xi1> -> vector<16xi32>
    %rev3A_1342 = arith.constant 15 : i32
    %rev3A_1343 = vector.broadcast %rev3A_1342 : i32 to vector<16xi32>
    %rev3A_1344 = tpu.iota {dimensions = array<i32: 0>} : vector<16xi32>
    %rev3A_1345 = arith.subi %rev3A_1343, %rev3A_1344 : vector<16xi32>
    %rev3A_1346 = tpu.dynamic_gather %masked_cumsum3A_1341[%rev3A_1345] in [0] : vector<16xi32>, vector<16xi32> -> vector<16xi32>
    %swap3A_1347 = arith.constant 32 : index
    %swap3A_1348 = tpu.vector_load %arg7[%swap3A_1347] {strides = array<i32>} : memref<256xi32, #tpu.memory_space<vmem>>, vector<16xi32>,
    tpu.vector_store %arg7[%swap3A_1347], %rev3A_1346 {strides = array<i32>} : memref<256xi32, #tpu.memory_space<vmem>>, vector<16xi32>,
    %add3A_1349 = arith.constant 48 : i32
    %add3A_1350 = vector.broadcast %add3A_1349 : i32 to vector<16xi32>
    %add3A_1351 = arith.addi %add3A_1350, %iota3A : vector<16xi32>
    %mul3A_1352 = arith.constant 16 : i32
    %mul3A_1353 = vector.broadcast %mul3A_1352 : i32 to vector<16xi32>
    %mul3A_1354 = arith.muli %add3A_1351, %mul3A_1353 : vector<16xi32>
    %gather3A_1355 = tpu.vector_load_idx %arg6[%mul3A_1354] : memref<2048xi32, #tpu.memory_space<vmem>>[vector<16xi32>], vector<16xi32>,
    %rev3A_1356 = arith.constant 15 : i32
    %rev3A_1357 = vector.broadcast %rev3A_1356 : i32 to vector<16xi32>
    %rev3A_1358 = tpu.iota {dimensions = array<i32: 0>} : vector<16xi32>
    %rev3A_1359 = arith.subi %rev3A_1357, %rev3A_1358 : vector<16xi32>
    %rev3A_1360 = tpu.dynamic_gather %gather3A_1355[%rev3A_1359] in [0] : vector<16xi32>, vector<16xi32> -> vector<16xi32>
    %broadcast_in_dim3A_1361 = arith.constant true
    %broadcast_in_dim3A_1362 = vector.broadcast %broadcast_in_dim3A_1361 : i1 to vector<16xi1>
    %masked_cumsum3A_1363 = tpu.scan <sum>, %rev3A_1360 masked %broadcast_in_dim3A_1362 : vector<16xi32>, vector<16xi1> -> vector<16xi32>
    %rev3A_1364 = arith.constant 15 : i32
    %rev3A_1365 = vector.broadcast %rev3A_1364 : i32 to vector<16xi32>
    %rev3A_1366 = tpu.iota {dimensions = array<i32: 0>} : vector<16xi32>
    %rev3A_1367 = arith.subi %rev3A_1365, %rev3A_1366 : vector<16xi32>
    %rev3A_1368 = tpu.dynamic_gather %masked_cumsum3A_1363[%rev3A_1367] in [0] : vector<16xi32>, vector<16xi32> -> vector<16xi32>
    %swap3A_1369 = arith.constant 48 : index
    %swap3A_1370 = tpu.vector_load %arg7[%swap3A_1369] {strides = array<i32>} : memref<256xi32, #tpu.memory_space<vmem>>, vector<16xi32>,
    tpu.vector_store %arg7[%swap3A_1369], %rev3A_1368 {strides = array<i32>} : memref<256xi32, #tpu.memory_space<vmem>>, vector<16xi32>,
    %swap3A_1371 = arith.constant 64 : index
    %swap3A_1372 = tpu.vector_load %arg7[%swap3A_1371] {strides = array<i32>} : memref<256xi32, #tpu.memory_space<vmem>>, vector<16xi32>,
    tpu.vector_store %arg7[%swap3A_1371], %broadcast_in_dim3A_34 {strides = array<i32>} : memref<256xi32, #tpu.memory_space<vmem>>, vector<16xi32>,
    %swap3A_1373 = arith.constant 80 : index
    %swap3A_1374 = tpu.vector_load %arg7[%swap3A_1373] {strides = array<i32>} : memref<256xi32, #tpu.memory_space<vmem>>, vector<16xi32>,
    tpu.vector_store %arg7[%swap3A_1373], %broadcast_in_dim3A_34 {strides = array<i32>} : memref<256xi32, #tpu.memory_space<vmem>>, vector<16xi32>,
    %swap3A_1375 = arith.constant 96 : index
    %swap3A_1376 = tpu.vector_load %arg7[%swap3A_1375] {strides = array<i32>} : memref<256xi32, #tpu.memory_space<vmem>>, vector<16xi32>,
    tpu.vector_store %arg7[%swap3A_1375], %broadcast_in_dim3A_34 {strides = array<i32>} : memref<256xi32, #tpu.memory_space<vmem>>, vector<16xi32>,
    %swap3A_1377 = arith.constant 112 : index
    %swap3A_1378 = tpu.vector_load %arg7[%swap3A_1377] {strides = array<i32>} : memref<256xi32, #tpu.memory_space<vmem>>, vector<16xi32>,
    tpu.vector_store %arg7[%swap3A_1377], %broadcast_in_dim3A_34 {strides = array<i32>} : memref<256xi32, #tpu.memory_space<vmem>>, vector<16xi32>,
    %mul3A_1379 = arith.constant 16 : i32
    %mul3A_1380 = vector.broadcast %mul3A_1379 : i32 to vector<16xi32>
    %mul3A_1381 = arith.muli %iota3A, %mul3A_1380 : vector<16xi32>
    %gather3A_1382 = tpu.vector_load_idx %arg7[%mul3A_1381] : memref<256xi32, #tpu.memory_space<vmem>>[vector<16xi32>], vector<16xi32>,
    %rev3A_1383 = arith.constant 15 : i32
    %rev3A_1384 = vector.broadcast %rev3A_1383 : i32 to vector<16xi32>
    %rev3A_1385 = tpu.iota {dimensions = array<i32: 0>} : vector<16xi32>
    %rev3A_1386 = arith.subi %rev3A_1384, %rev3A_1385 : vector<16xi32>
    %rev3A_1387 = tpu.dynamic_gather %gather3A_1382[%rev3A_1386] in [0] : vector<16xi32>, vector<16xi32> -> vector<16xi32>
    %broadcast_in_dim3A_1388 = arith.constant true
    %broadcast_in_dim3A_1389 = vector.broadcast %broadcast_in_dim3A_1388 : i1 to vector<16xi1>
    %masked_cumsum3A_1390 = tpu.scan <sum>, %rev3A_1387 masked %broadcast_in_dim3A_1389 : vector<16xi32>, vector<16xi1> -> vector<16xi32>
    %rev3A_1391 = arith.constant 15 : i32
    %rev3A_1392 = vector.broadcast %rev3A_1391 : i32 to vector<16xi32>
    %rev3A_1393 = tpu.iota {dimensions = array<i32: 0>} : vector<16xi32>
    %rev3A_1394 = arith.subi %rev3A_1392, %rev3A_1393 : vector<16xi32>
    %rev3A_1395 = tpu.dynamic_gather %masked_cumsum3A_1390[%rev3A_1394] in [0] : vector<16xi32>, vector<16xi32> -> vector<16xi32>
    %ge3A_1396 = vector.broadcast %sub3A_1273 : i32 to vector<16xi32>
    %ge3A_1397 = arith.cmpi sge, %rev3A_1395, %ge3A_1396 : vector<16xi32>
    %jit3A_1398 = arith.constant -1 : i32
    %broadcast_in_dim3A_1399 = vector.broadcast %jit3A_1398 : i32 to vector<16xi32>
    %select_n3A_1400 = arith.select %ge3A_1397, %iota3A, %broadcast_in_dim3A_1399 : vector<16xi1>, vector<16xi32>
    %reduce_max3A_1401 = arith.constant true
    %reduce_max3A_1402 = vector.broadcast %reduce_max3A_1401 : i1 to vector<16xi1>
    %reduce_max3A_1403 = arith.constant -2147483648 : i32
    %reduce_max3A_1404 = vector.broadcast %reduce_max3A_1403 : i32 to vector<16xi32>
    %reduce_max3A_1405 = arith.xori %select_n3A_1400, %reduce_max3A_1404 : vector<16xi32>
    %reduce_max3A_1406 = tpu.scan <max>, %reduce_max3A_1405 masked %reduce_max3A_1402 : vector<16xi32>, vector<16xi1> -> vector<16xi32>
    %reduce_max3A_1407 = arith.xori %reduce_max3A_1406, %reduce_max3A_1404 : vector<16xi32>
    %reduce_max3A_1408 = vector.extract %reduce_max3A_1407[15] : i32 from vector<16xi32>
    %mul3A_1409 = arith.constant 0 : i32
    %mul3A_1410 = vector.broadcast %mul3A_1409 : i32 to vector<16xi32>
    %mul3A_1411 = arith.muli %iota3A, %mul3A_1410 : vector<16xi32>
    %add3A_1412 = vector.broadcast %reduce_max3A_1408 : i32 to vector<16xi32>
    %add3A_1413 = arith.addi %mul3A_1411, %add3A_1412 : vector<16xi32>
    %add3A_1414 = arith.constant 1 : i32
    %add3A_1415 = vector.broadcast %add3A_1414 : i32 to vector<16xi32>
    %add3A_1416 = arith.addi %add3A_1413, %add3A_1415 : vector<16xi32>
    %eq3A_1417 = arith.cmpi eq, %iota3A, %add3A_1416 : vector<16xi32>
    %jit3A_1418 = arith.constant 0 : i32
    %broadcast_in_dim3A_1419 = vector.broadcast %jit3A_1418 : i32 to vector<16xi32>
    %select_n3A_1420 = arith.select %eq3A_1417, %rev3A_1395, %broadcast_in_dim3A_1419 : vector<16xi1>, vector<16xi32>
    %reduce_max3A_1421 = arith.constant true
    %reduce_max3A_1422 = vector.broadcast %reduce_max3A_1421 : i1 to vector<16xi1>
    %reduce_max3A_1423 = arith.constant -2147483648 : i32
    %reduce_max3A_1424 = vector.broadcast %reduce_max3A_1423 : i32 to vector<16xi32>
    %reduce_max3A_1425 = arith.xori %select_n3A_1420, %reduce_max3A_1424 : vector<16xi32>
    %reduce_max3A_1426 = tpu.scan <max>, %reduce_max3A_1425 masked %reduce_max3A_1422 : vector<16xi32>, vector<16xi1> -> vector<16xi32>
    %reduce_max3A_1427 = arith.xori %reduce_max3A_1426, %reduce_max3A_1424 : vector<16xi32>
    %reduce_max3A_1428 = vector.extract %reduce_max3A_1427[15] : i32 from vector<16xi32>
    %max3A_1429 = arith.constant 0 : i32
    %max3A_1430 = vector.broadcast %max3A_1429 : i32 to vector<16xi32>
    %max3A_1431 = arith.maxsi %add3A_1413, %max3A_1430 : vector<16xi32>
    %mul3A_1432 = arith.constant 16 : i32
    %mul3A_1433 = vector.broadcast %mul3A_1432 : i32 to vector<16xi32>
    %mul3A_1434 = arith.muli %max3A_1431, %mul3A_1433 : vector<16xi32>
    %add3A_1435 = arith.addi %mul3A_1434, %iota3A : vector<16xi32>
    %gather3A_1436 = tpu.vector_load_idx %arg7[%add3A_1435] : memref<256xi32, #tpu.memory_space<vmem>>[vector<16xi32>], vector<16xi32>,
    %add3A_1437 = vector.broadcast %reduce_max3A_1428 : i32 to vector<16xi32>
    %add3A_1438 = arith.addi %gather3A_1436, %add3A_1437 : vector<16xi32>
    %ge3A_1439 = vector.broadcast %sub3A_1273 : i32 to vector<16xi32>
    %ge3A_1440 = arith.cmpi sge, %add3A_1438, %ge3A_1439 : vector<16xi32>
    %jit3A_1441 = arith.constant -1 : i32
    %broadcast_in_dim3A_1442 = vector.broadcast %jit3A_1441 : i32 to vector<16xi32>
    %select_n3A_1443 = arith.select %ge3A_1440, %iota3A, %broadcast_in_dim3A_1442 : vector<16xi1>, vector<16xi32>
    %reduce_max3A_1444 = arith.constant true
    %reduce_max3A_1445 = vector.broadcast %reduce_max3A_1444 : i1 to vector<16xi1>
    %reduce_max3A_1446 = arith.constant -2147483648 : i32
    %reduce_max3A_1447 = vector.broadcast %reduce_max3A_1446 : i32 to vector<16xi32>
    %reduce_max3A_1448 = arith.xori %select_n3A_1443, %reduce_max3A_1447 : vector<16xi32>
    %reduce_max3A_1449 = tpu.scan <max>, %reduce_max3A_1448 masked %reduce_max3A_1445 : vector<16xi32>, vector<16xi1> -> vector<16xi32>
    %reduce_max3A_1450 = arith.xori %reduce_max3A_1449, %reduce_max3A_1447 : vector<16xi32>
    %reduce_max3A_1451 = vector.extract %reduce_max3A_1450[15] : i32 from vector<16xi32>
    %mul3A_1452 = arith.constant 0 : i32
    %mul3A_1453 = vector.broadcast %mul3A_1452 : i32 to vector<16xi32>
    %mul3A_1454 = arith.muli %iota3A, %mul3A_1453 : vector<16xi32>
    %add3A_1455 = vector.broadcast %reduce_max3A_1451 : i32 to vector<16xi32>
    %add3A_1456 = arith.addi %mul3A_1454, %add3A_1455 : vector<16xi32>
    %add3A_1457 = arith.constant 1 : i32
    %add3A_1458 = vector.broadcast %add3A_1457 : i32 to vector<16xi32>
    %add3A_1459 = arith.addi %add3A_1456, %add3A_1458 : vector<16xi32>
    %eq3A_1460 = arith.cmpi eq, %iota3A, %add3A_1459 : vector<16xi32>
    %jit3A_1461 = arith.constant 0 : i32
    %broadcast_in_dim3A_1462 = vector.broadcast %jit3A_1461 : i32 to vector<16xi32>
    %select_n3A_1463 = arith.select %eq3A_1460, %add3A_1438, %broadcast_in_dim3A_1462 : vector<16xi1>, vector<16xi32>
    %reduce_max3A_1464 = arith.constant true
    %reduce_max3A_1465 = vector.broadcast %reduce_max3A_1464 : i1 to vector<16xi1>
    %reduce_max3A_1466 = arith.constant -2147483648 : i32
    %reduce_max3A_1467 = vector.broadcast %reduce_max3A_1466 : i32 to vector<16xi32>
    %reduce_max3A_1468 = arith.xori %select_n3A_1463, %reduce_max3A_1467 : vector<16xi32>
    %reduce_max3A_1469 = tpu.scan <max>, %reduce_max3A_1468 masked %reduce_max3A_1465 : vector<16xi32>, vector<16xi1> -> vector<16xi32>
    %reduce_max3A_1470 = arith.xori %reduce_max3A_1469, %reduce_max3A_1467 : vector<16xi32>
    %reduce_max3A_1471 = vector.extract %reduce_max3A_1470[15] : i32 from vector<16xi32>
    %eq3A_1472 = arith.constant 15 : i32
    %eq3A_1473 = arith.cmpi eq, %reduce_max3A_1451, %eq3A_1472 : i32
    %select_n3A_1474 = arith.select %eq3A_1473, %reduce_max3A_1428, %reduce_max3A_1471 : i32
    %mul3A_1475 = arith.constant 16 : i32
    %mul3A_1476 = arith.muli %reduce_max3A_1408, %mul3A_1475 : i32
    %add3A_1477 = arith.addi %mul3A_1476, %reduce_max3A_1451 : i32
    %mul3A_1478 = arith.constant 0 : i32
    %mul3A_1479 = vector.broadcast %mul3A_1478 : i32 to vector<16xi32>
    %mul3A_1480 = arith.muli %iota3A, %mul3A_1479 : vector<16xi32>
    %add3A_1481 = vector.broadcast %add3A_1477 : i32 to vector<16xi32>
    %add3A_1482 = arith.addi %mul3A_1480, %add3A_1481 : vector<16xi32>
    %max3A_1483 = arith.constant 0 : i32
    %max3A_1484 = vector.broadcast %max3A_1483 : i32 to vector<16xi32>
    %max3A_1485 = arith.maxsi %add3A_1482, %max3A_1484 : vector<16xi32>
    %mul3A_1486 = arith.constant 16 : i32
    %mul3A_1487 = vector.broadcast %mul3A_1486 : i32 to vector<16xi32>
    %mul3A_1488 = arith.muli %max3A_1485, %mul3A_1487 : vector<16xi32>
    %add3A_1489 = arith.addi %mul3A_1488, %iota3A : vector<16xi32>
    %gather3A_1490 = tpu.vector_load_idx %arg6[%add3A_1489] : memref<2048xi32, #tpu.memory_space<vmem>>[vector<16xi32>], vector<16xi32>,
    %add3A_1491 = vector.broadcast %select_n3A_1474 : i32 to vector<16xi32>
    %add3A_1492 = arith.addi %gather3A_1490, %add3A_1491 : vector<16xi32>
    %ge3A_1493 = vector.broadcast %sub3A_1273 : i32 to vector<16xi32>
    %ge3A_1494 = arith.cmpi sge, %add3A_1492, %ge3A_1493 : vector<16xi32>
    %jit3A_1495 = arith.constant -1 : i32
    %broadcast_in_dim3A_1496 = vector.broadcast %jit3A_1495 : i32 to vector<16xi32>
    %select_n3A_1497 = arith.select %ge3A_1494, %iota3A, %broadcast_in_dim3A_1496 : vector<16xi1>, vector<16xi32>
    %reduce_max3A_1498 = arith.constant true
    %reduce_max3A_1499 = vector.broadcast %reduce_max3A_1498 : i1 to vector<16xi1>
    %reduce_max3A_1500 = arith.constant -2147483648 : i32
    %reduce_max3A_1501 = vector.broadcast %reduce_max3A_1500 : i32 to vector<16xi32>
    %reduce_max3A_1502 = arith.xori %select_n3A_1497, %reduce_max3A_1501 : vector<16xi32>
    %reduce_max3A_1503 = tpu.scan <max>, %reduce_max3A_1502 masked %reduce_max3A_1499 : vector<16xi32>, vector<16xi1> -> vector<16xi32>
    %reduce_max3A_1504 = arith.xori %reduce_max3A_1503, %reduce_max3A_1501 : vector<16xi32>
    %reduce_max3A_1505 = vector.extract %reduce_max3A_1504[15] : i32 from vector<16xi32>
    %mul3A_1506 = arith.constant 0 : i32
    %mul3A_1507 = vector.broadcast %mul3A_1506 : i32 to vector<16xi32>
    %mul3A_1508 = arith.muli %iota3A, %mul3A_1507 : vector<16xi32>
    %add3A_1509 = vector.broadcast %reduce_max3A_1505 : i32 to vector<16xi32>
    %add3A_1510 = arith.addi %mul3A_1508, %add3A_1509 : vector<16xi32>
    %add3A_1511 = arith.constant 1 : i32
    %add3A_1512 = vector.broadcast %add3A_1511 : i32 to vector<16xi32>
    %add3A_1513 = arith.addi %add3A_1510, %add3A_1512 : vector<16xi32>
    %eq3A_1514 = arith.cmpi eq, %iota3A, %add3A_1513 : vector<16xi32>
    %jit3A_1515 = arith.constant 0 : i32
    %broadcast_in_dim3A_1516 = vector.broadcast %jit3A_1515 : i32 to vector<16xi32>
    %select_n3A_1517 = arith.select %eq3A_1514, %add3A_1492, %broadcast_in_dim3A_1516 : vector<16xi1>, vector<16xi32>
    %reduce_max3A_1518 = arith.constant true
    %reduce_max3A_1519 = vector.broadcast %reduce_max3A_1518 : i1 to vector<16xi1>
    %reduce_max3A_1520 = arith.constant -2147483648 : i32
    %reduce_max3A_1521 = vector.broadcast %reduce_max3A_1520 : i32 to vector<16xi32>
    %reduce_max3A_1522 = arith.xori %select_n3A_1517, %reduce_max3A_1521 : vector<16xi32>
    %reduce_max3A_1523 = tpu.scan <max>, %reduce_max3A_1522 masked %reduce_max3A_1519 : vector<16xi32>, vector<16xi1> -> vector<16xi32>
    %reduce_max3A_1524 = arith.xori %reduce_max3A_1523, %reduce_max3A_1521 : vector<16xi32>
    %reduce_max3A_1525 = vector.extract %reduce_max3A_1524[15] : i32 from vector<16xi32>
    %eq3A_1526 = arith.constant 15 : i32
    %eq3A_1527 = arith.cmpi eq, %reduce_max3A_1505, %eq3A_1526 : i32
    %select_n3A_1528 = arith.select %eq3A_1527, %select_n3A_1474, %reduce_max3A_1525 : i32
    %mul3A_1529 = arith.constant 16 : i32
    %mul3A_1530 = arith.muli %add3A_1477, %mul3A_1529 : i32
    %add3A_1531 = arith.addi %mul3A_1530, %reduce_max3A_1505 : i32
    %sub3A_1532 = arith.subi %sub3A_1273, %select_n3A_1528 : i32
    %shift_left3A_1533 = arith.constant 10 : i32
    %shift_left3A_1534 = arith.shli %add3A_1271, %shift_left3A_1533 : i32
    %or3A_1535 = arith.ori %shift_left3A_1534, %add3A_1531 : i32
    %shift_left3A_1536 = arith.constant 10 : i32
    %shift_left3A_1537 = arith.shli %or3A_1535, %shift_left3A_1536 : i32
    %parallel_loop3A_1538 = arith.constant 0 : i32
    %parallel_loop3A_1539 = arith.constant 2048 : i32
    %parallel_loop3A_1540 = arith.constant 1 : i32
    %parallel_loop3A_1541 = arith.constant 1024 : i32
    scf.for %parallel_loop3A_1842 = %parallel_loop3A_1538 to %parallel_loop3A_1539 step %parallel_loop3A_1540  : i32 {
      %parallel_loop3A_1843 = arith.constant 16 : i32
      %parallel_loop3A_1844 = arith.muli %parallel_loop3A_1842, %parallel_loop3A_1843 : i32
      %parallel_loop3A_1845 = arith.constant 1 : i32
      %parallel_loop3A_1846 = arith.index_cast %parallel_loop3A_1845 : i32 to index
      %parallel_loop3A_1847 = arith.index_cast %parallel_loop3A_1844 : i32 to index
      %parallel_loop3A_1848 = tpu.vector_load %arg4[%parallel_loop3A_1846, %parallel_loop3A_1847] {strides = array<i32>} : memref<2x32768xf32, #tpu.memory_space<vmem>>, vector<16xf32>,
      %parallel_loop3A_1849 = tpu.bitcast %parallel_loop3A_1848 : vector<16xf32> -> vector<16xi32>
      %parallel_loop3A_1850 = arith.constant 2147483647 : i32
      %parallel_loop3A_1851 = vector.broadcast %parallel_loop3A_1850 : i32 to vector<16xi32>
      %parallel_loop3A_1852 = arith.andi %parallel_loop3A_1849, %parallel_loop3A_1851 : vector<16xi32>
      %parallel_loop3A_1853 = vector.broadcast %shift_left3A_1537 : i32 to vector<16xi32>
      %parallel_loop3A_1854 = arith.subi %parallel_loop3A_1852, %parallel_loop3A_1853 : vector<16xi32>
      %parallel_loop3A_1855 = tpu.bitcast %parallel_loop3A_1854 : vector<16xi32> -> vector<16xi32>
      %parallel_loop3A_1856 = vector.broadcast %parallel_loop3A_1541 : i32 to vector<16xi32>
      %parallel_loop3A_1857 = arith.cmpi ult, %parallel_loop3A_1855, %parallel_loop3A_1856 : vector<16xi32>
      %parallel_loop3A_1858 = arith.constant 0 : i32
      %parallel_loop3A_1859 = vector.broadcast %parallel_loop3A_1858 : i32 to vector<16xi32>
      %parallel_loop3A_1860 = arith.shrsi %parallel_loop3A_1854, %parallel_loop3A_1859 : vector<16xi32>
      tpu.vector_store_idx %arg5[%parallel_loop3A_1860], %broadcast_in_dim3A_32 masked %parallel_loop3A_1857 {add = true} : memref<2048xi32, #tpu.memory_space<vmem>>[vector<16xi32>], vector<16xi32>, vector<16xi1>
    } {sc.loop_unroll_factor = 8 : i64, sc.parallel_access}
    %parallel_loop3A_1542 = arith.constant 0 : i32
    %parallel_loop3A_1543 = arith.constant 64 : i32
    %parallel_loop3A_1544 = arith.constant 1 : i32
    scf.for %parallel_loop3A_1842 = %parallel_loop3A_1542 to %parallel_loop3A_1543 step %parallel_loop3A_1544  : i32 {
      %parallel_loop3A_1843 = arith.constant 16 : i32
      %parallel_loop3A_1844 = arith.muli %parallel_loop3A_1842, %parallel_loop3A_1843 : i32
      %parallel_loop3A_1845 = arith.index_cast %parallel_loop3A_1844 : i32 to index
      %parallel_loop3A_1846 = tpu.vector_load %arg5[%parallel_loop3A_1845] {strides = array<i32>} : memref<2048xi32, #tpu.memory_space<vmem>>, vector<16xi32>,
      %parallel_loop3A_1847 = arith.constant 16 : i32
      %parallel_loop3A_1848 = arith.muli %parallel_loop3A_1842, %parallel_loop3A_1847 : i32
      %parallel_loop3A_1849 = arith.index_cast %parallel_loop3A_1848 : i32 to index
      %parallel_loop3A_1850 = tpu.vector_load %arg5[%parallel_loop3A_1849] {strides = array<i32>} : memref<2048xi32, #tpu.memory_space<vmem>>, vector<16xi32>,
      tpu.vector_store %arg5[%parallel_loop3A_1849], %broadcast_in_dim3A_34 {strides = array<i32>} : memref<2048xi32, #tpu.memory_space<vmem>>, vector<16xi32>,
      %parallel_loop3A_1851 = arith.constant 15 : i32
      %parallel_loop3A_1852 = vector.broadcast %parallel_loop3A_1851 : i32 to vector<16xi32>
      %parallel_loop3A_1853 = tpu.iota {dimensions = array<i32: 0>} : vector<16xi32>
      %parallel_loop3A_1854 = arith.subi %parallel_loop3A_1852, %parallel_loop3A_1853 : vector<16xi32>
      %parallel_loop3A_1855 = tpu.dynamic_gather %parallel_loop3A_1846[%parallel_loop3A_1854] in [0] : vector<16xi32>, vector<16xi32> -> vector<16xi32>
      %parallel_loop3A_1856 = arith.constant true
      %parallel_loop3A_1857 = vector.broadcast %parallel_loop3A_1856 : i1 to vector<16xi1>
      %parallel_loop3A_1858 = tpu.scan <sum>, %parallel_loop3A_1855 masked %parallel_loop3A_1857 : vector<16xi32>, vector<16xi1> -> vector<16xi32>
      %parallel_loop3A_1859 = arith.constant 15 : i32
      %parallel_loop3A_1860 = vector.broadcast %parallel_loop3A_1859 : i32 to vector<16xi32>
      %parallel_loop3A_1861 = tpu.iota {dimensions = array<i32: 0>} : vector<16xi32>
      %parallel_loop3A_1862 = arith.subi %parallel_loop3A_1860, %parallel_loop3A_1861 : vector<16xi32>
      %parallel_loop3A_1863 = tpu.dynamic_gather %parallel_loop3A_1858[%parallel_loop3A_1862] in [0] : vector<16xi32>, vector<16xi32> -> vector<16xi32>
      %parallel_loop3A_1864 = arith.constant 16 : i32
      %parallel_loop3A_1865 = arith.muli %parallel_loop3A_1842, %parallel_loop3A_1864 : i32
      %parallel_loop3A_1866 = arith.index_cast %parallel_loop3A_1865 : i32 to index
      %parallel_loop3A_1867 = tpu.vector_load %arg6[%parallel_loop3A_1866] {strides = array<i32>} : memref<2048xi32, #tpu.memory_space<vmem>>, vector<16xi32>,
      tpu.vector_store %arg6[%parallel_loop3A_1866], %parallel_loop3A_1863 {strides = array<i32>} : memref<2048xi32, #tpu.memory_space<vmem>>, vector<16xi32>,
    } {sc.loop_unroll_factor = 4 : i64, sc.parallel_access}
    %add3A_1545 = arith.constant 0 : i32
    %add3A_1546 = vector.broadcast %add3A_1545 : i32 to vector<16xi32>
    %add3A_1547 = arith.addi %add3A_1546, %iota3A : vector<16xi32>
    %mul3A_1548 = arith.constant 16 : i32
    %mul3A_1549 = vector.broadcast %mul3A_1548 : i32 to vector<16xi32>
    %mul3A_1550 = arith.muli %add3A_1547, %mul3A_1549 : vector<16xi32>
    %gather3A_1551 = tpu.vector_load_idx %arg6[%mul3A_1550] : memref<2048xi32, #tpu.memory_space<vmem>>[vector<16xi32>], vector<16xi32>,
    %rev3A_1552 = arith.constant 15 : i32
    %rev3A_1553 = vector.broadcast %rev3A_1552 : i32 to vector<16xi32>
    %rev3A_1554 = tpu.iota {dimensions = array<i32: 0>} : vector<16xi32>
    %rev3A_1555 = arith.subi %rev3A_1553, %rev3A_1554 : vector<16xi32>
    %rev3A_1556 = tpu.dynamic_gather %gather3A_1551[%rev3A_1555] in [0] : vector<16xi32>, vector<16xi32> -> vector<16xi32>
    %broadcast_in_dim3A_1557 = arith.constant true
    %broadcast_in_dim3A_1558 = vector.broadcast %broadcast_in_dim3A_1557 : i1 to vector<16xi1>
    %masked_cumsum3A_1559 = tpu.scan <sum>, %rev3A_1556 masked %broadcast_in_dim3A_1558 : vector<16xi32>, vector<16xi1> -> vector<16xi32>
    %rev3A_1560 = arith.constant 15 : i32
    %rev3A_1561 = vector.broadcast %rev3A_1560 : i32 to vector<16xi32>
    %rev3A_1562 = tpu.iota {dimensions = array<i32: 0>} : vector<16xi32>
    %rev3A_1563 = arith.subi %rev3A_1561, %rev3A_1562 : vector<16xi32>
    %rev3A_1564 = tpu.dynamic_gather %masked_cumsum3A_1559[%rev3A_1563] in [0] : vector<16xi32>, vector<16xi32> -> vector<16xi32>
    %swap3A_1565 = arith.constant 0 : index
    %swap3A_1566 = tpu.vector_load %arg7[%swap3A_1565] {strides = array<i32>} : memref<256xi32, #tpu.memory_space<vmem>>, vector<16xi32>,
    tpu.vector_store %arg7[%swap3A_1565], %rev3A_1564 {strides = array<i32>} : memref<256xi32, #tpu.memory_space<vmem>>, vector<16xi32>,
    %add3A_1567 = arith.constant 16 : i32
    %add3A_1568 = vector.broadcast %add3A_1567 : i32 to vector<16xi32>
    %add3A_1569 = arith.addi %add3A_1568, %iota3A : vector<16xi32>
    %mul3A_1570 = arith.constant 16 : i32
    %mul3A_1571 = vector.broadcast %mul3A_1570 : i32 to vector<16xi32>
    %mul3A_1572 = arith.muli %add3A_1569, %mul3A_1571 : vector<16xi32>
    %gather3A_1573 = tpu.vector_load_idx %arg6[%mul3A_1572] : memref<2048xi32, #tpu.memory_space<vmem>>[vector<16xi32>], vector<16xi32>,
    %rev3A_1574 = arith.constant 15 : i32
    %rev3A_1575 = vector.broadcast %rev3A_1574 : i32 to vector<16xi32>
    %rev3A_1576 = tpu.iota {dimensions = array<i32: 0>} : vector<16xi32>
    %rev3A_1577 = arith.subi %rev3A_1575, %rev3A_1576 : vector<16xi32>
    %rev3A_1578 = tpu.dynamic_gather %gather3A_1573[%rev3A_1577] in [0] : vector<16xi32>, vector<16xi32> -> vector<16xi32>
    %broadcast_in_dim3A_1579 = arith.constant true
    %broadcast_in_dim3A_1580 = vector.broadcast %broadcast_in_dim3A_1579 : i1 to vector<16xi1>
    %masked_cumsum3A_1581 = tpu.scan <sum>, %rev3A_1578 masked %broadcast_in_dim3A_1580 : vector<16xi32>, vector<16xi1> -> vector<16xi32>
    %rev3A_1582 = arith.constant 15 : i32
    %rev3A_1583 = vector.broadcast %rev3A_1582 : i32 to vector<16xi32>
    %rev3A_1584 = tpu.iota {dimensions = array<i32: 0>} : vector<16xi32>
    %rev3A_1585 = arith.subi %rev3A_1583, %rev3A_1584 : vector<16xi32>
    %rev3A_1586 = tpu.dynamic_gather %masked_cumsum3A_1581[%rev3A_1585] in [0] : vector<16xi32>, vector<16xi32> -> vector<16xi32>
    %swap3A_1587 = arith.constant 16 : index
    %swap3A_1588 = tpu.vector_load %arg7[%swap3A_1587] {strides = array<i32>} : memref<256xi32, #tpu.memory_space<vmem>>, vector<16xi32>,
    tpu.vector_store %arg7[%swap3A_1587], %rev3A_1586 {strides = array<i32>} : memref<256xi32, #tpu.memory_space<vmem>>, vector<16xi32>,
    %add3A_1589 = arith.constant 32 : i32
    %add3A_1590 = vector.broadcast %add3A_1589 : i32 to vector<16xi32>
    %add3A_1591 = arith.addi %add3A_1590, %iota3A : vector<16xi32>
    %mul3A_1592 = arith.constant 16 : i32
    %mul3A_1593 = vector.broadcast %mul3A_1592 : i32 to vector<16xi32>
    %mul3A_1594 = arith.muli %add3A_1591, %mul3A_1593 : vector<16xi32>
    %gather3A_1595 = tpu.vector_load_idx %arg6[%mul3A_1594] : memref<2048xi32, #tpu.memory_space<vmem>>[vector<16xi32>], vector<16xi32>,
    %rev3A_1596 = arith.constant 15 : i32
    %rev3A_1597 = vector.broadcast %rev3A_1596 : i32 to vector<16xi32>
    %rev3A_1598 = tpu.iota {dimensions = array<i32: 0>} : vector<16xi32>
    %rev3A_1599 = arith.subi %rev3A_1597, %rev3A_1598 : vector<16xi32>
    %rev3A_1600 = tpu.dynamic_gather %gather3A_1595[%rev3A_1599] in [0] : vector<16xi32>, vector<16xi32> -> vector<16xi32>
    %broadcast_in_dim3A_1601 = arith.constant true
    %broadcast_in_dim3A_1602 = vector.broadcast %broadcast_in_dim3A_1601 : i1 to vector<16xi1>
    %masked_cumsum3A_1603 = tpu.scan <sum>, %rev3A_1600 masked %broadcast_in_dim3A_1602 : vector<16xi32>, vector<16xi1> -> vector<16xi32>
    %rev3A_1604 = arith.constant 15 : i32
    %rev3A_1605 = vector.broadcast %rev3A_1604 : i32 to vector<16xi32>
    %rev3A_1606 = tpu.iota {dimensions = array<i32: 0>} : vector<16xi32>
    %rev3A_1607 = arith.subi %rev3A_1605, %rev3A_1606 : vector<16xi32>
    %rev3A_1608 = tpu.dynamic_gather %masked_cumsum3A_1603[%rev3A_1607] in [0] : vector<16xi32>, vector<16xi32> -> vector<16xi32>
    %swap3A_1609 = arith.constant 32 : index
    %swap3A_1610 = tpu.vector_load %arg7[%swap3A_1609] {strides = array<i32>} : memref<256xi32, #tpu.memory_space<vmem>>, vector<16xi32>,
    tpu.vector_store %arg7[%swap3A_1609], %rev3A_1608 {strides = array<i32>} : memref<256xi32, #tpu.memory_space<vmem>>, vector<16xi32>,
    %add3A_1611 = arith.constant 48 : i32
    %add3A_1612 = vector.broadcast %add3A_1611 : i32 to vector<16xi32>
    %add3A_1613 = arith.addi %add3A_1612, %iota3A : vector<16xi32>
    %mul3A_1614 = arith.constant 16 : i32
    %mul3A_1615 = vector.broadcast %mul3A_1614 : i32 to vector<16xi32>
    %mul3A_1616 = arith.muli %add3A_1613, %mul3A_1615 : vector<16xi32>
    %gather3A_1617 = tpu.vector_load_idx %arg6[%mul3A_1616] : memref<2048xi32, #tpu.memory_space<vmem>>[vector<16xi32>], vector<16xi32>,
    %rev3A_1618 = arith.constant 15 : i32
    %rev3A_1619 = vector.broadcast %rev3A_1618 : i32 to vector<16xi32>
    %rev3A_1620 = tpu.iota {dimensions = array<i32: 0>} : vector<16xi32>
    %rev3A_1621 = arith.subi %rev3A_1619, %rev3A_1620 : vector<16xi32>
    %rev3A_1622 = tpu.dynamic_gather %gather3A_1617[%rev3A_1621] in [0] : vector<16xi32>, vector<16xi32> -> vector<16xi32>
    %broadcast_in_dim3A_1623 = arith.constant true
    %broadcast_in_dim3A_1624 = vector.broadcast %broadcast_in_dim3A_1623 : i1 to vector<16xi1>
    %masked_cumsum3A_1625 = tpu.scan <sum>, %rev3A_1622 masked %broadcast_in_dim3A_1624 : vector<16xi32>, vector<16xi1> -> vector<16xi32>
    %rev3A_1626 = arith.constant 15 : i32
    %rev3A_1627 = vector.broadcast %rev3A_1626 : i32 to vector<16xi32>
    %rev3A_1628 = tpu.iota {dimensions = array<i32: 0>} : vector<16xi32>
    %rev3A_1629 = arith.subi %rev3A_1627, %rev3A_1628 : vector<16xi32>
    %rev3A_1630 = tpu.dynamic_gather %masked_cumsum3A_1625[%rev3A_1629] in [0] : vector<16xi32>, vector<16xi32> -> vector<16xi32>
    %swap3A_1631 = arith.constant 48 : index
    %swap3A_1632 = tpu.vector_load %arg7[%swap3A_1631] {strides = array<i32>} : memref<256xi32, #tpu.memory_space<vmem>>, vector<16xi32>,
    tpu.vector_store %arg7[%swap3A_1631], %rev3A_1630 {strides = array<i32>} : memref<256xi32, #tpu.memory_space<vmem>>, vector<16xi32>,
    %swap3A_1633 = arith.constant 64 : index
    %swap3A_1634 = tpu.vector_load %arg7[%swap3A_1633] {strides = array<i32>} : memref<256xi32, #tpu.memory_space<vmem>>, vector<16xi32>,
    tpu.vector_store %arg7[%swap3A_1633], %broadcast_in_dim3A_34 {strides = array<i32>} : memref<256xi32, #tpu.memory_space<vmem>>, vector<16xi32>,
    %swap3A_1635 = arith.constant 80 : index
    %swap3A_1636 = tpu.vector_load %arg7[%swap3A_1635] {strides = array<i32>} : memref<256xi32, #tpu.memory_space<vmem>>, vector<16xi32>,
    tpu.vector_store %arg7[%swap3A_1635], %broadcast_in_dim3A_34 {strides = array<i32>} : memref<256xi32, #tpu.memory_space<vmem>>, vector<16xi32>,
    %swap3A_1637 = arith.constant 96 : index
    %swap3A_1638 = tpu.vector_load %arg7[%swap3A_1637] {strides = array<i32>} : memref<256xi32, #tpu.memory_space<vmem>>, vector<16xi32>,
    tpu.vector_store %arg7[%swap3A_1637], %broadcast_in_dim3A_34 {strides = array<i32>} : memref<256xi32, #tpu.memory_space<vmem>>, vector<16xi32>,
    %swap3A_1639 = arith.constant 112 : index
    %swap3A_1640 = tpu.vector_load %arg7[%swap3A_1639] {strides = array<i32>} : memref<256xi32, #tpu.memory_space<vmem>>, vector<16xi32>,
    tpu.vector_store %arg7[%swap3A_1639], %broadcast_in_dim3A_34 {strides = array<i32>} : memref<256xi32, #tpu.memory_space<vmem>>, vector<16xi32>,
    %mul3A_1641 = arith.constant 16 : i32
    %mul3A_1642 = vector.broadcast %mul3A_1641 : i32 to vector<16xi32>
    %mul3A_1643 = arith.muli %iota3A, %mul3A_1642 : vector<16xi32>
    %gather3A_1644 = tpu.vector_load_idx %arg7[%mul3A_1643] : memref<256xi32, #tpu.memory_space<vmem>>[vector<16xi32>], vector<16xi32>,
    %rev3A_1645 = arith.constant 15 : i32
    %rev3A_1646 = vector.broadcast %rev3A_1645 : i32 to vector<16xi32>
    %rev3A_1647 = tpu.iota {dimensions = array<i32: 0>} : vector<16xi32>
    %rev3A_1648 = arith.subi %rev3A_1646, %rev3A_1647 : vector<16xi32>
    %rev3A_1649 = tpu.dynamic_gather %gather3A_1644[%rev3A_1648] in [0] : vector<16xi32>, vector<16xi32> -> vector<16xi32>
    %broadcast_in_dim3A_1650 = arith.constant true
    %broadcast_in_dim3A_1651 = vector.broadcast %broadcast_in_dim3A_1650 : i1 to vector<16xi1>
    %masked_cumsum3A_1652 = tpu.scan <sum>, %rev3A_1649 masked %broadcast_in_dim3A_1651 : vector<16xi32>, vector<16xi1> -> vector<16xi32>
    %rev3A_1653 = arith.constant 15 : i32
    %rev3A_1654 = vector.broadcast %rev3A_1653 : i32 to vector<16xi32>
    %rev3A_1655 = tpu.iota {dimensions = array<i32: 0>} : vector<16xi32>
    %rev3A_1656 = arith.subi %rev3A_1654, %rev3A_1655 : vector<16xi32>
    %rev3A_1657 = tpu.dynamic_gather %masked_cumsum3A_1652[%rev3A_1656] in [0] : vector<16xi32>, vector<16xi32> -> vector<16xi32>
    %ge3A_1658 = vector.broadcast %sub3A_1532 : i32 to vector<16xi32>
    %ge3A_1659 = arith.cmpi sge, %rev3A_1657, %ge3A_1658 : vector<16xi32>
    %jit3A_1660 = arith.constant -1 : i32
    %broadcast_in_dim3A_1661 = vector.broadcast %jit3A_1660 : i32 to vector<16xi32>
    %select_n3A_1662 = arith.select %ge3A_1659, %iota3A, %broadcast_in_dim3A_1661 : vector<16xi1>, vector<16xi32>
    %reduce_max3A_1663 = arith.constant true
    %reduce_max3A_1664 = vector.broadcast %reduce_max3A_1663 : i1 to vector<16xi1>
    %reduce_max3A_1665 = arith.constant -2147483648 : i32
    %reduce_max3A_1666 = vector.broadcast %reduce_max3A_1665 : i32 to vector<16xi32>
    %reduce_max3A_1667 = arith.xori %select_n3A_1662, %reduce_max3A_1666 : vector<16xi32>
    %reduce_max3A_1668 = tpu.scan <max>, %reduce_max3A_1667 masked %reduce_max3A_1664 : vector<16xi32>, vector<16xi1> -> vector<16xi32>
    %reduce_max3A_1669 = arith.xori %reduce_max3A_1668, %reduce_max3A_1666 : vector<16xi32>
    %reduce_max3A_1670 = vector.extract %reduce_max3A_1669[15] : i32 from vector<16xi32>
    %mul3A_1671 = arith.constant 0 : i32
    %mul3A_1672 = vector.broadcast %mul3A_1671 : i32 to vector<16xi32>
    %mul3A_1673 = arith.muli %iota3A, %mul3A_1672 : vector<16xi32>
    %add3A_1674 = vector.broadcast %reduce_max3A_1670 : i32 to vector<16xi32>
    %add3A_1675 = arith.addi %mul3A_1673, %add3A_1674 : vector<16xi32>
    %add3A_1676 = arith.constant 1 : i32
    %add3A_1677 = vector.broadcast %add3A_1676 : i32 to vector<16xi32>
    %add3A_1678 = arith.addi %add3A_1675, %add3A_1677 : vector<16xi32>
    %eq3A_1679 = arith.cmpi eq, %iota3A, %add3A_1678 : vector<16xi32>
    %jit3A_1680 = arith.constant 0 : i32
    %broadcast_in_dim3A_1681 = vector.broadcast %jit3A_1680 : i32 to vector<16xi32>
    %select_n3A_1682 = arith.select %eq3A_1679, %rev3A_1657, %broadcast_in_dim3A_1681 : vector<16xi1>, vector<16xi32>
    %reduce_max3A_1683 = arith.constant true
    %reduce_max3A_1684 = vector.broadcast %reduce_max3A_1683 : i1 to vector<16xi1>
    %reduce_max3A_1685 = arith.constant -2147483648 : i32
    %reduce_max3A_1686 = vector.broadcast %reduce_max3A_1685 : i32 to vector<16xi32>
    %reduce_max3A_1687 = arith.xori %select_n3A_1682, %reduce_max3A_1686 : vector<16xi32>
    %reduce_max3A_1688 = tpu.scan <max>, %reduce_max3A_1687 masked %reduce_max3A_1684 : vector<16xi32>, vector<16xi1> -> vector<16xi32>
    %reduce_max3A_1689 = arith.xori %reduce_max3A_1688, %reduce_max3A_1686 : vector<16xi32>
    %reduce_max3A_1690 = vector.extract %reduce_max3A_1689[15] : i32 from vector<16xi32>
    %max3A_1691 = arith.constant 0 : i32
    %max3A_1692 = vector.broadcast %max3A_1691 : i32 to vector<16xi32>
    %max3A_1693 = arith.maxsi %add3A_1675, %max3A_1692 : vector<16xi32>
    %mul3A_1694 = arith.constant 16 : i32
    %mul3A_1695 = vector.broadcast %mul3A_1694 : i32 to vector<16xi32>
    %mul3A_1696 = arith.muli %max3A_1693, %mul3A_1695 : vector<16xi32>
    %add3A_1697 = arith.addi %mul3A_1696, %iota3A : vector<16xi32>
    %gather3A_1698 = tpu.vector_load_idx %arg7[%add3A_1697] : memref<256xi32, #tpu.memory_space<vmem>>[vector<16xi32>], vector<16xi32>,
    %add3A_1699 = vector.broadcast %reduce_max3A_1690 : i32 to vector<16xi32>
    %add3A_1700 = arith.addi %gather3A_1698, %add3A_1699 : vector<16xi32>
    %ge3A_1701 = vector.broadcast %sub3A_1532 : i32 to vector<16xi32>
    %ge3A_1702 = arith.cmpi sge, %add3A_1700, %ge3A_1701 : vector<16xi32>
    %jit3A_1703 = arith.constant -1 : i32
    %broadcast_in_dim3A_1704 = vector.broadcast %jit3A_1703 : i32 to vector<16xi32>
    %select_n3A_1705 = arith.select %ge3A_1702, %iota3A, %broadcast_in_dim3A_1704 : vector<16xi1>, vector<16xi32>
    %reduce_max3A_1706 = arith.constant true
    %reduce_max3A_1707 = vector.broadcast %reduce_max3A_1706 : i1 to vector<16xi1>
    %reduce_max3A_1708 = arith.constant -2147483648 : i32
    %reduce_max3A_1709 = vector.broadcast %reduce_max3A_1708 : i32 to vector<16xi32>
    %reduce_max3A_1710 = arith.xori %select_n3A_1705, %reduce_max3A_1709 : vector<16xi32>
    %reduce_max3A_1711 = tpu.scan <max>, %reduce_max3A_1710 masked %reduce_max3A_1707 : vector<16xi32>, vector<16xi1> -> vector<16xi32>
    %reduce_max3A_1712 = arith.xori %reduce_max3A_1711, %reduce_max3A_1709 : vector<16xi32>
    %reduce_max3A_1713 = vector.extract %reduce_max3A_1712[15] : i32 from vector<16xi32>
    %mul3A_1714 = arith.constant 0 : i32
    %mul3A_1715 = vector.broadcast %mul3A_1714 : i32 to vector<16xi32>
    %mul3A_1716 = arith.muli %iota3A, %mul3A_1715 : vector<16xi32>
    %add3A_1717 = vector.broadcast %reduce_max3A_1713 : i32 to vector<16xi32>
    %add3A_1718 = arith.addi %mul3A_1716, %add3A_1717 : vector<16xi32>
    %add3A_1719 = arith.constant 1 : i32
    %add3A_1720 = vector.broadcast %add3A_1719 : i32 to vector<16xi32>
    %add3A_1721 = arith.addi %add3A_1718, %add3A_1720 : vector<16xi32>
    %eq3A_1722 = arith.cmpi eq, %iota3A, %add3A_1721 : vector<16xi32>
    %jit3A_1723 = arith.constant 0 : i32
    %broadcast_in_dim3A_1724 = vector.broadcast %jit3A_1723 : i32 to vector<16xi32>
    %select_n3A_1725 = arith.select %eq3A_1722, %add3A_1700, %broadcast_in_dim3A_1724 : vector<16xi1>, vector<16xi32>
    %reduce_max3A_1726 = arith.constant true
    %reduce_max3A_1727 = vector.broadcast %reduce_max3A_1726 : i1 to vector<16xi1>
    %reduce_max3A_1728 = arith.constant -2147483648 : i32
    %reduce_max3A_1729 = vector.broadcast %reduce_max3A_1728 : i32 to vector<16xi32>
    %reduce_max3A_1730 = arith.xori %select_n3A_1725, %reduce_max3A_1729 : vector<16xi32>
    %reduce_max3A_1731 = tpu.scan <max>, %reduce_max3A_1730 masked %reduce_max3A_1727 : vector<16xi32>, vector<16xi1> -> vector<16xi32>
    %reduce_max3A_1732 = arith.xori %reduce_max3A_1731, %reduce_max3A_1729 : vector<16xi32>
    %reduce_max3A_1733 = vector.extract %reduce_max3A_1732[15] : i32 from vector<16xi32>
    %eq3A_1734 = arith.constant 15 : i32
    %eq3A_1735 = arith.cmpi eq, %reduce_max3A_1713, %eq3A_1734 : i32
    %select_n3A_1736 = arith.select %eq3A_1735, %reduce_max3A_1690, %reduce_max3A_1733 : i32
    %mul3A_1737 = arith.constant 16 : i32
    %mul3A_1738 = arith.muli %reduce_max3A_1670, %mul3A_1737 : i32
    %add3A_1739 = arith.addi %mul3A_1738, %reduce_max3A_1713 : i32
    %mul3A_1740 = arith.constant 0 : i32
    %mul3A_1741 = vector.broadcast %mul3A_1740 : i32 to vector<16xi32>
    %mul3A_1742 = arith.muli %iota3A, %mul3A_1741 : vector<16xi32>
    %add3A_1743 = vector.broadcast %add3A_1739 : i32 to vector<16xi32>
    %add3A_1744 = arith.addi %mul3A_1742, %add3A_1743 : vector<16xi32>
    %max3A_1745 = arith.constant 0 : i32
    %max3A_1746 = vector.broadcast %max3A_1745 : i32 to vector<16xi32>
    %max3A_1747 = arith.maxsi %add3A_1744, %max3A_1746 : vector<16xi32>
    %mul3A_1748 = arith.constant 16 : i32
    %mul3A_1749 = vector.broadcast %mul3A_1748 : i32 to vector<16xi32>
    %mul3A_1750 = arith.muli %max3A_1747, %mul3A_1749 : vector<16xi32>
    %add3A_1751 = arith.addi %mul3A_1750, %iota3A : vector<16xi32>
    %gather3A_1752 = tpu.vector_load_idx %arg6[%add3A_1751] : memref<2048xi32, #tpu.memory_space<vmem>>[vector<16xi32>], vector<16xi32>,
    %add3A_1753 = vector.broadcast %select_n3A_1736 : i32 to vector<16xi32>
    %add3A_1754 = arith.addi %gather3A_1752, %add3A_1753 : vector<16xi32>
    %ge3A_1755 = vector.broadcast %sub3A_1532 : i32 to vector<16xi32>
    %ge3A_1756 = arith.cmpi sge, %add3A_1754, %ge3A_1755 : vector<16xi32>
    %jit3A_1757 = arith.constant -1 : i32
    %broadcast_in_dim3A_1758 = vector.broadcast %jit3A_1757 : i32 to vector<16xi32>
    %select_n3A_1759 = arith.select %ge3A_1756, %iota3A, %broadcast_in_dim3A_1758 : vector<16xi1>, vector<16xi32>
    %reduce_max3A_1760 = arith.constant true
    %reduce_max3A_1761 = vector.broadcast %reduce_max3A_1760 : i1 to vector<16xi1>
    %reduce_max3A_1762 = arith.constant -2147483648 : i32
    %reduce_max3A_1763 = vector.broadcast %reduce_max3A_1762 : i32 to vector<16xi32>
    %reduce_max3A_1764 = arith.xori %select_n3A_1759, %reduce_max3A_1763 : vector<16xi32>
    %reduce_max3A_1765 = tpu.scan <max>, %reduce_max3A_1764 masked %reduce_max3A_1761 : vector<16xi32>, vector<16xi1> -> vector<16xi32>
    %reduce_max3A_1766 = arith.xori %reduce_max3A_1765, %reduce_max3A_1763 : vector<16xi32>
    %reduce_max3A_1767 = vector.extract %reduce_max3A_1766[15] : i32 from vector<16xi32>
    %mul3A_1768 = arith.constant 0 : i32
    %mul3A_1769 = vector.broadcast %mul3A_1768 : i32 to vector<16xi32>
    %mul3A_1770 = arith.muli %iota3A, %mul3A_1769 : vector<16xi32>
    %add3A_1771 = vector.broadcast %reduce_max3A_1767 : i32 to vector<16xi32>
    %add3A_1772 = arith.addi %mul3A_1770, %add3A_1771 : vector<16xi32>
    %add3A_1773 = arith.constant 1 : i32
    %add3A_1774 = vector.broadcast %add3A_1773 : i32 to vector<16xi32>
    %add3A_1775 = arith.addi %add3A_1772, %add3A_1774 : vector<16xi32>
    %eq3A_1776 = arith.cmpi eq, %iota3A, %add3A_1775 : vector<16xi32>
    %jit3A_1777 = arith.constant 0 : i32
    %broadcast_in_dim3A_1778 = vector.broadcast %jit3A_1777 : i32 to vector<16xi32>
    %select_n3A_1779 = arith.select %eq3A_1776, %add3A_1754, %broadcast_in_dim3A_1778 : vector<16xi1>, vector<16xi32>
    %reduce_max3A_1780 = arith.constant true
    %reduce_max3A_1781 = vector.broadcast %reduce_max3A_1780 : i1 to vector<16xi1>
    %reduce_max3A_1782 = arith.constant -2147483648 : i32
    %reduce_max3A_1783 = vector.broadcast %reduce_max3A_1782 : i32 to vector<16xi32>
    %reduce_max3A_1784 = arith.xori %select_n3A_1779, %reduce_max3A_1783 : vector<16xi32>
    %reduce_max3A_1785 = tpu.scan <max>, %reduce_max3A_1784 masked %reduce_max3A_1781 : vector<16xi32>, vector<16xi1> -> vector<16xi32>
    %reduce_max3A_1786 = arith.xori %reduce_max3A_1785, %reduce_max3A_1783 : vector<16xi32>
    %reduce_max3A_1787 = vector.extract %reduce_max3A_1786[15] : i32 from vector<16xi32>
    %eq3A_1788 = arith.constant 15 : i32
    %eq3A_1789 = arith.cmpi eq, %reduce_max3A_1767, %eq3A_1788 : i32
    %select_n3A_1790 = arith.select %eq3A_1789, %select_n3A_1736, %reduce_max3A_1787 : i32
    %mul3A_1791 = arith.constant 16 : i32
    %mul3A_1792 = arith.muli %add3A_1739, %mul3A_1791 : i32
    %add3A_1793 = arith.addi %mul3A_1792, %reduce_max3A_1767 : i32
    %sub3A_1794 = arith.subi %sub3A_1532, %select_n3A_1790 : i32
    %shift_left3A_1795 = arith.constant 10 : i32
    %shift_left3A_1796 = arith.shli %or3A_1535, %shift_left3A_1795 : i32
    %or3A_1797 = arith.ori %shift_left3A_1796, %add3A_1793 : i32
    %parallel_loop3A_1798 = arith.constant 0 : i32
    %parallel_loop3A_1799 = arith.constant 2048 : i32
    %parallel_loop3A_1800 = arith.constant 1 : i32
    scf.for %parallel_loop3A_1842 = %parallel_loop3A_1798 to %parallel_loop3A_1799 step %parallel_loop3A_1800  : i32 {
      %parallel_loop3A_1843 = arith.constant 16 : i32
      %parallel_loop3A_1844 = arith.muli %parallel_loop3A_1842, %parallel_loop3A_1843 : i32
      %parallel_loop3A_1845 = arith.constant 1 : i32
      %parallel_loop3A_1846 = arith.index_cast %parallel_loop3A_1845 : i32 to index
      %parallel_loop3A_1847 = arith.index_cast %parallel_loop3A_1844 : i32 to index
      %parallel_loop3A_1848 = tpu.vector_load %arg4[%parallel_loop3A_1846, %parallel_loop3A_1847] {strides = array<i32>} : memref<2x32768xf32, #tpu.memory_space<vmem>>, vector<16xf32>,
      %parallel_loop3A_1849 = tpu.bitcast %parallel_loop3A_1848 : vector<16xf32> -> vector<16xi32>
      %parallel_loop3A_1850 = arith.constant 2147483647 : i32
      %parallel_loop3A_1851 = vector.broadcast %parallel_loop3A_1850 : i32 to vector<16xi32>
      %parallel_loop3A_1852 = arith.andi %parallel_loop3A_1849, %parallel_loop3A_1851 : vector<16xi32>
      %parallel_loop3A_1853 = vector.broadcast %or3A_1797 : i32 to vector<16xi32>
      %parallel_loop3A_1854 = arith.cmpi sge, %parallel_loop3A_1852, %parallel_loop3A_1853 : vector<16xi32>
      %parallel_loop3A_1855 = arith.constant 0.000000e+00 : f32
      %parallel_loop3A_1856 = vector.broadcast %parallel_loop3A_1855 : f32 to vector<16xf32>
      %parallel_loop3A_1857 = arith.select %parallel_loop3A_1854, %parallel_loop3A_1848, %parallel_loop3A_1856 : vector<16xi1>, vector<16xf32>
      %parallel_loop3A_1858 = arith.constant 16 : i32
      %parallel_loop3A_1859 = arith.muli %parallel_loop3A_1842, %parallel_loop3A_1858 : i32
      %parallel_loop3A_1860 = arith.constant 1 : i32
      %parallel_loop3A_1861 = arith.index_cast %parallel_loop3A_1860 : i32 to index
      %parallel_loop3A_1862 = arith.index_cast %parallel_loop3A_1859 : i32 to index
      %parallel_loop3A_1863 = tpu.vector_load %arg4[%parallel_loop3A_1861, %parallel_loop3A_1862] {strides = array<i32>} : memref<2x32768xf32, #tpu.memory_space<vmem>>, vector<16xf32>,
      tpu.vector_store %arg4[%parallel_loop3A_1861, %parallel_loop3A_1862], %parallel_loop3A_1857 {strides = array<i32>} : memref<2x32768xf32, #tpu.memory_space<vmem>>, vector<16xf32>,
    } {sc.loop_unroll_factor = 8 : i64, sc.parallel_access}
    %add3A_1801 = arith.constant 1 : i32
    %add3A_1802 = arith.addi %mul3A_2, %add3A_1801 : i32
    %dma_start3A_1803 = arith.constant 1 : i32
    %dma_start3A_1804 = arith.constant 0 : i32
    %dma_start3A_1805 = tpu.memref_slice %arg4[%dma_start3A_1803, %dma_start3A_1804] : memref<2x32768xf32, #tpu.memory_space<vmem>> -> memref<1x32768xf32, #tpu.memory_space<vmem>>
    %dma_start3A_1806 = tpu.memref_squeeze %dma_start3A_1805 : memref<1x32768xf32, #tpu.memory_space<vmem>> -> memref<32768xf32, #tpu.memory_space<vmem>>
    %dma_start3A_1807 = arith.constant 0 : i32
    %dma_start3A_1808 = tpu.memref_slice %arg3[%add3A_1802, %dma_start3A_1807] : memref<64x32768xf32, #tpu.memory_space<hbm>> -> memref<1x32768xf32, #tpu.memory_space<hbm>>
    %dma_start3A_1809 = tpu.memref_squeeze %dma_start3A_1808 : memref<1x32768xf32, #tpu.memory_space<hbm>> -> memref<32768xf32, #tpu.memory_space<hbm>>
    %dma_start3A_1810 = arith.constant 0 : i32
    %dma_start3A_1811 = tpu.memref_slice %arg3[%add3A_1802, %dma_start3A_1810] : memref<64x32768xf32, #tpu.memory_space<hbm>> -> memref<1x32768xf32, #tpu.memory_space<hbm>>
    %dma_start3A_1812 = tpu.memref_squeeze %dma_start3A_1811 : memref<1x32768xf32, #tpu.memory_space<hbm>> -> memref<32768xf32, #tpu.memory_space<hbm>>
    %dma_start3A_1813 = arith.constant 0 : i32
    %dma_start3A_1814 = tpu.memref_slice %arg4[%dma_start3A_1803, %dma_start3A_1813] : memref<2x32768xf32, #tpu.memory_space<vmem>> -> memref<1x32768xf32, #tpu.memory_space<vmem>>
    %dma_start3A_1815 = tpu.memref_squeeze %dma_start3A_1814 : memref<1x32768xf32, #tpu.memory_space<vmem>> -> memref<32768xf32, #tpu.memory_space<vmem>>
    tpu.enqueue_dma source(%dma_start3A_1815 : memref<32768xf32, #tpu.memory_space<vmem>>) target(%dma_start3A_1812 : memref<32768xf32, #tpu.memory_space<hbm>>) target_semaphore(%arg11 : memref<!tpu.dma_semaphore, #tpu.memory_space<semaphore_mem>>)
    %dma_wait3A_1816 = arith.constant 0 : i32
    %dma_wait3A_1817 = arith.constant 0 : i32
    %dma_wait3A_1818 = tpu.memref_slice %arg4[%dma_wait3A_1816, %dma_wait3A_1817] : memref<2x32768xf32, #tpu.memory_space<vmem>> -> memref<1x32768xf32, #tpu.memory_space<vmem>>
    %dma_wait3A_1819 = tpu.memref_squeeze %dma_wait3A_1818 : memref<1x32768xf32, #tpu.memory_space<vmem>> -> memref<32768xf32, #tpu.memory_space<vmem>>
    %dma_wait3A_1820 = arith.constant 0 : i32
    %dma_wait3A_1821 = tpu.memref_slice %arg3[%add3A_907, %dma_wait3A_1820] : memref<64x32768xf32, #tpu.memory_space<hbm>> -> memref<1x32768xf32, #tpu.memory_space<hbm>>
    %dma_wait3A_1822 = tpu.memref_squeeze %dma_wait3A_1821 : memref<1x32768xf32, #tpu.memory_space<hbm>> -> memref<32768xf32, #tpu.memory_space<hbm>>
    %dma_wait3A_1823 = arith.constant 0 : i32
    %dma_wait3A_1824 = tpu.memref_slice %arg3[%add3A_907, %dma_wait3A_1823] : memref<64x32768xf32, #tpu.memory_space<hbm>> -> memref<1x32768xf32, #tpu.memory_space<hbm>>
    %dma_wait3A_1825 = tpu.memref_squeeze %dma_wait3A_1824 : memref<1x32768xf32, #tpu.memory_space<hbm>> -> memref<32768xf32, #tpu.memory_space<hbm>>
    %dma_wait3A_1826 = arith.constant 0 : i32
    %dma_wait3A_1827 = tpu.memref_slice %arg4[%dma_wait3A_1816, %dma_wait3A_1826] : memref<2x32768xf32, #tpu.memory_space<vmem>> -> memref<1x32768xf32, #tpu.memory_space<vmem>>
    %dma_wait3A_1828 = tpu.memref_squeeze %dma_wait3A_1827 : memref<1x32768xf32, #tpu.memory_space<vmem>> -> memref<32768xf32, #tpu.memory_space<vmem>>
    tpu.wait_dma2 semaphore(%arg10 : memref<!tpu.dma_semaphore, #tpu.memory_space<semaphore_mem>>) src(%dma_wait3A_1828 : memref<32768xf32, #tpu.memory_space<vmem>>) dst(%dma_wait3A_1825 : memref<32768xf32, #tpu.memory_space<hbm>>)
    %dma_wait3A_1829 = arith.constant 1 : i32
    %dma_wait3A_1830 = arith.constant 0 : i32
    %dma_wait3A_1831 = tpu.memref_slice %arg4[%dma_wait3A_1829, %dma_wait3A_1830] : memref<2x32768xf32, #tpu.memory_space<vmem>> -> memref<1x32768xf32, #tpu.memory_space<vmem>>
    %dma_wait3A_1832 = tpu.memref_squeeze %dma_wait3A_1831 : memref<1x32768xf32, #tpu.memory_space<vmem>> -> memref<32768xf32, #tpu.memory_space<vmem>>
    %dma_wait3A_1833 = arith.constant 0 : i32
    %dma_wait3A_1834 = tpu.memref_slice %arg3[%add3A_1802, %dma_wait3A_1833] : memref<64x32768xf32, #tpu.memory_space<hbm>> -> memref<1x32768xf32, #tpu.memory_space<hbm>>
    %dma_wait3A_1835 = tpu.memref_squeeze %dma_wait3A_1834 : memref<1x32768xf32, #tpu.memory_space<hbm>> -> memref<32768xf32, #tpu.memory_space<hbm>>
    %dma_wait3A_1836 = arith.constant 0 : i32
    %dma_wait3A_1837 = tpu.memref_slice %arg3[%add3A_1802, %dma_wait3A_1836] : memref<64x32768xf32, #tpu.memory_space<hbm>> -> memref<1x32768xf32, #tpu.memory_space<hbm>>
    %dma_wait3A_1838 = tpu.memref_squeeze %dma_wait3A_1837 : memref<1x32768xf32, #tpu.memory_space<hbm>> -> memref<32768xf32, #tpu.memory_space<hbm>>
    %dma_wait3A_1839 = arith.constant 0 : i32
    %dma_wait3A_1840 = tpu.memref_slice %arg4[%dma_wait3A_1829, %dma_wait3A_1839] : memref<2x32768xf32, #tpu.memory_space<vmem>> -> memref<1x32768xf32, #tpu.memory_space<vmem>>
    %dma_wait3A_1841 = tpu.memref_squeeze %dma_wait3A_1840 : memref<1x32768xf32, #tpu.memory_space<vmem>> -> memref<32768xf32, #tpu.memory_space<vmem>>
    tpu.wait_dma2 semaphore(%arg11 : memref<!tpu.dma_semaphore, #tpu.memory_space<semaphore_mem>>) src(%dma_wait3A_1841 : memref<32768xf32, #tpu.memory_space<vmem>>) dst(%dma_wait3A_1838 : memref<32768xf32, #tpu.memory_space<hbm>>)
    return
  }
}

</mosaic_0001>

<sc_bundles>
// kernel: kernel.3.cloned.1.call-start
scs
__scs_entry_jumppad:
0x0: {  	(pc) =	sbr.rel $0x88, $3  }
0x1: {  	(tag) =	ssettag $0x0;
	lr =	simm.s32 $0x1  }
0x2: {  	[smem:$0x3FA0] =	sst lr;
	_ =	strace $0xD0000000  }
0x3: {  	_ = 	snop  }
0x4: {  	_ = 	snop  }
0x5: {  	_ = 	snop  }
0x6: {  	_ = 	snop  }
0x7: {  	_ = 	snop  }
__scs_overlays_trampoline_lowered:
0x8: {  	[smem:$0x3FAF] =	sst s0  }
0x9: {  	[smem:$0x3FB0] =	sst s1  }
0xa: {  	[smem:$0x3FB1] =	sst s2  }
0xb: {  	[smem:$0x3FB2] =	sst s3  }
0xc: {  	[smem:$0x3FB3] =	sst s4  }
0xd: {  	[smem:$0x3FB4] =	sst s5  }
0xe: {  	[smem:$0x3FB5] =	sst s6  }
0xf: {  	[smem:$0x3FB6] =	sst s7  }
0x10: {  	[smem:$0x3FB7] =	sst s8  }
0x11: {  	[smem:$0x3FB8] =	sst s9;
	s0 =	simm.s32 @!p0 $0x0  }
0x12: {  	s1 =	sld [smem:$0x3F9E];
	s0 =	simm.s32 @p0 $0x1  }
0x13: {  	[smem:$0x3FB9] =	sst s0;
	s0 =	simm.s32 @!p1 $0x0  }
0x14: {  	s2 =	sld [smem:$0x3F9D];
	s0 =	simm.s32 @p1 $0x1  }
0x15: {  	[smem:$0x3FBA] =	sst s0;
	s0 =	simm.s32 @!p2 $0x0  }
0x16: {  	s3 =	sld [smem:$0x3FDB];
	s0 =	simm.s32 @p2 $0x1  }
0x17: {  	s4 =	simm.s32 $0x1BF5;
	[smem:$0x3FBC] =	sst s0  }
0x18: {  	s0 =	sld [smem:$0x3F9F];
	_ =	swait.ge [sflag:s4], $0x0  }
0x19: {  	s7 =	sld [smem:$0x3FA0]  }
0x1a: {  	s8 =	sadd.s32 $0xFFFFE003, lr  }
0x1b: {  	s9 =	sadd.s32 $0xFFFFFEF7, lr;
	s5 =	simm.s32 $0xFFFFFFFF;
	p2 =	slt.u32 s8, $0xFFFFF086  }
0x1c: {  	p1 =	slt.u32 s9, $0xF7A;
	s5 =	simm.s32 @!p2 $0x0  }
0x1d: {  	s5 =	simm.s32 @p1 $0x1;
	p0 =	seq.s32 s7, s2  }
0x1e: {  	s7 =	smul.u32 @!p0 $0xF7A, s2;
	p2 =	seq.s32 @!p0 s5, $0x0  }
0x1f: {  	s9 =	smul.u32 $0xF7A, s1;
	s8 =	simm.s32 @!p0 $0x1BF5;
	p2 =	por !p2, p0  }
0x20: {  	[sflag:s8] =	ssyncset.s32 @!p0 $0xFFFFF086;
	s6 =	sadd.s32 @!p0 s3, s7;
	s7 =	simm.s32 @!p0 $0x108  }
0x21: {  	s3 =	sadd.s32 s3, s9;
	s6 =	sadd.s32 @!p0 $0x88, s6;
	s7 =	simm.s32 @p2 $0x1082  }
0x22: {  	[simem:s7], [sflag:s8] =	dma.local @!p0 [hbm:s6], $0xF7A  }
0x23: {  	s9 =	sor.u32 $0xD0000000, s2;
	s6 =	simm.s32 $0x108;
	_ =	swait.ge @!p0 [sflag:s8], $0x0  }
0x24: {  	s3 =	sadd.s32 $0x88, s3;
	s6 =	simm.s32 @!p1 $0x1082;
	[sflag:s4] =	ssyncset.s32 $0xFFFFF086  }
0x25: {  	[simem:s6], [sflag:s4] =	dma.local [hbm:s3], $0xF7A  }
0x26: {  	[smem:$0x3FA0] =	sst s1;
	(tag) =	ssettag s2;
	_ =	strace s9  }
0x27: {  	s1 =	sld [smem:$0x3FB0]  }
0x28: {  	s2 =	sld [smem:$0x3FB1]  }
0x29: {  	s4 =	sld [smem:$0x3FB3]  }
0x2a: {  	p0 =	seq.s32 s5, $0x0;
	s5 =	sld [smem:$0x3FB4]  }
0x2b: {  	s6 =	sld [smem:$0x3FB5]  }
0x2c: {  	s7 =	sld [smem:$0x3FB6]  }
0x2d: {  	s3 =	simm.s32 $0x108;
	s8 =	sld [smem:$0x3FB7]  }
0x2e: {  	s3 =	simm.s32 @!p0 $0x1082;
	s9 =	sld [smem:$0x3FB8]  }
0x2f: {  	lr =	sadd.s32 s0, s3;
	s0 =	sld [smem:$0x3FAF]  }
0x30: {  	s3 =	sld [smem:$0x3FB2]  }
0x31: {  	[smem:$0x3FBB] =	sst s10  }
0x32: {  	s10 =	sld [smem:$0x3FB9];
	_ =	sdelay $0x3  }
0x33: {  	p0 =	seq.s32 s10, $0x1;
	s10 =	sld [smem:$0x3FBB];
	_ =	sdelay $0x3  }
0x34: {  	[smem:$0x3FBB] =	sst s10  }
0x35: {  	s10 =	sld [smem:$0x3FBA];
	_ =	sdelay $0x3  }
0x36: {  	p1 =	seq.s32 s10, $0x1;
	s10 =	sld [smem:$0x3FBB];
	_ =	sdelay $0x3  }
0x37: {  	[smem:$0x3FBB] =	sst s10  }
0x38: {  	s10 =	sld [smem:$0x3FBC]  }
0x39: {  	_ = 	snop;
	(pc) =	sbr.ind lr, $3  }
0x3a: {  	_ = 	snop  }
0x3b: {  	_ = 	snop  }
0x3c: {  	p2 =	seq.s32 s10, $0x1;
	s10 =	sld [smem:$0x3FBB]  }
0x3d: {  	_ =	shalt  }
0x3e: {  	_ =	shalt  }
0x3f: {  	_ =	shalt  }
0x40: {  	_ =	shalt  }
0x41: {  	_ =	shalt  }
0x42: {  	_ =	shalt  }
0x43: {  	_ =	shalt  }
0x44: {  	_ =	shalt  }
0x45: {  	_ =	shalt  }
0x46: {  	_ =	shalt  }
0x47: {  	_ =	shalt  }
0x48: {  	_ =	shalt  }
0x49: {  	_ =	shalt  }
0x4a: {  	_ =	shalt  }
0x4b: {  	_ =	shalt  }
0x4c: {  	_ =	shalt  }
0x4d: {  	_ =	shalt  }
0x4e: {  	_ =	shalt  }
0x4f: {  	_ =	shalt  }
0x50: {  	_ =	shalt  }
0x51: {  	_ =	shalt  }
0x52: {  	_ =	shalt  }
0x53: {  	_ =	shalt  }
0x54: {  	_ =	shalt  }
0x55: {  	_ =	shalt  }
0x56: {  	_ =	shalt  }
0x57: {  	_ =	shalt  }
0x58: {  	_ =	shalt  }
0x59: {  	_ =	shalt  }
0x5a: {  	_ =	shalt  }
0x5b: {  	_ =	shalt  }
0x5c: {  	_ =	shalt  }
0x5d: {  	_ =	shalt  }
0x5e: {  	_ =	shalt  }
0x5f: {  	_ =	shalt  }
0x60: {  	_ =	shalt  }
0x61: {  	_ =	shalt  }
0x62: {  	_ =	shalt  }
0x63: {  	_ =	shalt  }
0x64: {  	_ =	shalt  }
0x65: {  	_ =	shalt  }
0x66: {  	_ =	shalt  }
0x67: {  	_ =	shalt  }
0x68: {  	_ =	shalt  }
0x69: {  	_ =	shalt  }
0x6a: {  	_ =	shalt  }
0x6b: {  	_ =	shalt  }
0x6c: {  	_ =	shalt  }
0x6d: {  	_ =	shalt  }
0x6e: {  	_ =	shalt  }
0x6f: {  	_ =	shalt  }
0x70: {  	_ =	shalt  }
0x71: {  	_ =	shalt  }
0x72: {  	_ =	shalt  }
0x73: {  	_ =	shalt  }
0x74: {  	_ =	shalt  }
0x75: {  	_ =	shalt  }
0x76: {  	_ =	shalt  }
0x77: {  	_ =	shalt  }
0x78: {  	_ =	shalt  }
0x79: {  	_ =	shalt  }
0x7a: {  	_ =	shalt  }
0x7b: {  	_ =	shalt  }
0x7c: {  	_ =	shalt  }
0x7d: {  	_ =	shalt  }
0x7e: {  	_ =	shalt  }
0x7f: {  	_ =	shalt  }
0x80: {  	_ =	shalt  }
0x81: {  	_ =	shalt  }
0x82: {  	_ =	shalt  }
0x83: {  	_ =	shalt  }
0x84: {  	_ =	shalt  }
0x85: {  	_ =	shalt  }
0x86: {  	_ =	shalt  }
0x87: {  	_ =	shalt  }
.Lfunc_end0:
.L_simem_size_0:
called_computation_lowered:
.L_overlay_start_0:
0x88: {  	s2 =	sld [smem:$0x3FD9]  }
0x89: {  	s3 =	sld [smem:$0x3FFE];
	_ =	sdelay $0x1  }
0x8a: {  	s1 =	srdreg.scid  }
0x8b: {  	s0 =	sand.u32 $0x1, s1  }
0x8c: {  	s18 =	sshll.u32 s0, $0xA;
	s2 =	sadd.s32 s3, s2  }
0x8d: {  	s2 =	sadd.s32 s2, s18  }
0x8e: {  	[smem:$0x3FC7] =	sst s2  }
0x8f: {  	_ = 	snop  }
0x90: {  	s2 =	sld [smem:$0x3FC9]  }
0x91: {  	s19 =	sld [smem:$0x3FD0];
	(tm) =	ssettm $0x1  }
0x92: {  	s4 =	sld [smem:$0x3FFB];
	_ =	sdelay $0x3  }
0x93: {  	_ =	strace s4  }
0x94: {  	s4 =	sld [smem:$0x3FFC];
	_ =	sdelay $0x3  }
0x95: {  	_ =	strace s4  }
0x96: {  	s4 =	sld [smem:$0x3FFD];
	_ =	sdelay $0x3  }
0x97: {  	_ =	strace s4  }
0x98: {  	_ =	strace $0x8FFFFFFF  }
0x99: {  	s20 =	sld [smem:$0x3FDB];
	_ =	sdelay $0x1  }
0x9a: {  	s5 =	simm.s32 $_scs_section_size  }
0x9b: {  	s6 =	simm.s32 $_size__tile_overlayer_lowered;
	s7 =	simm.s32 $_tile_overlayer_lowered  }
0x9c: {  	s23 =	simm.s32 $0x1BFF;
	s22 =	sshll.u32 s7, $0x1;
	s4 =	sadd.s32 s5, s20  }
0x9d: {  	s8 =	simm.s32 $0x0;
	s21 =	sshll.u32 s6, $0x1;
	s6 =	sadd.s32 s22, s4  }
0x9e: {  	[timem:s8], [sflag:s23] =	dma.local [hbm:s6], s21  }
0x9f: {  	_ =	swait.ge [sflag:s23], s21  }
0xa0: {  	s5 =	ssub.s32 $0x0, s21;
	[sflag:s23] =	ssyncset.done $0x0  }
0xa1: {  	[sflag:s23] =	ssyncadd.s32 s5;
	_ =	sdelay $0x1  }
0xa2: {  	s24 =	simm.s32 $0x1B8B  }
0xa3: {  	_ =	swait.ge [sflag:s24], $0x1  }
0xa4: {  	[sflag:s24] =	ssyncset.done $0x0  }
0xa5: {  	s25 =	simm.s32 $0x1B8E;
	[sflag:s24] =	ssyncadd.s32 $0xFFFFFFFF  }
0xa6: {  	s26 =	simm.s32 $execute0_lowered;
	[smem:$0x3FD2] =	sst s25  }
0xa7: {  	s5 =	sshll.u32 s26, $0x1;
	_ =	strace $0x80000046;
	[dreg:$0x1] =	wrdreg $0xFFFFFFFF  }
0xa8: {  	s28 =	simm.s32 $_size_execute0_lowered;
	s4 =	sadd.s32 s4, s5;
	[dreg:$0x0] =	wrdreg $0x0  }
0xa9: {  	s5 =	sshll.u32 s28, $0x1;
	[dreg:$0x2] =	wrdreg s4  }
0xaa: {  	[dreg:$0x3] =	wrdreg s5  }
0xab: {  	[dreg:$0x4] =	wrdreg $0xC0  }
0xac: {  	_ =	task [dreg:s8], $0x5FFFF  }
0xad: {  	[dreg:$0x1] =	wrdreg $0xFFFFFFFF  }
0xae: {  	[dreg:$0x0] =	wrdreg $0x60  }
0xaf: {  	[dreg:$0x2] =	wrdreg s2  }
0xb0: {  	[dreg:$0x3] =	wrdreg s19  }
0xb1: {  	[dreg:$0x4] =	wrdreg $0x9  }
0xb2: {  	_ =	task.clear_ibuf [dreg:s8], $0x5FFFF;
	_ =	strace $0x90000046  }
0xb3: {  	s29 =	simm.s32 $0x9;
	_ =	strace $0x80000048  }
0xb4: {  	_ =	swait.ge [sflag:s29], $0x1  }
0xb5: {  	[sflag:s29] =	ssyncadd.s32 $0xFFFFFFFF  }
0xb6: {  	_ =	strace $0x90000048  }
0xb7: {  	_ =	sfence  }
0xb8: {  	s30 =	sld [smem:$0x0];
	_ =	sdelay $0x2  }
0xb9: {  	s31 =	sshll.u32 s1, $0xD;
	s1 =	sshrl.u32 s1, $0x2  }
0xba: {  	s3 =	sand.u32 $0x4000, s31;
	s1 =	sadd.s32 s1, s30  }
0xbb: {  	s0 =	sor.u32 s3, s0;
	s1 =	sshll.u32 s1, $0x11  }
0xbc: {  	s0 =	sor.u32 s1, s0  }
0xbd: {  	s0 =	sadd.s32 $0x8F2B, s0  }
0xbe: {  	[sflag:s0] =	ssyncadd.remote.s32 $0x1  }
0xbf: {  	_ =	sfence.sel $0xFFFF  }
0xc0: {  	[dreg:$0x0] =	wrdreg $0xFFFFFFFF;
	(pc) =	sbr.abs _section_cstart, $3  }
0xc1: {  	[dreg:$0x1] =	wrdreg $0xFFFFFFFF  }
0xc2: {  	_ =	task.clear_ibuf [dreg:s8], $0x2FFFF;
	_ =	strace $0x9FFFFFFF  }
0xc3: {  	(tm) =	ssettm $0x7FFFFFFF  }
tec
execute0_lowered:
.L_overlay_start_1:
0x0: {  	(tag) =	ssettag $0x1  }
0x1: {  	s4 =	rddreg [dreg:$0x0]  }
0x2: {  	s6 =	rddreg [dreg:$0x1]  }
0x3: {  	s0 =	rddreg [dreg:$0x2]  }
0x4: {  	s2 =	simm.s32 $0x0;
	s3 =	srdreg.scid;
	s1 =	stileid.u32  }
0x5: {  	s9 =	simm.s32 $0x10000;
	s10 =	simm.s32 $0x10800;
	s11 =	simm.s32 $0x11000  }
0x6: {  	s12 =	simm.s32 $0x2;
	s13 =	simm.s32 $0x3;
	s14 =	simm.s32 $0x4  }
0x7: {  	s15 =	simm.s32 $0x0;
	s3 =	sand.u32 $0x1, s3;
	s5 =	sshll.u32 s1, $0x6  }
0x8: {  	v0 =	vlaneseq.u32;
	s8 =	sshll.u32 s1, $0xE;
	s7 =	sshll.u32 s3, $0x5;
	s5 =	sand.u32 $0x40, s5  }
0x9: {  	v4 =	vmul.u32 $0xFFFFFFFF, v0;
	v1 =	vmul.u32 $0x10, v0;
	s3 =	ssub.s32 $0x2, s3;
	s8 =	sand.u32 $0x38000, s8;
	s5 =	sor.u32 s7, s5  }
0xa: {  	v2 =	vimm.s32 $0x0;
	v3 =	vimm.s32 $0x1;
	[smem:$0x7FF] =	sst s2;
	v12 =	vor.u32 $0x80000000, v0;
	s31 =	sshrl.u32 s3, $0x1;
	s5 =	sor.u32 s8, s5  }
0xb: {  	v13 =	vadd.s32 $0xFFFFFFFF, v0;
	_ =	strace $0x80000047;
	v4 =	vadd.s32 $0xF, v4;
	v5 =	vor.u32 $0x100, v1;
	s7 =	ssub.s32 s3, s31;
	s3 =	sadd.s32 s4, s5  }
0xc: {  	v6 =	vor.u32 $0x200, v1;
	v7 =	vor.u32 $0x300, v1;
	v8 =	vor.u32 $0x400, v1;
	s8 =	sor.u32 $0x10, s5;
	s5 =	sadd.s32 s6, s5;
	s7 =	smax.u32 s7, $0x1  }
0xd: {  	v9 =	vor.u32 $0x500, v1;
	v10 =	vor.u32 $0x600, v1;
	v11 =	vor.u32 $0x700, v1;
	s4 =	sadd.s32 s4, s8;
	s6 =	sadd.s32 s6, s8;
	s8 =	simm.s32 $0x1  }
.LBB2_1:
0xe: {  	s16 =	simm.s32 $0x80  }
0xf: {  	s19 =	sadd.s32 $0x0, s3;
	s17 =	simm.s32 $0x100;
	s18 =	simm.s32 $0x0  }
.LBB2_2:
0x10: {  	[tilespmem:s18], [sflag:$0x1] =	stream.linear.gather [hbm4b:s19+s2], $0x80, $0x38;
	[tilespmem:$0x11100] =	vst v63  }
0x11: {  	s19 =	smov.u32 s16;
	s18 =	smov.u32 s17;
	p0 =	sne.s32 s16, $0x7F80  }
.Ltmp0:
0x12: {  	s16 =	sadd.s32 $0x80, s16;
	(pc) =	sbr.rel @p0 .LBB2_2-.Ltmp0, $2  }
0x13: {  	_ =	sdelay $0x2  }
0x14: {  	s17 =	sadd.s32 $0x100, s17;
	s19 =	sadd.s32 s19, s3  }
0x15: {  	[tilespmem:s18], [sflag:$0x1] =	stream.linear.gather [hbm4b:s19+s2], $0x80, $0x38;
	[tilespmem:$0x11100] =	vst v63  }
0x16: {  	s16 =	simm.s32 $0x0;
	s17 =	simm.s32 $0x80  }
.LBB2_4:
0x17: {  	p0 =	sne.s32 s16, $0x7F80  }
.Ltmp1:
0x18: {  	_ = 	snop;
	(pc) =	sbr.rel @p0 .LBB2_4-.Ltmp1, $4  }
0x19: {  	_ = 	snop  }
0x1a: {  	s18 =	sadd.s32 s16, s4  }
0x1b: {  	[tilespmem:s17], [sflag:$0x2] =	stream.linear.gather [hbm4b:s18+s2], $0x80, $0x38;
	[tilespmem:$0x11100] =	vst v63  }
0x1c: {  	s16 =	sadd.s32 $0x80, s16;
	s17 =	sadd.s32 $0x100, s17  }
0x1d: {  	s16 =	simm.s32 $0x10040  }
0x1e: {  	[tilespmem:s16+$0xFFFFFFC0] =	vst v2  }
0x1f: {  	[tilespmem:s16+$0x30] =	vst v2  }
0x20: {  	[tilespmem:s16+$0x20] =	vst v2  }
0x21: {  	[tilespmem:s16+$0x10] =	vst v2  }
0x22: {  	[tilespmem:s16+$0x0] =	vst v2  }
0x23: {  	[tilespmem:s16+$0xFFFFFFF0] =	vst v2  }
0x24: {  	s17 =	simm.s32 $0x0;
	[tilespmem:s16+$0xFFFFFFE0] =	vst v2  }
.LBB2_6:
0x25: {  	s17 =	sadd.s32 $0x8, s17;
	[tilespmem:s16+$0xFFFFFFD0] =	vst v2;
	s16 =	sadd.s32 $0x80, s16  }
0x26: {  	[tilespmem:s16+$0xFFFFFFC0] =	vst v2;
	p0 =	slt.u32 s17, $0x78  }
0x27: {  	[tilespmem:s16+$0x30] =	vst v2  }
.Ltmp2:
0x28: {  	[tilespmem:s16+$0x20] =	vst v2;
	(pc) =	sbr.rel @p0 .LBB2_6-.Ltmp2, $4  }
0x29: {  	[tilespmem:s16+$0x10] =	vst v2  }
0x2a: {  	[tilespmem:s16+$0x0] =	vst v2  }
0x2b: {  	[tilespmem:s16+$0xFFFFFFF0] =	vst v2  }
0x2c: {  	[tilespmem:s16+$0xFFFFFFE0] =	vst v2  }
0x2d: {  	[tilespmem:s16+$0xFFFFFFD0] =	vst v2;
	s16 =	simm.s32 $0x40;
	s17 =	simm.s32 $0x0  }
.LBB2_8:
0x2e: {  	p0 =	sne.s32 s16, $0x3C0;
	[tilespmem:s17+$0x11000] =	vst v2;
	s17 =	smov.u32 s16;
	s16 =	sadd.s32 $0x40, s16  }
.Ltmp3:
0x2f: {  	(pc) =	sbr.rel @p0 .LBB2_8-.Ltmp3, $2  }
0x30: {  	_ =	sdelay $0x2  }
0x31: {  	s17 =	sshra.s32 s17, $0x2  }
0x32: {  	[tilespmem:s17+$0x11000] =	vst v2  }
0x33: {  	_ =	swait.ge [sflag:s8], $0x8000  }
0x34: {  	[sflag:s8] =	ssyncset.done $0x0  }
0x35: {  	s16 =	simm.s32 $0x40;
	[sflag:s8] =	ssyncadd.s32 $0xFFFF8000  }
0x36: {  	v14 =	vld [tilespmem:s16+$0x30]  }
0x37: {  	v15 =	vld [tilespmem:s16+$0xFFFFFFD0]  }
0x38: {  	v16 =	vld [tilespmem:s16+$0xFFFFFFE0]  }
0x39: {  	v17 =	vld [tilespmem:s16+$0xFFFFFFF0]  }
0x3a: {  	v18 =	vld [tilespmem:s16+$0x0]  }
0x3b: {  	v14 =	vshrl.u32 v14, $0x14  }
0x3c: {  	v15 =	vshrl.u32 v15, $0x14;
	v14 =	vand.u32 $0x7FF, v14  }
0x3d: {  	v19 =	vld [tilespmem:s16+$0x10];
	v16 =	vshrl.u32 v16, $0x14;
	v15 =	vand.u32 $0x7FF, v15  }
0x3e: {  	v20 =	vld [tilespmem:s16+$0x20];
	v17 =	vshrl.u32 v17, $0x14;
	v16 =	vand.u32 $0x7FF, v16  }
0x3f: {  	v21 =	vld [tilespmem:s16+$0xFFFFFFC0];
	v18 =	vshrl.u32 v18, $0x14;
	v17 =	vand.u32 $0x7FF, v17  }
0x40: {  	v18 =	vand.u32 $0x7FF, v18  }
0x41: {  	[tilespmem:v14+s9+$0x0] =	vst.idx.add.s32.msk $0xffff, v3  }
0x42: {  	[tilespmem:v15+s9+$0x0] =	vst.idx.add.s32.msk $0xffff, v3  }
0x43: {  	[tilespmem:v16+s9+$0x0] =	vst.idx.add.s32.msk $0xffff, v3  }
0x44: {  	s18 =	simm.s32 $0x0;
	v14 =	vshrl.u32 v19, $0x14;
	v15 =	vshrl.u32 v20, $0x14;
	v16 =	vshrl.u32 v21, $0x14;
	[tilespmem:v17+s9+$0x0] =	vst.idx.add.s32.msk $0xffff, v3  }
0x45: {  	s17 =	simm.s32 $0x10020;
	s19 =	simm.s32 $0x140;
	s16 =	simm.s32 $0x10820;
	[tilespmem:v18+s9+$0x0] =	vst.idx.add.s32.msk $0xffff, v3;
	v14 =	vand.u32 $0x7FF, v14;
	v15 =	vand.u32 $0x7FF, v15;
	v16 =	vand.u32 $0x7FF, v16  }
.LBB2_10:
0x46: {  	v17 =	vld [tilespmem:s19+$0x30];
	s18 =	sadd.s32 $0x8, s18  }
0x47: {  	v18 =	vld [tilespmem:s19+$0xFFFFFFD0];
	p0 =	slt.u32 s18, $0x7F8  }
0x48: {  	v19 =	vld [tilespmem:s19+$0xFFFFFFE0]  }
0x49: {  	v20 =	vld [tilespmem:s19+$0xFFFFFFF0]  }
0x4a: {  	v21 =	vld [tilespmem:s19+$0x0]  }
0x4b: {  	v22 =	vld [tilespmem:s19+$0x10];
	v17 =	vshrl.u32 v17, $0x14  }
0x4c: {  	v18 =	vshrl.u32 v18, $0x14;
	v23 =	vld [tilespmem:s19+$0x20];
	v17 =	vand.u32 $0x7FF, v17  }
0x4d: {  	v24 =	vld [tilespmem:s19+$0xFFFFFFC0];
	v18 =	vand.u32 $0x7FF, v18;
	v19 =	vshrl.u32 v19, $0x14  }
0x4e: {  	v19 =	vand.u32 $0x7FF, v19;
	v20 =	vshrl.u32 v20, $0x14;
	[tilespmem:v16+s9+$0x0] =	vst.idx.add.s32.msk $0xffff, v3  }
0x4f: {  	v20 =	vand.u32 $0x7FF, v20;
	v16 =	vshrl.u32 v21, $0x14;
	[tilespmem:v14+s9+$0x0] =	vst.idx.add.s32.msk $0xffff, v3  }
0x50: {  	v21 =	vand.u32 $0x7FF, v16;
	v14 =	vshrl.u32 v22, $0x14;
	[tilespmem:v15+s9+$0x0] =	vst.idx.add.s32.msk $0xffff, v3  }
.Ltmp4:
0x51: {  	v14 =	vand.u32 $0x7FF, v14;
	v15 =	vshrl.u32 v23, $0x14;
	[tilespmem:v17+s9+$0x0] =	vst.idx.add.s32.msk $0xffff, v3;
	(pc) =	sbr.rel @p0 .LBB2_10-.Ltmp4, $4  }
0x52: {  	v16 =	vshrl.u32 v24, $0x14;
	[tilespmem:v18+s9+$0x0] =	vst.idx.add.s32.msk $0xffff, v3;
	v15 =	vand.u32 $0x7FF, v15  }
0x53: {  	v16 =	vand.u32 $0x7FF, v16;
	[tilespmem:v19+s9+$0x0] =	vst.idx.add.s32.msk $0xffff, v3  }
0x54: {  	[tilespmem:v20+s9+$0x0] =	vst.idx.add.s32.msk $0xffff, v3  }
0x55: {  	s19 =	sadd.s32 $0x100, s19;
	[tilespmem:v21+s9+$0x0] =	vst.idx.add.s32.msk $0xffff, v3  }
0x56: {  	_ =	sdelay $0x3  }
0x57: {  	[tilespmem:v16+s9+$0x0] =	vst.idx.add.s32.msk $0xffff, v3  }
0x58: {  	[tilespmem:v14+s9+$0x0] =	vst.idx.add.s32.msk $0xffff, v3  }
0x59: {  	[tilespmem:v15+s9+$0x0] =	vst.idx.add.s32.msk $0xffff, v3  }
0x5a: {  	v14 =	vld [tilespmem:s17+$0x10];
	_ =	sdelay $0x3  }
0x5b: {  	v15 =	vld [tilespmem:s17+$0xFFFFFFF0]  }
0x5c: {  	v16 =	vld [tilespmem:s17+$0x0];
	v14 =	vperm.xlane v14, v4  }
0x5d: {  	v17 =	vld [tilespmem:s17+$0xFFFFFFE0]  }
0x5e: {  	s18 =	simm.s32 $0x10060;
	(xrf0) =	vadd.scan.msk.s32 $0xffff, v14  }
0x5f: {  	v18 =	vld [tilespmem:s18+$0x10]  }
0x60: {  	v15 =	vperm.xlane v15, v4  }
0x61: {  	v16 =	vperm.xlane v16, v4  }
0x62: {  	v17 =	vperm.xlane v17, v4;
	(xrf0) =	vadd.scan.msk.s32 $0xffff, v15  }
0x63: {  	v15 =	vld [tilespmem:s18+$0xFFFFFFF0];
	(xrf0) =	vadd.scan.msk.s32 $0xffff, v16  }
0x64: {  	[tilespmem:s17+$0xFFFFFFE0] =	vst v2;
	v19 =	vperm.xlane v18, v4;
	v16 =	vld [tilespmem:s18+$0x0];
	v18, _, _ =	vpop (xrf0);
	(xrf0) =	vadd.scan.msk.s32 $0xffff, v17  }
0x65: {  	[tilespmem:s17+$0x0] =	vst v2;
	v14 =	vld [tilespmem:s18+$0xFFFFFFE0]  }
0x66: {  	[tilespmem:s17+$0xFFFFFFF0] =	vst v2  }
0x67: {  	[tilespmem:s17+$0x10] =	vst v2  }
0x68: {  	[tilespmem:s18+$0xFFFFFFE0] =	vst v2;
	v17 =	vperm.xlane v15, v4;
	v15 =	vperm.xlane v18, v4;
	v20, _, _ =	vpop (xrf0)  }
0x69: {  	s19 =	simm.s32 $0x4;
	s20 =	simm.s32 $0x100A0;
	[tilespmem:s18+$0x0] =	vst v2;
	v18 =	vperm.xlane v16, v4;
	(xrf0) =	vadd.scan.msk.s32 $0xffff, v19;
	v16 =	vperm.xlane v20, v4;
	v19, _, _ =	vpop (xrf0)  }
.LBB2_12:
0x6a: {  	v20 =	vld [tilespmem:s20+$0x10];
	s19 =	sadd.s32 $0x4, s19;
	v14 =	vperm.xlane v14, v4;
	(xrf0) =	vadd.scan.msk.s32 $0xffff, v17;
	v17 =	vperm.xlane v19, v4;
	[tilespmem:s16+$0x10] =	vst v15;
	v15, _, _ =	vpop (xrf0)  }
0x6b: {  	v19 =	vld [tilespmem:s20+$0xFFFFFFF0];
	p0 =	slt.u32 s19, $0x7C;
	(xrf0) =	vadd.scan.msk.s32 $0xffff, v18;
	v15 =	vperm.xlane v15, v4;
	[tilespmem:s16+$0xFFFFFFF0] =	vst v16  }
0x6c: {  	v16 =	vld [tilespmem:s20+$0x0];
	(xrf0) =	vadd.scan.msk.s32 $0xffff, v14;
	[tilespmem:s16+$0x0] =	vst v17  }
.Ltmp5:
0x6d: {  	v14 =	vld [tilespmem:s20+$0xFFFFFFE0];
	[tilespmem:s16+$0xFFFFFFE0] =	vst v15;
	(pc) =	sbr.rel @p0 .LBB2_12-.Ltmp5, $4  }
0x6e: {  	[tilespmem:s20+$0xFFFFFFE0] =	vst v2  }
0x6f: {  	[tilespmem:s20+$0x0] =	vst v2;
	v20 =	vperm.xlane v20, v4;
	v15, _, _ =	vpop (xrf0)  }
0x70: {  	v17 =	vperm.xlane v19, v4;
	[tilespmem:s18+$0xFFFFFFF0] =	vst v2;
	v15 =	vperm.xlane v15, v4;
	v19, _, _ =	vpop (xrf0)  }
0x71: {  	s16 =	sadd.s32 $0x40, s16;
	v18 =	vperm.xlane v16, v4;
	(xrf0) =	vadd.scan.msk.s32 $0xffff, v20;
	v16 =	vperm.xlane v19, v4;
	[tilespmem:s18+$0x10] =	vst v2;
	v19, _, _ =	vpop (xrf0);
	s18 =	smov.u32 s20;
	s20 =	sadd.s32 $0x40, s20  }
0x72: {  	v14 =	vperm.xlane v14, v4;
	(xrf0) =	vadd.scan.msk.s32 $0xffff, v17  }
0x73: {  	[tilespmem:s16+$0x10] =	vst v15;
	v15, _, _ =	vpop (xrf0);
	(xrf0) =	vadd.scan.msk.s32 $0xffff, v18  }
0x74: {  	(xrf0) =	vadd.scan.msk.s32 $0xffff, v14;
	v14 =	vperm.xlane v15, v4;
	_ =	sdelay $0x3  }
0x75: {  	[tilespmem:s16+$0xFFFFFFE0] =	vst v14;
	v14, _, _ =	vpop (xrf0)  }
0x76: {  	[tilespmem:s18+$0xFFFFFFF0] =	vst v2;
	v14 =	vperm.xlane v14, v4  }
0x77: {  	v17 =	vperm.xlane v19, v4;
	[tilespmem:s18+$0x10] =	vst v2  }
0x78: {  	[tilespmem:s16+$0xFFFFFFF0] =	vst v16;
	v15, _, _ =	vpop (xrf0)  }
0x79: {  	s24 =	sadd.s32 $0x40, s16;
	[tilespmem:s16+$0x0] =	vst v17;
	v15 =	vperm.xlane v15, v4;
	v16, _, _ =	vpop (xrf0)  }
0x7a: {  	v16 =	vperm.xlane v16, v4;
	[tilespmem:s24+$0x10] =	vst v14;
	v14, _, _ =	vpop (xrf0)  }
0x7b: {  	[tilespmem:s24+$0xFFFFFFF0] =	vst v15;
	v14 =	vperm.xlane v14, v4  }
0x7c: {  	[tilespmem:s24+$0x0] =	vst v16  }
0x7d: {  	[tilespmem:s24+$0xFFFFFFE0] =	vst v14  }
0x7e: {  	v14 =	vld.idx.msk [tilespmem:v1+s10+$0x0], $0xffff;
	_ =	sdelay $0x4  }
0x7f: {  	v14 =	vperm.xlane v14, v4;
	_ =	sdelay $0x1  }
0x80: {  	(xrf0) =	vadd.scan.msk.s32 $0xffff, v14;
	_ =	sdelay $0x5  }
0x81: {  	v14, _, _ =	vpop (xrf0)  }
0x82: {  	v14 =	vperm.xlane v14, v4;
	_ =	sdelay $0x1  }
0x83: {  	[tilespmem:$0x11000] =	vst v14  }
0x84: {  	v14 =	vld.idx.msk [tilespmem:v5+s10+$0x0], $0xffff;
	_ =	sdelay $0x4  }
0x85: {  	v14 =	vperm.xlane v14, v4;
	_ =	sdelay $0x1  }
0x86: {  	(xrf0) =	vadd.scan.msk.s32 $0xffff, v14;
	_ =	sdelay $0x5  }
0x87: {  	v14, _, _ =	vpop (xrf0)  }
0x88: {  	v14 =	vperm.xlane v14, v4;
	_ =	sdelay $0x1  }
0x89: {  	[tilespmem:$0x11010] =	vst v14  }
0x8a: {  	v14 =	vld.idx.msk [tilespmem:v6+s10+$0x0], $0xffff;
	_ =	sdelay $0x4  }
0x8b: {  	v14 =	vperm.xlane v14, v4;
	_ =	sdelay $0x1  }
0x8c: {  	(xrf0) =	vadd.scan.msk.s32 $0xffff, v14;
	_ =	sdelay $0x5  }
0x8d: {  	v14, _, _ =	vpop (xrf0)  }
0x8e: {  	v14 =	vperm.xlane v14, v4;
	_ =	sdelay $0x1  }
0x8f: {  	[tilespmem:$0x11020] =	vst v14  }
0x90: {  	v14 =	vld.idx.msk [tilespmem:v7+s10+$0x0], $0xffff;
	_ =	sdelay $0x4  }
0x91: {  	v14 =	vperm.xlane v14, v4;
	_ =	sdelay $0x1  }
0x92: {  	(xrf0) =	vadd.scan.msk.s32 $0xffff, v14;
	_ =	sdelay $0x5  }
0x93: {  	v14, _, _ =	vpop (xrf0)  }
0x94: {  	v14 =	vperm.xlane v14, v4;
	_ =	sdelay $0x1  }
0x95: {  	[tilespmem:$0x11030] =	vst v14  }
0x96: {  	v14 =	vld.idx.msk [tilespmem:v8+s10+$0x0], $0xffff;
	_ =	sdelay $0x4  }
0x97: {  	v14 =	vperm.xlane v14, v4;
	_ =	sdelay $0x1  }
0x98: {  	(xrf0) =	vadd.scan.msk.s32 $0xffff, v14;
	_ =	sdelay $0x5  }
0x99: {  	v14, _, _ =	vpop (xrf0)  }
0x9a: {  	v14 =	vperm.xlane v14, v4;
	_ =	sdelay $0x1  }
0x9b: {  	[tilespmem:$0x11040] =	vst v14  }
0x9c: {  	v14 =	vld.idx.msk [tilespmem:v9+s10+$0x0], $0xffff;
	_ =	sdelay $0x4  }
0x9d: {  	v14 =	vperm.xlane v14, v4;
	_ =	sdelay $0x1  }
0x9e: {  	(xrf0) =	vadd.scan.msk.s32 $0xffff, v14;
	_ =	sdelay $0x5  }
0x9f: {  	v14, _, _ =	vpop (xrf0)  }
0xa0: {  	v14 =	vperm.xlane v14, v4;
	_ =	sdelay $0x1  }
0xa1: {  	[tilespmem:$0x11050] =	vst v14  }
0xa2: {  	v14 =	vld.idx.msk [tilespmem:v10+s10+$0x0], $0xffff;
	_ =	sdelay $0x4  }
0xa3: {  	v14 =	vperm.xlane v14, v4;
	_ =	sdelay $0x1  }
0xa4: {  	(xrf0) =	vadd.scan.msk.s32 $0xffff, v14;
	_ =	sdelay $0x5  }
0xa5: {  	v14, _, _ =	vpop (xrf0)  }
0xa6: {  	v14 =	vperm.xlane v14, v4;
	_ =	sdelay $0x1  }
0xa7: {  	[tilespmem:$0x11060] =	vst v14  }
0xa8: {  	v14 =	vld.idx.msk [tilespmem:v11+s10+$0x0], $0xffff;
	_ =	sdelay $0x4  }
0xa9: {  	v14 =	vperm.xlane v14, v4;
	_ =	sdelay $0x1  }
0xaa: {  	(xrf0) =	vadd.scan.msk.s32 $0xffff, v14;
	_ =	sdelay $0x5  }
0xab: {  	v14, _, _ =	vpop (xrf0)  }
0xac: {  	v14 =	vperm.xlane v14, v4;
	_ =	sdelay $0x1  }
0xad: {  	[tilespmem:$0x11070] =	vst v14  }
0xae: {  	v14 =	vld.idx.msk [tilespmem:v1+s11+$0x0], $0xffff;
	_ =	sdelay $0x4  }
0xaf: {  	v14 =	vperm.xlane v14, v4;
	_ =	sdelay $0x1  }
0xb0: {  	(xrf0) =	vadd.scan.msk.s32 $0xffff, v14;
	_ =	sdelay $0x5  }
0xb1: {  	v14, _, _ =	vpop (xrf0)  }
0xb2: {  	v14 =	vperm.xlane v14, v4;
	_ =	sdelay $0x1  }
0xb3: {  	vm0 =	vgt.s32 v14, $0x147  }
0xb4: {  	v15 =	vnsel vm0, $0x7FFFFFFF, v12  }
0xb5: {  	(xrf0) =	vmax.scan.msk.u32 $0xffff, v15;
	_ =	sdelay $0x5  }
0xb6: {  	v15, _, _ =	vpop (xrf0)  }
0xb7: {  	(v2sf) =	vpush v15, $0xF;
	_ =	sdelay $0xe  }
0xb8: {  	s25 =	spop (v2sf)  }
0xb9: {  	s17 =	sxor.u32 $0x80000000, s25  }
0xba: {  	v15 =	vmov s17  }
0xbb: {  	v14 =	vxor.u32 $0x80000000, v14;
	vm0 =	veq.s32 v15, v13  }
0xbc: {  	v14 =	vnsel vm0, $0x80000000, v14  }
0xbd: {  	(xrf0) =	vmax.scan.msk.u32 $0xffff, v14;
	_ =	sdelay $0x5  }
0xbe: {  	v14, _, _ =	vpop (xrf0)  }
0xbf: {  	(v2sf) =	vpush v14, $0xF;
	_ =	sdelay $0x3  }
0xc0: {  	vm0 =	vgt.s32 v15, $0x0  }
0xc1: {  	v14 =	vnsel vm0, $0x0, v15  }
0xc2: {  	v14 =	vshll.u32 v14, $0x4  }
0xc3: {  	v14 =	vor.u32 v0, v14;
	_ =	sdelay $0x4  }
0xc4: {  	v14 =	vld.idx.msk [tilespmem:v14+s11+$0x0], $0xffff;
	_ =	sdelay $0x2  }
0xc5: {  	s26 =	spop (v2sf)  }
0xc6: {  	s17 =	sxor.u32 $0x80000000, s26  }
0xc7: {  	v14 =	vadd.s32 s17, v14  }
0xc8: {  	vm0 =	vgt.s32 v14, $0x147  }
0xc9: {  	v15 =	vnsel vm0, $0x7FFFFFFF, v12  }
0xca: {  	(xrf0) =	vmax.scan.msk.u32 $0xffff, v15;
	_ =	sdelay $0x5  }
0xcb: {  	v15, _, _ =	vpop (xrf0)  }
0xcc: {  	(v2sf) =	vpush v15, $0xF;
	_ =	sdelay $0xe  }
0xcd: {  	s28 =	spop (v2sf)  }
0xce: {  	s19 =	sxor.u32 $0x80000000, s28  }
0xcf: {  	v15 =	vmov s19  }
0xd0: {  	v15 =	vadd.s32 $0x1, v15  }
0xd1: {  	v15 =	vbroadcast v15, $0x0;
	_ =	sdelay $0x1  }
0xd2: {  	v14 =	vxor.u32 $0x80000000, v14;
	vm0 =	veq.s32 v15, v0  }
0xd3: {  	v14 =	vnsel vm0, $0x80000000, v14  }
0xd4: {  	(xrf0) =	vmax.scan.msk.u32 $0xffff, v14;
	_ =	sdelay $0x5  }
0xd5: {  	v14, _, _ =	vpop (xrf0)  }
0xd6: {  	s16 =	sshll.u32 s25, $0x4;
	(v2sf) =	vpush v14, $0xF  }
0xd7: {  	s19 =	sadd.s32 s16, s19  }
0xd8: {  	v14 =	vmov s19  }
0xd9: {  	vm0 =	vgt.s32 v14, $0x0  }
0xda: {  	v14 =	vnsel vm0, $0x0, v14  }
0xdb: {  	v14 =	vshll.u32 v14, $0x4  }
0xdc: {  	v14 =	vbroadcast v14, $0x0;
	_ =	sdelay $0x1  }
0xdd: {  	v14 =	vor.u32 v0, v14;
	_ =	sdelay $0x4  }
0xde: {  	v14 =	vld.idx.msk [tilespmem:v14+s10+$0x0], $0xffff;
	_ =	sdelay $0x1  }
0xdf: {  	s29 =	spop (v2sf)  }
0xe0: {  	p0 =	seq.s32 s28, $0x8000000F;
	s16 =	sxor.u32 $0x80000000, s29  }
0xe1: {  	s16 =	smov.u32 @p0 s17  }
0xe2: {  	v14 =	vadd.s32 s16, v14  }
0xe3: {  	vm0 =	vgt.s32 v14, $0x147  }
0xe4: {  	v15 =	vnsel vm0, $0x7FFFFFFF, v12  }
0xe5: {  	(xrf0) =	vmax.scan.msk.u32 $0xffff, v15;
	_ =	sdelay $0x5  }
0xe6: {  	v15, _, _ =	vpop (xrf0)  }
0xe7: {  	(v2sf) =	vpush v15, $0xF;
	_ =	sdelay $0x9  }
0xe8: {  	s20 =	simm.s32 $0x40  }
0xe9: {  	v16 =	vld [tilespmem:s20+$0x30]  }
0xea: {  	v17 =	vld [tilespmem:s20+$0xFFFFFFD0]  }
0xeb: {  	v18 =	vld [tilespmem:s20+$0xFFFFFFE0]  }
0xec: {  	v19 =	vld [tilespmem:s20+$0xFFFFFFF0]  }
0xed: {  	v23 =	vld [tilespmem:s20+$0xFFFFFFC0];
	s18 =	spop (v2sf)  }
0xee: {  	v20 =	vld [tilespmem:s20+$0x0];
	s30 =	sshll.u32 s19, $0x18;
	s31 =	sshll.u32 s18, $0x14  }
0xef: {  	v21 =	vld [tilespmem:s20+$0x10];
	v16 =	vand.u32 $0x7FFFFFFF, v16;
	s17 =	sadd.s32 s30, s31  }
0xf0: {  	v22 =	vld [tilespmem:s20+$0x20];
	v17 =	vand.u32 $0x7FFFFFFF, v17;
	v18 =	vand.u32 $0x7FFFFFFF, v18;
	v15 =	vmov s17  }
0xf1: {  	v16 =	vsub.s32 v16, v15;
	v17 =	vsub.s32 v17, v15;
	v24 =	vsub.s32 v18, v15  }
0xf2: {  	v18 =	vand.u32 $0x7FFFFFFF, v19;
	v19 =	vand.u32 $0x7FFFFFFF, v23;
	vm4 =	vlt.u32 v16, $0x100000  }
0xf3: {  	v16 =	vshra.s32 v16, $0xA;
	v25 =	vsub.s32 v18, v15;
	v18 =	vand.u32 $0x7FFFFFFF, v20  }
0xf4: {  	vm0 =	vlt.u32 v17, $0x100000;
	v26 =	vsub.s32 v18, v15;
	v18 =	vand.u32 $0x7FFFFFFF, v21  }
0xf5: {  	vm1 =	vlt.u32 v24, $0x100000;
	v21 =	vsub.s32 v18, v15;
	v18 =	vand.u32 $0x7FFFFFFF, v22  }
0xf6: {  	vm2 =	vlt.u32 v25, $0x100000;
	vm3 =	vlt.u32 v26, $0x100000;
	v22 =	vsub.s32 v18, v15  }
0xf7: {  	v18 =	vsub.s32 v19, v15;
	vm8 =	vlt.u32 v21, $0x100000;
	v19 =	vshra.s32 v24, $0xA  }
0xf8: {  	vm7 =	vlt.u32 v22, $0x100000;
	vm6 =	vlt.u32 v18, $0x100000;
	v20 =	vshra.s32 v18, $0xA  }
0xf9: {  	s21 =	simm.s32 $0x140;
	s20 =	simm.s32 $0x0;
	v18 =	vshra.s32 v17, $0xA;
	v17 =	vshra.s32 v25, $0xA;
	[tilespmem:v16+s9+$0x0] =	vst.idx.add.s32.msk vm4, v3;
	v16 =	vshra.s32 v26, $0xA  }
.LBB2_14:
0xfa: {  	v23 =	vld [tilespmem:s21+$0x30];
	s20 =	sadd.s32 $0x8, s20;
	v24 =	vshra.s32 v21, $0xA;
	v25 =	vshra.s32 v22, $0xA;
	vm5 =	vmmov vm8  }
0xfb: {  	vm4 =	vmmov vm7;
	v21 =	vld [tilespmem:s21+$0xFFFFFFD0];
	p0 =	slt.u32 s20, $0x7F8  }
0xfc: {  	v22 =	vld [tilespmem:s21+$0xFFFFFFE0]  }
0xfd: {  	v26 =	vld [tilespmem:s21+$0xFFFFFFF0]  }
0xfe: {  	v27 =	vld [tilespmem:s21+$0x0]  }
0xff: {  	v28 =	vld [tilespmem:s21+$0x10];
	v23 =	vand.u32 $0x7FFFFFFF, v23  }
0x100: {  	v21 =	vand.u32 $0x7FFFFFFF, v21;
	v29 =	vld [tilespmem:s21+$0x20];
	v23 =	vsub.s32 v23, v15  }
0x101: {  	v30 =	vld [tilespmem:s21+$0xFFFFFFC0];
	v31 =	vsub.s32 v21, v15;
	v21 =	vand.u32 $0x7FFFFFFF, v22;
	vm9 =	vlt.u32 v23, $0x100000  }
0x102: {  	v23 =	vshra.s32 v23, $0xA;
	v32 =	vsub.s32 v21, v15;
	v21 =	vand.u32 $0x7FFFFFFF, v26;
	[tilespmem:v20+s9+$0x0] =	vst.idx.add.s32.msk vm6, v3  }
0x103: {  	v26 =	vsub.s32 v21, v15;
	v20 =	vand.u32 $0x7FFFFFFF, v27;
	[tilespmem:v18+s9+$0x0] =	vst.idx.add.s32.msk vm0, v3;
	vm0 =	vlt.u32 v31, $0x100000  }
0x104: {  	v27 =	vsub.s32 v20, v15;
	v18 =	vand.u32 $0x7FFFFFFF, v28;
	[tilespmem:v19+s9+$0x0] =	vst.idx.add.s32.msk vm1, v3;
	vm1 =	vlt.u32 v32, $0x100000  }
.Ltmp6:
0x105: {  	v21 =	vsub.s32 v18, v15;
	v18 =	vand.u32 $0x7FFFFFFF, v29;
	[tilespmem:v17+s9+$0x0] =	vst.idx.add.s32.msk vm2, v3;
	vm2 =	vlt.u32 v26, $0x100000;
	(pc) =	sbr.rel @p0 .LBB2_14-.Ltmp6, $4  }
0x106: {  	v17 =	vand.u32 $0x7FFFFFFF, v30;
	v22 =	vsub.s32 v18, v15;
	[tilespmem:v16+s9+$0x0] =	vst.idx.add.s32.msk vm3, v3;
	vm3 =	vlt.u32 v27, $0x100000  }
0x107: {  	s19 =	simm.s32 $0x10820;
	s22 =	simm.s32 $0x10020;
	vm8 =	vlt.u32 v21, $0x100000;
	v16 =	vsub.s32 v17, v15;
	vm7 =	vlt.u32 v22, $0x100000;
	[tilespmem:v23+s9+$0x0] =	vst.idx.add.s32.msk vm9, v3  }
0x108: {  	v18 =	vshra.s32 v31, $0xA;
	vm6 =	vlt.u32 v16, $0x100000;
	v20 =	vshra.s32 v16, $0xA;
	[tilespmem:v24+s9+$0x0] =	vst.idx.add.s32.msk vm5, v3  }
0x109: {  	s21 =	sadd.s32 $0x100, s21;
	v19 =	vshra.s32 v32, $0xA;
	v17 =	vshra.s32 v26, $0xA;
	v16 =	vshra.s32 v27, $0xA;
	[tilespmem:v25+s9+$0x0] =	vst.idx.add.s32.msk vm4, v3  }
0x10a: {  	_ =	sdelay $0x4  }
0x10b: {  	v15 =	vshra.s32 v21, $0xA;
	[tilespmem:v20+s9+$0x0] =	vst.idx.add.s32.msk vm6, v3  }
0x10c: {  	v20 =	vshra.s32 v22, $0xA;
	[tilespmem:v18+s9+$0x0] =	vst.idx.add.s32.msk vm0, v3  }
0x10d: {  	[tilespmem:v19+s9+$0x0] =	vst.idx.add.s32.msk vm1, v3  }
0x10e: {  	[tilespmem:v17+s9+$0x0] =	vst.idx.add.s32.msk vm2, v3  }
0x10f: {  	[tilespmem:v16+s9+$0x0] =	vst.idx.add.s32.msk vm3, v3  }
0x110: {  	[tilespmem:v15+s9+$0x0] =	vst.idx.add.s32.msk vm8, v3  }
0x111: {  	[tilespmem:v20+s9+$0x0] =	vst.idx.add.s32.msk vm7, v3  }
0x112: {  	v15 =	vld [tilespmem:s22+$0x10];
	_ =	sdelay $0x3  }
0x113: {  	v16 =	vld [tilespmem:s22+$0xFFFFFFF0]  }
0x114: {  	v17 =	vld [tilespmem:s22+$0x0];
	v15 =	vperm.xlane v15, v4  }
0x115: {  	v18 =	vld [tilespmem:s22+$0xFFFFFFE0]  }
0x116: {  	s20 =	simm.s32 $0x10060;
	(xrf0) =	vadd.scan.msk.s32 $0xffff, v15  }
0x117: {  	v19 =	vld [tilespmem:s20+$0x10]  }
0x118: {  	v16 =	vperm.xlane v16, v4  }
0x119: {  	v17 =	vperm.xlane v17, v4  }
0x11a: {  	v18 =	vperm.xlane v18, v4;
	(xrf0) =	vadd.scan.msk.s32 $0xffff, v16  }
0x11b: {  	v16 =	vld [tilespmem:s20+$0xFFFFFFF0];
	(xrf0) =	vadd.scan.msk.s32 $0xffff, v17  }
0x11c: {  	[tilespmem:s22+$0xFFFFFFE0] =	vst v2;
	v20 =	vperm.xlane v19, v4;
	v17 =	vld [tilespmem:s20+$0x0];
	v19, _, _ =	vpop (xrf0);
	(xrf0) =	vadd.scan.msk.s32 $0xffff, v18  }
0x11d: {  	[tilespmem:s22+$0x0] =	vst v2;
	v15 =	vld [tilespmem:s20+$0xFFFFFFE0]  }
0x11e: {  	[tilespmem:s22+$0xFFFFFFF0] =	vst v2  }
0x11f: {  	vm4 =	vmmov vm8;
	[tilespmem:s22+$0x10] =	vst v2  }
0x120: {  	vm5 =	vmmov vm7;
	[tilespmem:s20+$0xFFFFFFE0] =	vst v2;
	v18 =	vperm.xlane v16, v4;
	v16 =	vperm.xlane v19, v4;
	v21, _, _ =	vpop (xrf0)  }
0x121: {  	s21 =	simm.s32 $0x4;
	s23 =	simm.s32 $0x100A0;
	[tilespmem:s20+$0x0] =	vst v2;
	v19 =	vperm.xlane v17, v4;
	(xrf0) =	vadd.scan.msk.s32 $0xffff, v20;
	v17 =	vperm.xlane v21, v4;
	v20, _, _ =	vpop (xrf0)  }
.LBB2_16:
0x122: {  	v21 =	vld [tilespmem:s23+$0x10];
	s21 =	sadd.s32 $0x4, s21;
	v15 =	vperm.xlane v15, v4;
	(xrf0) =	vadd.scan.msk.s32 $0xffff, v18;
	v18 =	vperm.xlane v20, v4;
	[tilespmem:s19+$0x10] =	vst v16;
	v16, _, _ =	vpop (xrf0)  }
0x123: {  	v20 =	vld [tilespmem:s23+$0xFFFFFFF0];
	p0 =	slt.u32 s21, $0x3C;
	(xrf0) =	vadd.scan.msk.s32 $0xffff, v19;
	v16 =	vperm.xlane v16, v4;
	[tilespmem:s19+$0xFFFFFFF0] =	vst v17  }
0x124: {  	v17 =	vld [tilespmem:s23+$0x0];
	(xrf0) =	vadd.scan.msk.s32 $0xffff, v15;
	[tilespmem:s19+$0x0] =	vst v18  }
.Ltmp7:
0x125: {  	v15 =	vld [tilespmem:s23+$0xFFFFFFE0];
	[tilespmem:s19+$0xFFFFFFE0] =	vst v16;
	(pc) =	sbr.rel @p0 .LBB2_16-.Ltmp7, $4  }
0x126: {  	[tilespmem:s23+$0xFFFFFFE0] =	vst v2  }
0x127: {  	[tilespmem:s23+$0x0] =	vst v2;
	v21 =	vperm.xlane v21, v4;
	v16, _, _ =	vpop (xrf0)  }
0x128: {  	v18 =	vperm.xlane v20, v4;
	[tilespmem:s20+$0xFFFFFFF0] =	vst v2;
	v16 =	vperm.xlane v16, v4;
	v20, _, _ =	vpop (xrf0)  }
0x129: {  	s19 =	sadd.s32 $0x40, s19;
	v19 =	vperm.xlane v17, v4;
	(xrf0) =	vadd.scan.msk.s32 $0xffff, v21;
	v17 =	vperm.xlane v20, v4;
	[tilespmem:s20+$0x10] =	vst v2;
	v20, _, _ =	vpop (xrf0);
	s20 =	smov.u32 s23;
	s23 =	sadd.s32 $0x40, s23  }
0x12a: {  	v15 =	vperm.xlane v15, v4;
	(xrf0) =	vadd.scan.msk.s32 $0xffff, v18  }
0x12b: {  	[tilespmem:s19+$0x10] =	vst v16;
	v16, _, _ =	vpop (xrf0);
	(xrf0) =	vadd.scan.msk.s32 $0xffff, v19  }
0x12c: {  	(xrf0) =	vadd.scan.msk.s32 $0xffff, v15;
	v15 =	vperm.xlane v16, v4;
	_ =	sdelay $0x3  }
0x12d: {  	[tilespmem:s19+$0xFFFFFFE0] =	vst v15;
	v15, _, _ =	vpop (xrf0)  }
0x12e: {  	[tilespmem:s20+$0xFFFFFFF0] =	vst v2;
	v15 =	vperm.xlane v15, v4  }
0x12f: {  	v18 =	vperm.xlane v20, v4;
	[tilespmem:s20+$0x10] =	vst v2  }
0x130: {  	[tilespmem:s19+$0xFFFFFFF0] =	vst v17;
	v16, _, _ =	vpop (xrf0)  }
0x131: {  	s22 =	sadd.s32 $0x40, s19;
	[tilespmem:s19+$0x0] =	vst v18;
	v16 =	vperm.xlane v16, v4;
	v17, _, _ =	vpop (xrf0)  }
0x132: {  	v17 =	vperm.xlane v17, v4;
	[tilespmem:s22+$0x10] =	vst v15;
	v15, _, _ =	vpop (xrf0)  }
0x133: {  	[tilespmem:s22+$0xFFFFFFF0] =	vst v16;
	v15 =	vperm.xlane v15, v4  }
0x134: {  	[tilespmem:s22+$0x0] =	vst v17  }
0x135: {  	s23 =	sxor.u32 $0x80000000, s18;
	[tilespmem:s22+$0xFFFFFFE0] =	vst v15  }
0x136: {  	v15 =	vmov s23;
	v16 =	vld.idx.msk [tilespmem:v1+s10+$0x0], $0xffff  }
0x137: {  	v15 =	vadd.s32 $0x1, v15  }
0x138: {  	v15 =	vbroadcast v15, $0x0;
	_ =	sdelay $0x1  }
0x139: {  	v14 =	vxor.u32 $0x80000000, v14;
	vm0 =	veq.s32 v15, v0  }
0x13a: {  	v14 =	vnsel vm0, $0x80000000, v14;
	v15 =	vperm.xlane v16, v4  }
0x13b: {  	(xrf0) =	vmax.scan.msk.u32 $0xffff, v14  }
0x13c: {  	(xrf0) =	vadd.scan.msk.s32 $0xffff, v15;
	_ =	sdelay $0x4  }
0x13d: {  	v14, _, _ =	vpop (xrf0)  }
0x13e: {  	v15, _, _ =	vpop (xrf0)  }
0x13f: {  	v15 =	vperm.xlane v15, v4;
	_ =	sdelay $0x1  }
0x140: {  	[tilespmem:$0x11000] =	vst v15  }
0x141: {  	v15 =	vld.idx.msk [tilespmem:v5+s10+$0x0], $0xffff;
	_ =	sdelay $0x4  }
0x142: {  	v15 =	vperm.xlane v15, v4;
	_ =	sdelay $0x1  }
0x143: {  	(xrf0) =	vadd.scan.msk.s32 $0xffff, v15;
	_ =	sdelay $0x5  }
0x144: {  	v15, _, _ =	vpop (xrf0)  }
0x145: {  	v15 =	vperm.xlane v15, v4;
	_ =	sdelay $0x1  }
0x146: {  	[tilespmem:$0x11010] =	vst v15  }
0x147: {  	v15 =	vld.idx.msk [tilespmem:v6+s10+$0x0], $0xffff;
	_ =	sdelay $0x4  }
0x148: {  	v15 =	vperm.xlane v15, v4;
	_ =	sdelay $0x1  }
0x149: {  	(xrf0) =	vadd.scan.msk.s32 $0xffff, v15;
	_ =	sdelay $0x5  }
0x14a: {  	v15, _, _ =	vpop (xrf0)  }
0x14b: {  	v15 =	vperm.xlane v15, v4;
	_ =	sdelay $0x1  }
0x14c: {  	[tilespmem:$0x11020] =	vst v15  }
0x14d: {  	v15 =	vld.idx.msk [tilespmem:v7+s10+$0x0], $0xffff;
	_ =	sdelay $0x4  }
0x14e: {  	v15 =	vperm.xlane v15, v4;
	_ =	sdelay $0x1  }
0x14f: {  	(xrf0) =	vadd.scan.msk.s32 $0xffff, v15;
	_ =	sdelay $0x4  }
0x150: {  	[tilespmem:$0x11040] =	vst v2  }
0x151: {  	[tilespmem:$0x11050] =	vst v2;
	v15, _, _ =	vpop (xrf0)  }
0x152: {  	(v2sf) =	vpush v14, $0xF;
	[tilespmem:$0x11060] =	vst v2;
	v15 =	vperm.xlane v15, v4  }
0x153: {  	[tilespmem:$0x11070] =	vst v2  }
0x154: {  	[tilespmem:$0x11030] =	vst v15  }
0x155: {  	v14 =	vld.idx.msk [tilespmem:v1+s11+$0x0], $0xffff;
	_ =	sdelay $0x4  }
0x156: {  	v14 =	vperm.xlane v14, v4;
	_ =	sdelay $0x1  }
0x157: {  	(xrf0) =	vadd.scan.msk.s32 $0xffff, v14;
	_ =	sdelay $0x4  }
0x158: {  	s24 =	spop (v2sf)  }
0x159: {  	p0 =	seq.s32 s18, $0x8000000F;
	s19 =	sxor.u32 $0x80000000, s24;
	v14, _, _ =	vpop (xrf0)  }
0x15a: {  	s19 =	smov.u32 @p0 s16;
	v14 =	vperm.xlane v14, v4  }
0x15b: {  	s16 =	ssub.s32 $0x148, s19  }
0x15c: {  	vm8 =	vlt.s32 v14, s16  }
0x15d: {  	v15 =	vsel vm8, $0x7FFFFFFF, v12  }
0x15e: {  	(xrf0) =	vmax.scan.msk.u32 $0xffff, v15;
	_ =	sdelay $0x5  }
0x15f: {  	v15, _, _ =	vpop (xrf0)  }
0x160: {  	(v2sf) =	vpush v15, $0xF;
	_ =	sdelay $0xe  }
0x161: {  	s25 =	spop (v2sf)  }
0x162: {  	s26 =	sxor.u32 $0x80000000, s25  }
0x163: {  	v15 =	vmov s26  }
0x164: {  	v14 =	vxor.u32 $0x80000000, v14;
	vm9 =	veq.s32 v15, v13  }
0x165: {  	v14 =	vnsel vm9, $0x80000000, v14  }
0x166: {  	(xrf0) =	vmax.scan.msk.u32 $0xffff, v14;
	_ =	sdelay $0x5  }
0x167: {  	v14, _, _ =	vpop (xrf0)  }
0x168: {  	(v2sf) =	vpush v14, $0xF;
	_ =	sdelay $0x3  }
0x169: {  	vm10 =	vgt.s32 v15, $0x0  }
0x16a: {  	v14 =	vnsel vm10, $0x0, v15  }
0x16b: {  	v14 =	vshll.u32 v14, $0x4  }
0x16c: {  	v14 =	vor.u32 v0, v14;
	_ =	sdelay $0x4  }
0x16d: {  	v14 =	vld.idx.msk [tilespmem:v14+s11+$0x0], $0xffff;
	_ =	sdelay $0x2  }
0x16e: {  	s28 =	spop (v2sf)  }
0x16f: {  	s19 =	sxor.u32 $0x80000000, s28  }
0x170: {  	v14 =	vadd.s32 s19, v14  }
0x171: {  	vm11 =	vlt.s32 v14, s16  }
0x172: {  	v15 =	vsel vm11, $0x7FFFFFFF, v12  }
0x173: {  	(xrf0) =	vmax.scan.msk.u32 $0xffff, v15;
	_ =	sdelay $0x5  }
0x174: {  	v15, _, _ =	vpop (xrf0)  }
0x175: {  	(v2sf) =	vpush v15, $0xF;
	_ =	sdelay $0xe  }
0x176: {  	s29 =	spop (v2sf)  }
0x177: {  	s21 =	sxor.u32 $0x80000000, s29  }
0x178: {  	v15 =	vmov s21  }
0x179: {  	v15 =	vadd.s32 $0x1, v15  }
0x17a: {  	v15 =	vbroadcast v15, $0x0;
	_ =	sdelay $0x1  }
0x17b: {  	v14 =	vxor.u32 $0x80000000, v14;
	vm12 =	veq.s32 v15, v0  }
0x17c: {  	v14 =	vnsel vm12, $0x80000000, v14  }
0x17d: {  	(xrf0) =	vmax.scan.msk.u32 $0xffff, v14;
	_ =	sdelay $0x5  }
0x17e: {  	v14, _, _ =	vpop (xrf0)  }
0x17f: {  	s18 =	sshll.u32 s25, $0x4;
	(v2sf) =	vpush v14, $0xF  }
0x180: {  	s21 =	sadd.s32 s18, s21  }
0x181: {  	v14 =	vmov s21  }
0x182: {  	vm13 =	vgt.s32 v14, $0x0  }
0x183: {  	v14 =	vnsel vm13, $0x0, v14  }
0x184: {  	v14 =	vshll.u32 v14, $0x4  }
0x185: {  	v14 =	vbroadcast v14, $0x0;
	_ =	sdelay $0x1  }
0x186: {  	v14 =	vor.u32 v0, v14;
	_ =	sdelay $0x4  }
0x187: {  	v14 =	vld.idx.msk [tilespmem:v14+s10+$0x0], $0xffff;
	_ =	sdelay $0x1  }
0x188: {  	s30 =	spop (v2sf)  }
0x189: {  	p0 =	seq.s32 s29, $0x8000000F;
	s18 =	sxor.u32 $0x80000000, s30  }
0x18a: {  	s18 =	smov.u32 @p0 s19  }
0x18b: {  	v14 =	vadd.s32 s18, v14  }
0x18c: {  	vm14 =	vlt.s32 v14, s16  }
0x18d: {  	v15 =	vsel vm14, $0x7FFFFFFF, v12  }
0x18e: {  	(xrf0) =	vmax.scan.msk.u32 $0xffff, v15;
	_ =	sdelay $0x5  }
0x18f: {  	v15, _, _ =	vpop (xrf0)  }
0x190: {  	(v2sf) =	vpush v15, $0xF;
	_ =	sdelay $0x8  }
0x191: {  	s31 =	simm.s32 $0x40  }
0x192: {  	v20 =	vld [tilespmem:s31+$0x30]  }
0x193: {  	v18 =	vld [tilespmem:s31+$0xFFFFFFD0]  }
0x194: {  	v33 =	vld [tilespmem:s31+$0xFFFFFFE0]  }
0x195: {  	v37 =	vld [tilespmem:s31+$0xFFFFFFF0]  }
0x196: {  	v35 =	vld [tilespmem:s31+$0xFFFFFFC0]  }
0x197: {  	s19 =	spop (v2sf)  }
0x198: {  	s21 =	sshll.u32 s21, $0xE;
	s22 =	sshll.u32 s19, $0xA  }
0x199: {  	v19 =	vld [tilespmem:s31+$0x20];
	v21 =	vand.u32 $0x7FFFFFFF, v20;
	v22 =	vand.u32 $0x7FFFFFFF, v18;
	s21 =	sadd.s32 s21, s22  }
0x19a: {  	v16 =	vld [tilespmem:s31+$0x0];
	v18 =	vand.u32 $0x7F, v18;
	v20 =	vand.u32 $0x7F, v20;
	v23 =	vand.u32 $0x7FFFFFFF, v33;
	s17 =	sor.u32 s17, s21  }
0x19b: {  	v17 =	vld [tilespmem:s31+$0x10];
	v24 =	vand.u32 $0x7FFFFFFF, v37;
	v26 =	vand.u32 $0x7FFFFFFF, v35;
	v15 =	vmov s17  }
0x19c: {  	v21 =	vsub.s32 v21, v15;
	v25 =	vsub.s32 v22, v15;
	v22 =	vsub.s32 v23, v15  }
0x19d: {  	v23 =	vsub.s32 v24, v15;
	vm15 =	vlt.u32 v21, $0x400;
	v21 =	vand.u32 $0xFFFFFF80, v21  }
0x19e: {  	v24 =	vand.u32 $0x7FFFFFFF, v19;
	v32 =	vsub.s32 v26, v15;
	v36 =	vor.u32 v20, v21  }
0x19f: {  	v27 =	vand.u32 $0xFFFFFF80, v25;
	v30 =	vand.u32 $0xFFFFFF80, v22;
	v24 =	vsub.s32 v24, v15  }
0x1a0: {  	v31 =	vand.u32 $0xFFFFFF80, v23;
	v20 =	vand.u32 $0x7FFFFFFF, v16;
	v21 =	vand.u32 $0x7FFFFFFF, v17  }
0x1a1: {  	v34 =	vand.u32 $0xFFFFFF80, v32;
	v20 =	vsub.s32 v20, v15;
	v21 =	vsub.s32 v21, v15  }
0x1a2: {  	v26 =	vand.u32 $0xFFFFFF80, v24;
	v28 =	vand.u32 $0xFFFFFF80, v20;
	v29 =	vand.u32 $0xFFFFFF80, v21  }
0x1a3: {  	s22 =	simm.s32 $0x140;
	s21 =	simm.s32 $0x0;
	[tilespmem:v36+s9+$0x0] =	vst.idx.add.s32.msk vm15, v3;
	v36 =	vand.u32 $0x7F, v35;
	v35 =	vand.u32 $0x7F, v33;
	v33 =	vand.u32 $0x7F, v37  }
.LBB2_18:
0x1a4: {  	v37 =	vld [tilespmem:s22+$0x30];
	s21 =	sadd.s32 $0x8, s21;
	v38 =	vand.u32 $0x7F, v16;
	v17 =	vand.u32 $0x7F, v17;
	v19 =	vand.u32 $0x7F, v19  }
0x1a5: {  	vm6 =	vlt.u32 v32, $0x400;
	v32 =	vor.u32 v36, v34;
	vm5 =	vlt.u32 v25, $0x400;
	v39 =	vld [tilespmem:s22+$0xFFFFFFD0];
	p0 =	slt.u32 s21, $0x7F8  }
0x1a6: {  	v27 =	vor.u32 v18, v27;
	vm4 =	vlt.u32 v22, $0x400;
	v30 =	vor.u32 v35, v30;
	v40 =	vld [tilespmem:s22+$0xFFFFFFE0]  }
0x1a7: {  	vm3 =	vlt.u32 v23, $0x400;
	v31 =	vor.u32 v33, v31;
	vm2 =	vlt.u32 v20, $0x400;
	v41 =	vld [tilespmem:s22+$0xFFFFFFF0]  }
0x1a8: {  	vm1 =	vlt.u32 v21, $0x400;
	v28 =	vor.u32 v38, v28;
	v33 =	vor.u32 v17, v29;
	v16 =	vld [tilespmem:s22+$0x0]  }
0x1a9: {  	vm0 =	vlt.u32 v24, $0x400;
	v38 =	vor.u32 v19, v26;
	v17 =	vld [tilespmem:s22+$0x10];
	v20 =	vand.u32 $0x7FFFFFFF, v37  }
0x1aa: {  	v21 =	vand.u32 $0x7FFFFFFF, v39;
	v18 =	vand.u32 $0x7F, v39;
	v19 =	vld [tilespmem:s22+$0x20];
	v20 =	vsub.s32 v20, v15  }
0x1ab: {  	v22 =	vand.u32 $0x7F, v37;
	v35 =	vld [tilespmem:s22+$0xFFFFFFC0];
	vm7 =	vlt.u32 v20, $0x400;
	v20 =	vand.u32 $0xFFFFFF80, v20  }
0x1ac: {  	v23 =	vand.u32 $0x7FFFFFFF, v40;
	v24 =	vand.u32 $0x7FFFFFFF, v41;
	v26 =	vor.u32 v22, v20;
	[tilespmem:v32+s9+$0x0] =	vst.idx.add.s32.msk vm6, v3  }
0x1ad: {  	v25 =	vsub.s32 v21, v15;
	v22 =	vsub.s32 v23, v15;
	v20 =	vand.u32 $0x7FFFFFFF, v16;
	[tilespmem:v27+s9+$0x0] =	vst.idx.add.s32.msk vm5, v3  }
0x1ae: {  	v23 =	vsub.s32 v24, v15;
	v20 =	vsub.s32 v20, v15;
	v21 =	vand.u32 $0x7FFFFFFF, v17;
	[tilespmem:v30+s9+$0x0] =	vst.idx.add.s32.msk vm4, v3  }
.Ltmp8:
0x1af: {  	v27 =	vand.u32 $0xFFFFFF80, v25;
	v21 =	vsub.s32 v21, v15;
	v24 =	vand.u32 $0x7FFFFFFF, v19;
	[tilespmem:v31+s9+$0x0] =	vst.idx.add.s32.msk vm3, v3;
	(pc) =	sbr.rel @p0 .LBB2_18-.Ltmp8, $4  }
0x1b0: {  	v30 =	vand.u32 $0xFFFFFF80, v22;
	v29 =	vand.u32 $0x7FFFFFFF, v35;
	v24 =	vsub.s32 v24, v15;
	[tilespmem:v28+s9+$0x0] =	vst.idx.add.s32.msk vm2, v3  }
0x1b1: {  	s20 =	simm.s32 $0x10820;
	s23 =	simm.s32 $0x10020;
	v31 =	vand.u32 $0xFFFFFF80, v23;
	v28 =	vand.u32 $0xFFFFFF80, v20;
	v32 =	vsub.s32 v29, v15;
	[tilespmem:v26+s9+$0x0] =	vst.idx.add.s32.msk vm7, v3  }
0x1b2: {  	v29 =	vand.u32 $0xFFFFFF80, v21;
	v26 =	vand.u32 $0xFFFFFF80, v24;
	v34 =	vand.u32 $0xFFFFFF80, v32;
	[tilespmem:v33+s9+$0x0] =	vst.idx.add.s32.msk vm1, v3  }
0x1b3: {  	s22 =	sadd.s32 $0x100, s22;
	v36 =	vand.u32 $0x7F, v35;
	v35 =	vand.u32 $0x7F, v40;
	v33 =	vand.u32 $0x7F, v41;
	[tilespmem:v38+s9+$0x0] =	vst.idx.add.s32.msk vm0, v3  }
0x1b4: {  	vm0 =	vlt.u32 v32, $0x400  }
0x1b5: {  	v15 =	vor.u32 v36, v34;
	vm1 =	vlt.u32 v25, $0x400  }
0x1b6: {  	v18 =	vor.u32 v18, v27;
	vm2 =	vlt.u32 v22, $0x400  }
0x1b7: {  	v22 =	vor.u32 v35, v30;
	vm3 =	vlt.u32 v23, $0x400  }
0x1b8: {  	v16 =	vand.u32 $0x7F, v16;
	v23 =	vor.u32 v33, v31;
	vm4 =	vlt.u32 v20, $0x400  }
0x1b9: {  	v17 =	vand.u32 $0x7F, v17;
	vm5 =	vlt.u32 v21, $0x400;
	v16 =	vor.u32 v16, v28  }
0x1ba: {  	v19 =	vand.u32 $0x7F, v19;
	vm6 =	vlt.u32 v24, $0x400;
	v17 =	vor.u32 v17, v29;
	[tilespmem:v15+s9+$0x0] =	vst.idx.add.s32.msk vm0, v3  }
0x1bb: {  	v15 =	vor.u32 v19, v26;
	[tilespmem:v18+s9+$0x0] =	vst.idx.add.s32.msk vm1, v3  }
0x1bc: {  	[tilespmem:v22+s9+$0x0] =	vst.idx.add.s32.msk vm2, v3  }
0x1bd: {  	[tilespmem:v23+s9+$0x0] =	vst.idx.add.s32.msk vm3, v3  }
0x1be: {  	[tilespmem:v16+s9+$0x0] =	vst.idx.add.s32.msk vm4, v3  }
0x1bf: {  	[tilespmem:v17+s9+$0x0] =	vst.idx.add.s32.msk vm5, v3  }
0x1c0: {  	[tilespmem:v15+s9+$0x0] =	vst.idx.add.s32.msk vm6, v3  }
0x1c1: {  	v15 =	vld [tilespmem:s23+$0x10];
	_ =	sdelay $0x3  }
0x1c2: {  	v16 =	vld [tilespmem:s23+$0xFFFFFFF0]  }
0x1c3: {  	v17 =	vld [tilespmem:s23+$0x0];
	v15 =	vperm.xlane v15, v4  }
0x1c4: {  	v18 =	vld [tilespmem:s23+$0xFFFFFFE0]  }
0x1c5: {  	s21 =	simm.s32 $0x10060;
	(xrf0) =	vadd.scan.msk.s32 $0xffff, v15  }
0x1c6: {  	v19 =	vld [tilespmem:s21+$0x10]  }
0x1c7: {  	v16 =	vperm.xlane v16, v4  }
0x1c8: {  	v17 =	vperm.xlane v17, v4  }
0x1c9: {  	v18 =	vperm.xlane v18, v4;
	(xrf0) =	vadd.scan.msk.s32 $0xffff, v16  }
0x1ca: {  	v16 =	vld [tilespmem:s21+$0xFFFFFFF0];
	(xrf0) =	vadd.scan.msk.s32 $0xffff, v17  }
0x1cb: {  	[tilespmem:s23+$0xFFFFFFE0] =	vst v2;
	v20 =	vperm.xlane v19, v4;
	v17 =	vld [tilespmem:s21+$0x0];
	v19, _, _ =	vpop (xrf0);
	(xrf0) =	vadd.scan.msk.s32 $0xffff, v18  }
0x1cc: {  	[tilespmem:s23+$0x0] =	vst v2;
	v15 =	vld [tilespmem:s21+$0xFFFFFFE0]  }
0x1cd: {  	[tilespmem:s23+$0xFFFFFFF0] =	vst v2  }
0x1ce: {  	[tilespmem:s23+$0x10] =	vst v2  }
0x1cf: {  	[tilespmem:s21+$0xFFFFFFE0] =	vst v2;
	v18 =	vperm.xlane v16, v4;
	v16 =	vperm.xlane v19, v4;
	v21, _, _ =	vpop (xrf0)  }
0x1d0: {  	s22 =	simm.s32 $0x4;
	s24 =	simm.s32 $0x100A0;
	[tilespmem:s21+$0x0] =	vst v2;
	v19 =	vperm.xlane v17, v4;
	(xrf0) =	vadd.scan.msk.s32 $0xffff, v20;
	v17 =	vperm.xlane v21, v4;
	v20, _, _ =	vpop (xrf0)  }
.LBB2_20:
0x1d1: {  	v21 =	vld [tilespmem:s24+$0x10];
	s22 =	sadd.s32 $0x4, s22;
	v15 =	vperm.xlane v15, v4;
	(xrf0) =	vadd.scan.msk.s32 $0xffff, v18;
	v18 =	vperm.xlane v20, v4;
	[tilespmem:s20+$0x10] =	vst v16;
	v16, _, _ =	vpop (xrf0)  }
0x1d2: {  	v20 =	vld [tilespmem:s24+$0xFFFFFFF0];
	p0 =	slt.u32 s22, $0x3C;
	(xrf0) =	vadd.scan.msk.s32 $0xffff, v19;
	v16 =	vperm.xlane v16, v4;
	[tilespmem:s20+$0xFFFFFFF0] =	vst v17  }
0x1d3: {  	v17 =	vld [tilespmem:s24+$0x0];
	(xrf0) =	vadd.scan.msk.s32 $0xffff, v15;
	[tilespmem:s20+$0x0] =	vst v18  }
.Ltmp9:
0x1d4: {  	v15 =	vld [tilespmem:s24+$0xFFFFFFE0];
	[tilespmem:s20+$0xFFFFFFE0] =	vst v16;
	(pc) =	sbr.rel @p0 .LBB2_20-.Ltmp9, $4  }
0x1d5: {  	[tilespmem:s24+$0xFFFFFFE0] =	vst v2  }
0x1d6: {  	[tilespmem:s24+$0x0] =	vst v2;
	v21 =	vperm.xlane v21, v4;
	v16, _, _ =	vpop (xrf0)  }
0x1d7: {  	v18 =	vperm.xlane v20, v4;
	[tilespmem:s21+$0xFFFFFFF0] =	vst v2;
	v16 =	vperm.xlane v16, v4;
	v20, _, _ =	vpop (xrf0)  }
0x1d8: {  	s20 =	sadd.s32 $0x40, s20;
	v19 =	vperm.xlane v17, v4;
	(xrf0) =	vadd.scan.msk.s32 $0xffff, v21;
	v17 =	vperm.xlane v20, v4;
	[tilespmem:s21+$0x10] =	vst v2;
	v20, _, _ =	vpop (xrf0);
	s21 =	smov.u32 s24;
	s24 =	sadd.s32 $0x40, s24  }
0x1d9: {  	v15 =	vperm.xlane v15, v4;
	(xrf0) =	vadd.scan.msk.s32 $0xffff, v18  }
0x1da: {  	[tilespmem:s20+$0x10] =	vst v16;
	v16, _, _ =	vpop (xrf0);
	(xrf0) =	vadd.scan.msk.s32 $0xffff, v19  }
0x1db: {  	(xrf0) =	vadd.scan.msk.s32 $0xffff, v15;
	v15 =	vperm.xlane v16, v4;
	_ =	sdelay $0x3  }
0x1dc: {  	[tilespmem:s20+$0xFFFFFFE0] =	vst v15;
	v15, _, _ =	vpop (xrf0)  }
0x1dd: {  	[tilespmem:s21+$0xFFFFFFF0] =	vst v2;
	v15 =	vperm.xlane v15, v4  }
0x1de: {  	v18 =	vperm.xlane v20, v4;
	[tilespmem:s21+$0x10] =	vst v2  }
0x1df: {  	[tilespmem:s20+$0xFFFFFFF0] =	vst v17;
	v16, _, _ =	vpop (xrf0)  }
0x1e0: {  	s21 =	sadd.s32 $0x40, s20;
	[tilespmem:s20+$0x0] =	vst v18;
	v16 =	vperm.xlane v16, v4;
	v17, _, _ =	vpop (xrf0)  }
0x1e1: {  	v17 =	vperm.xlane v17, v4;
	[tilespmem:s21+$0x10] =	vst v15;
	v15, _, _ =	vpop (xrf0)  }
0x1e2: {  	[tilespmem:s21+$0xFFFFFFF0] =	vst v16;
	v15 =	vperm.xlane v15, v4  }
0x1e3: {  	[tilespmem:s21+$0x0] =	vst v17  }
0x1e4: {  	s22 =	sxor.u32 $0x80000000, s19;
	[tilespmem:s21+$0xFFFFFFE0] =	vst v15  }
0x1e5: {  	v15 =	vmov s22;
	v16 =	vld.idx.msk [tilespmem:v1+s10+$0x0], $0xffff  }
0x1e6: {  	v15 =	vadd.s32 $0x1, v15  }
0x1e7: {  	v15 =	vbroadcast v15, $0x0;
	_ =	sdelay $0x1  }
0x1e8: {  	v14 =	vxor.u32 $0x80000000, v14;
	vm0 =	veq.s32 v15, v0  }
0x1e9: {  	v14 =	vnsel vm0, $0x80000000, v14;
	v15 =	vperm.xlane v16, v4  }
0x1ea: {  	(xrf0) =	vmax.scan.msk.u32 $0xffff, v14  }
0x1eb: {  	(xrf0) =	vadd.scan.msk.s32 $0xffff, v15;
	_ =	sdelay $0x4  }
0x1ec: {  	v14, _, _ =	vpop (xrf0)  }
0x1ed: {  	v15, _, _ =	vpop (xrf0)  }
0x1ee: {  	v15 =	vperm.xlane v15, v4;
	_ =	sdelay $0x1  }
0x1ef: {  	[tilespmem:$0x11000] =	vst v15  }
0x1f0: {  	v15 =	vld.idx.msk [tilespmem:v5+s10+$0x0], $0xffff;
	_ =	sdelay $0x4  }
0x1f1: {  	v15 =	vperm.xlane v15, v4;
	_ =	sdelay $0x1  }
0x1f2: {  	(xrf0) =	vadd.scan.msk.s32 $0xffff, v15;
	_ =	sdelay $0x5  }
0x1f3: {  	v15, _, _ =	vpop (xrf0)  }
0x1f4: {  	v15 =	vperm.xlane v15, v4;
	_ =	sdelay $0x1  }
0x1f5: {  	[tilespmem:$0x11010] =	vst v15  }
0x1f6: {  	v15 =	vld.idx.msk [tilespmem:v6+s10+$0x0], $0xffff;
	_ =	sdelay $0x4  }
0x1f7: {  	v15 =	vperm.xlane v15, v4;
	_ =	sdelay $0x1  }
0x1f8: {  	(xrf0) =	vadd.scan.msk.s32 $0xffff, v15;
	_ =	sdelay $0x5  }
0x1f9: {  	v15, _, _ =	vpop (xrf0)  }
0x1fa: {  	v15 =	vperm.xlane v15, v4;
	_ =	sdelay $0x1  }
0x1fb: {  	[tilespmem:$0x11020] =	vst v15  }
0x1fc: {  	v15 =	vld.idx.msk [tilespmem:v7+s10+$0x0], $0xffff;
	_ =	sdelay $0x4  }
0x1fd: {  	v15 =	vperm.xlane v15, v4;
	_ =	sdelay $0x1  }
0x1fe: {  	(xrf0) =	vadd.scan.msk.s32 $0xffff, v15;
	_ =	sdelay $0x4  }
0x1ff: {  	[tilespmem:$0x11040] =	vst v2  }
0x200: {  	[tilespmem:$0x11050] =	vst v2;
	v15, _, _ =	vpop (xrf0)  }
0x201: {  	(v2sf) =	vpush v14, $0xF;
	[tilespmem:$0x11060] =	vst v2;
	v15 =	vperm.xlane v15, v4  }
0x202: {  	[tilespmem:$0x11070] =	vst v2  }
0x203: {  	[tilespmem:$0x11030] =	vst v15  }
0x204: {  	v14 =	vld.idx.msk [tilespmem:v1+s11+$0x0], $0xffff;
	_ =	sdelay $0x4  }
0x205: {  	v14 =	vperm.xlane v14, v4;
	_ =	sdelay $0x1  }
0x206: {  	(xrf0) =	vadd.scan.msk.s32 $0xffff, v14;
	_ =	sdelay $0x4  }
0x207: {  	s23 =	spop (v2sf)  }
0x208: {  	p0 =	seq.s32 s19, $0x8000000F;
	s20 =	sxor.u32 $0x80000000, s23;
	v14, _, _ =	vpop (xrf0)  }
0x209: {  	s20 =	smov.u32 @p0 s18;
	v14 =	vperm.xlane v14, v4  }
0x20a: {  	s16 =	ssub.s32 s16, s20  }
0x20b: {  	vm0 =	vlt.s32 v14, s16  }
0x20c: {  	v15 =	vsel vm0, $0x7FFFFFFF, v12  }
0x20d: {  	(xrf0) =	vmax.scan.msk.u32 $0xffff, v15;
	_ =	sdelay $0x5  }
0x20e: {  	v15, _, _ =	vpop (xrf0)  }
0x20f: {  	(v2sf) =	vpush v15, $0xF;
	_ =	sdelay $0xe  }
0x210: {  	s24 =	spop (v2sf)  }
0x211: {  	s25 =	sxor.u32 $0x80000000, s24  }
0x212: {  	v15 =	vmov s25  }
0x213: {  	v14 =	vxor.u32 $0x80000000, v14;
	vm0 =	veq.s32 v15, v13  }
0x214: {  	v14 =	vnsel vm0, $0x80000000, v14  }
0x215: {  	(xrf0) =	vmax.scan.msk.u32 $0xffff, v14;
	_ =	sdelay $0x5  }
0x216: {  	v14, _, _ =	vpop (xrf0)  }
0x217: {  	(v2sf) =	vpush v14, $0xF;
	_ =	sdelay $0x3  }
0x218: {  	vm0 =	vgt.s32 v15, $0x0  }
0x219: {  	v14 =	vnsel vm0, $0x0, v15  }
0x21a: {  	v14 =	vshll.u32 v14, $0x4  }
0x21b: {  	v14 =	vor.u32 v0, v14;
	_ =	sdelay $0x4  }
0x21c: {  	v14 =	vld.idx.msk [tilespmem:v14+s11+$0x0], $0xffff;
	_ =	sdelay $0x2  }
0x21d: {  	s26 =	spop (v2sf)  }
0x21e: {  	s19 =	sxor.u32 $0x80000000, s26  }
0x21f: {  	v14 =	vadd.s32 s19, v14  }
0x220: {  	vm0 =	vlt.s32 v14, s16  }
0x221: {  	v15 =	vsel vm0, $0x7FFFFFFF, v12  }
0x222: {  	(xrf0) =	vmax.scan.msk.u32 $0xffff, v15;
	_ =	sdelay $0x5  }
0x223: {  	v15, _, _ =	vpop (xrf0)  }
0x224: {  	(v2sf) =	vpush v15, $0xF;
	_ =	sdelay $0xe  }
0x225: {  	s28 =	spop (v2sf)  }
0x226: {  	s29 =	sxor.u32 $0x80000000, s28  }
0x227: {  	v15 =	vmov s29  }
0x228: {  	v15 =	vadd.s32 $0x1, v15  }
0x229: {  	v15 =	vbroadcast v15, $0x0;
	_ =	sdelay $0x1  }
0x22a: {  	v14 =	vxor.u32 $0x80000000, v14;
	vm0 =	veq.s32 v15, v0  }
0x22b: {  	v14 =	vnsel vm0, $0x80000000, v14  }
0x22c: {  	(xrf0) =	vmax.scan.msk.u32 $0xffff, v14;
	_ =	sdelay $0x5  }
0x22d: {  	v14, _, _ =	vpop (xrf0)  }
0x22e: {  	s18 =	sshll.u32 s24, $0x4;
	(v2sf) =	vpush v14, $0xF  }
0x22f: {  	s18 =	sadd.s32 s18, s29  }
0x230: {  	v14 =	vmov s18  }
0x231: {  	vm0 =	vgt.s32 v14, $0x0  }
0x232: {  	v14 =	vnsel vm0, $0x0, v14  }
0x233: {  	v14 =	vshll.u32 v14, $0x4  }
0x234: {  	v14 =	vbroadcast v14, $0x0;
	_ =	sdelay $0x1  }
0x235: {  	v14 =	vor.u32 v0, v14;
	_ =	sdelay $0x4  }
0x236: {  	v14 =	vld.idx.msk [tilespmem:v14+s10+$0x0], $0xffff;
	_ =	sdelay $0x1  }
0x237: {  	s30 =	spop (v2sf)  }
0x238: {  	p0 =	seq.s32 s28, $0x8000000F;
	s21 =	sxor.u32 $0x80000000, s30  }
0x239: {  	s21 =	smov.u32 @p0 s19  }
0x23a: {  	v14 =	vadd.s32 s21, v14  }
0x23b: {  	vm0 =	vlt.s32 v14, s16  }
0x23c: {  	v14 =	vsel vm0, $0x7FFFFFFF, v12  }
0x23d: {  	(xrf0) =	vmax.scan.msk.u32 $0xffff, v14;
	_ =	sdelay $0x5  }
0x23e: {  	v14, _, _ =	vpop (xrf0)  }
0x23f: {  	(v2sf) =	vpush v14, $0xF;
	_ =	sdelay $0xc  }
0x240: {  	s16 =	simm.s32 $0x40  }
0x241: {  	v22 =	vld [tilespmem:s16+$0x30]  }
0x242: {  	s18 =	sshll.u32 s18, $0x4;
	v21 =	vld [tilespmem:s16+$0xFFFFFFD0];
	s31 =	spop (v2sf)  }
0x243: {  	v20 =	vld [tilespmem:s16+$0xFFFFFFE0];
	s18 =	sadd.s32 s31, s18  }
0x244: {  	v19 =	vld [tilespmem:s16+$0xFFFFFFF0];
	s18 =	sadd.s32 $0x80000000, s18  }
0x245: {  	v18 =	vld [tilespmem:s16+$0x0];
	s17 =	sor.u32 s17, s18  }
0x246: {  	v16 =	vld [tilespmem:s16+$0x10];
	v17 =	vand.u32 $0x7FFFFFFF, v22;
	v14 =	vmov s17  }
0x247: {  	v15 =	vld [tilespmem:s16+$0x20];
	v23 =	vand.u32 $0x7FFFFFFF, v21;
	vm1 =	vgt.s32 v14, v17  }
0x248: {  	s18 =	simm.s32 $0x140;
	s17 =	simm.s32 $0x0;
	v17 =	vld [tilespmem:s16+$0xFFFFFFC0];
	vm0 =	vgt.s32 v14, v23;
	v23 =	vand.u32 $0x7FFFFFFF, v20;
	v22 =	vsel vm1, $0x0, v22  }
.LBB2_22:
0x249: {  	v24 =	vld [tilespmem:s18+$0x30];
	s17 =	sadd.s32 $0x8, s17;
	v25 =	vsel vm0, $0x0, v21;
	vm0 =	vgt.s32 v14, v23;
	v23 =	vand.u32 $0x7FFFFFFF, v19;
	[tilespmem:s16+$0x30] =	vst v22  }
0x24a: {  	v21 =	vld [tilespmem:s18+$0xFFFFFFD0];
	p0 =	slt.u32 s17, $0x7F8;
	[tilespmem:s16+$0xFFFFFFD0] =	vst v25;
	v22 =	vsel vm0, $0x0, v20;
	vm0 =	vgt.s32 v14, v23;
	v23 =	vand.u32 $0x7FFFFFFF, v18  }
0x24b: {  	v20 =	vld [tilespmem:s18+$0xFFFFFFE0];
	[tilespmem:s16+$0xFFFFFFE0] =	vst v22;
	v22 =	vsel vm0, $0x0, v19;
	vm0 =	vgt.s32 v14, v23;
	v23 =	vand.u32 $0x7FFFFFFF, v16  }
.Ltmp10:
0x24c: {  	v19 =	vld [tilespmem:s18+$0xFFFFFFF0];
	[tilespmem:s16+$0xFFFFFFF0] =	vst v22;
	v22 =	vsel vm0, $0x0, v18;
	vm0 =	vgt.s32 v14, v23;
	v23 =	vand.u32 $0x7FFFFFFF, v15;
	(pc) =	sbr.rel @p0 .LBB2_22-.Ltmp10, $4  }
0x24d: {  	v18 =	vld [tilespmem:s18+$0x0];
	v25 =	vand.u32 $0x7FFFFFFF, v17;
	[tilespmem:s16+$0x0] =	vst v22;
	v22 =	vsel vm0, $0x0, v16;
	vm0 =	vgt.s32 v14, v23  }
0x24e: {  	v16 =	vld [tilespmem:s18+$0x10];
	v23 =	vand.u32 $0x7FFFFFFF, v24;
	vm1 =	vgt.s32 v14, v25;
	[tilespmem:s16+$0x10] =	vst v22;
	v22 =	vsel vm0, $0x0, v15  }
0x24f: {  	v25 =	vand.u32 $0x7FFFFFFF, v21;
	v15 =	vld [tilespmem:s18+$0x20];
	vm2 =	vgt.s32 v14, v23;
	v26 =	vsel vm1, $0x0, v17;
	[tilespmem:s16+$0x20] =	vst v22  }
0x250: {  	v17 =	vld [tilespmem:s18+$0xFFFFFFC0];
	vm0 =	vgt.s32 v14, v25;
	v23 =	vand.u32 $0x7FFFFFFF, v20;
	v22 =	vsel vm2, $0x0, v24;
	[tilespmem:s16+$0xFFFFFFC0] =	vst v26;
	s16 =	smov.u32 s18;
	s18 =	sadd.s32 $0x100, s18  }
0x251: {  	v21 =	vsel vm0, $0x0, v21;
	vm11 =	vgt.s32 v14, v23;
	v56 =	vand.u32 $0x7FFFFFFF, v19;
	[tilespmem:s16+$0x30] =	vst v22  }
0x252: {  	[tilespmem:s16+$0xFFFFFFD0] =	vst v21;
	v20 =	vsel vm11, $0x0, v20;
	vm12 =	vgt.s32 v14, v56;
	v57 =	vand.u32 $0x7FFFFFFF, v18  }
0x253: {  	[tilespmem:s16+$0xFFFFFFE0] =	vst v20;
	v58 =	vsel vm12, $0x0, v19;
	vm13 =	vgt.s32 v14, v57;
	v59 =	vand.u32 $0x7FFFFFFF, v16  }
0x254: {  	[tilespmem:s16+$0xFFFFFFF0] =	vst v58;
	v60 =	vsel vm13, $0x0, v18;
	vm14 =	vgt.s32 v14, v59;
	v61 =	vand.u32 $0x7FFFFFFF, v15  }
0x255: {  	v62 =	vand.u32 $0x7FFFFFFF, v17;
	[tilespmem:s16+$0x0] =	vst v60;
	v63 =	vsel vm14, $0x0, v16;
	vm15 =	vgt.s32 v14, v61  }
0x256: {  	vm1 =	vgt.s32 v14, v62;
	[tilespmem:s16+$0x10] =	vst v63;
	v14 =	vsel vm15, $0x0, v15  }
0x257: {  	s17 =	simm.s32 $0x0;
	v15 =	vsel vm1, $0x0, v17;
	[tilespmem:s16+$0x20] =	vst v14  }
0x258: {  	s19 =	sadd.s32 $0x0, s5;
	s18 =	simm.s32 $0x100;
	[tilespmem:s16+$0xFFFFFFC0] =	vst v15;
	s16 =	simm.s32 $0x80  }
.LBB2_24:
0x259: {  	[hbm4b:s19+s2] =	stream.linear.scatter [tilespmem:s17], [sflag:$0x3], $0x80, $0x38;
	[tilespmem:$0x11100] =	vst v63  }
0x25a: {  	s19 =	smov.u32 s16;
	s17 =	smov.u32 s18;
	p0 =	sne.s32 s16, $0x7F80  }
.Ltmp11:
0x25b: {  	s16 =	sadd.s32 $0x80, s16;
	(pc) =	sbr.rel @p0 .LBB2_24-.Ltmp11, $2  }
0x25c: {  	_ =	sdelay $0x2  }
0x25d: {  	s18 =	sadd.s32 $0x100, s18;
	s19 =	sadd.s32 s19, s5  }
0x25e: {  	[hbm4b:s19+s2] =	stream.linear.scatter [tilespmem:s17], [sflag:$0x3], $0x80, $0x38;
	[tilespmem:$0x11100] =	vst v63  }
0x25f: {  	_ =	swait.ge [sflag:s12], $0x8000  }
0x260: {  	[sflag:s12] =	ssyncset.done $0x0  }
0x261: {  	s16 =	simm.s32 $0xF0;
	[sflag:s12] =	ssyncadd.s32 $0xFFFF8000  }
0x262: {  	v14 =	vld [tilespmem:s16+$0x0]  }
0x263: {  	v15 =	vld [tilespmem:s16+$0xFFFFFFA0]  }
0x264: {  	v16 =	vld [tilespmem:s16+$0xFFFFFFB0]  }
0x265: {  	v17 =	vld [tilespmem:s16+$0xFFFFFFC0]  }
0x266: {  	v18 =	vld [tilespmem:s16+$0xFFFFFFD0]  }
0x267: {  	v14 =	vshrl.u32 v14, $0x14  }
0x268: {  	v15 =	vshrl.u32 v15, $0x14;
	v14 =	vand.u32 $0x7FF, v14  }
0x269: {  	v19 =	vld [tilespmem:s16+$0xFFFFFFE0];
	v16 =	vshrl.u32 v16, $0x14;
	v15 =	vand.u32 $0x7FF, v15  }
0x26a: {  	v20 =	vld [tilespmem:s16+$0xFFFFFFF0];
	v17 =	vshrl.u32 v17, $0x14;
	v16 =	vand.u32 $0x7FF, v16  }
0x26b: {  	v21 =	vld [tilespmem:s16+$0xFFFFFF90];
	v18 =	vshrl.u32 v18, $0x14;
	v17 =	vand.u32 $0x7FF, v17  }
0x26c: {  	v18 =	vand.u32 $0x7FF, v18  }
0x26d: {  	[tilespmem:v14+s9+$0x0] =	vst.idx.add.s32.msk $0xffff, v3  }
0x26e: {  	[tilespmem:v15+s9+$0x0] =	vst.idx.add.s32.msk $0xffff, v3  }
0x26f: {  	[tilespmem:v16+s9+$0x0] =	vst.idx.add.s32.msk $0xffff, v3  }
0x270: {  	v14 =	vshrl.u32 v19, $0x14;
	v15 =	vshrl.u32 v20, $0x14;
	v16 =	vshrl.u32 v21, $0x14;
	[tilespmem:v17+s9+$0x0] =	vst.idx.add.s32.msk $0xffff, v3  }
0x271: {  	s17 =	simm.s32 $0x0;
	s18 =	simm.s32 $0x1F0;
	[tilespmem:v18+s9+$0x0] =	vst.idx.add.s32.msk $0xffff, v3;
	v14 =	vand.u32 $0x7FF, v14;
	v15 =	vand.u32 $0x7FF, v15;
	v16 =	vand.u32 $0x7FF, v16  }
.LBB2_26:
0x272: {  	v17 =	vld [tilespmem:s18+$0x0];
	s17 =	sadd.s32 $0x8, s17  }
0x273: {  	v18 =	vld [tilespmem:s18+$0xFFFFFFA0];
	p0 =	slt.u32 s17, $0x7F8  }
0x274: {  	v19 =	vld [tilespmem:s18+$0xFFFFFFB0]  }
0x275: {  	v20 =	vld [tilespmem:s18+$0xFFFFFFC0]  }
0x276: {  	v21 =	vld [tilespmem:s18+$0xFFFFFFD0]  }
0x277: {  	v22 =	vld [tilespmem:s18+$0xFFFFFFE0];
	v17 =	vshrl.u32 v17, $0x14  }
0x278: {  	v18 =	vshrl.u32 v18, $0x14;
	v23 =	vld [tilespmem:s18+$0xFFFFFFF0];
	v17 =	vand.u32 $0x7FF, v17  }
0x279: {  	v24 =	vld [tilespmem:s18+$0xFFFFFF90];
	v18 =	vand.u32 $0x7FF, v18;
	v19 =	vshrl.u32 v19, $0x14  }
0x27a: {  	v19 =	vand.u32 $0x7FF, v19;
	v20 =	vshrl.u32 v20, $0x14;
	[tilespmem:v16+s9+$0x0] =	vst.idx.add.s32.msk $0xffff, v3  }
0x27b: {  	v20 =	vand.u32 $0x7FF, v20;
	v16 =	vshrl.u32 v21, $0x14;
	[tilespmem:v14+s9+$0x0] =	vst.idx.add.s32.msk $0xffff, v3  }
0x27c: {  	v21 =	vand.u32 $0x7FF, v16;
	v14 =	vshrl.u32 v22, $0x14;
	[tilespmem:v15+s9+$0x0] =	vst.idx.add.s32.msk $0xffff, v3  }
.Ltmp12:
0x27d: {  	s16 =	simm.s32 $0x10820;
	s19 =	simm.s32 $0x10020;
	v14 =	vand.u32 $0x7FF, v14;
	v15 =	vshrl.u32 v23, $0x14;
	[tilespmem:v17+s9+$0x0] =	vst.idx.add.s32.msk $0xffff, v3;
	(pc) =	sbr.rel @p0 .LBB2_26-.Ltmp12, $4  }
0x27e: {  	v16 =	vshrl.u32 v24, $0x14;
	[tilespmem:v18+s9+$0x0] =	vst.idx.add.s32.msk $0xffff, v3;
	v15 =	vand.u32 $0x7FF, v15  }
0x27f: {  	v16 =	vand.u32 $0x7FF, v16;
	[tilespmem:v19+s9+$0x0] =	vst.idx.add.s32.msk $0xffff, v3  }
0x280: {  	[tilespmem:v20+s9+$0x0] =	vst.idx.add.s32.msk $0xffff, v3  }
0x281: {  	s18 =	sadd.s32 $0x100, s18;
	[tilespmem:v21+s9+$0x0] =	vst.idx.add.s32.msk $0xffff, v3  }
0x282: {  	_ =	sdelay $0x3  }
0x283: {  	[tilespmem:v16+s9+$0x0] =	vst.idx.add.s32.msk $0xffff, v3  }
0x284: {  	[tilespmem:v14+s9+$0x0] =	vst.idx.add.s32.msk $0xffff, v3  }
0x285: {  	[tilespmem:v15+s9+$0x0] =	vst.idx.add.s32.msk $0xffff, v3  }
0x286: {  	v14 =	vld [tilespmem:s19+$0x10];
	_ =	sdelay $0x3  }
0x287: {  	v15 =	vld [tilespmem:s19+$0xFFFFFFF0]  }
0x288: {  	v16 =	vld [tilespmem:s19+$0x0];
	v14 =	vperm.xlane v14, v4  }
0x289: {  	v17 =	vld [tilespmem:s19+$0xFFFFFFE0]  }
0x28a: {  	s17 =	simm.s32 $0x10060;
	(xrf0) =	vadd.scan.msk.s32 $0xffff, v14  }
0x28b: {  	v18 =	vld [tilespmem:s17+$0x10]  }
0x28c: {  	v15 =	vperm.xlane v15, v4  }
0x28d: {  	v16 =	vperm.xlane v16, v4  }
0x28e: {  	v17 =	vperm.xlane v17, v4;
	(xrf0) =	vadd.scan.msk.s32 $0xffff, v15  }
0x28f: {  	v15 =	vld [tilespmem:s17+$0xFFFFFFF0];
	(xrf0) =	vadd.scan.msk.s32 $0xffff, v16  }
0x290: {  	[tilespmem:s19+$0xFFFFFFE0] =	vst v2;
	v19 =	vperm.xlane v18, v4;
	v16 =	vld [tilespmem:s17+$0x0];
	v18, _, _ =	vpop (xrf0);
	(xrf0) =	vadd.scan.msk.s32 $0xffff, v17  }
0x291: {  	[tilespmem:s19+$0x0] =	vst v2;
	v14 =	vld [tilespmem:s17+$0xFFFFFFE0]  }
0x292: {  	[tilespmem:s19+$0xFFFFFFF0] =	vst v2  }
0x293: {  	[tilespmem:s19+$0x10] =	vst v2  }
0x294: {  	[tilespmem:s17+$0xFFFFFFE0] =	vst v2;
	v17 =	vperm.xlane v15, v4;
	v15 =	vperm.xlane v18, v4;
	v20, _, _ =	vpop (xrf0)  }
0x295: {  	s18 =	simm.s32 $0x4;
	s20 =	simm.s32 $0x100A0;
	[tilespmem:s17+$0x0] =	vst v2;
	v18 =	vperm.xlane v16, v4;
	(xrf0) =	vadd.scan.msk.s32 $0xffff, v19;
	v16 =	vperm.xlane v20, v4;
	v19, _, _ =	vpop (xrf0)  }
.LBB2_28:
0x296: {  	v20 =	vld [tilespmem:s20+$0x10];
	s18 =	sadd.s32 $0x4, s18;
	v14 =	vperm.xlane v14, v4;
	(xrf0) =	vadd.scan.msk.s32 $0xffff, v17;
	v17 =	vperm.xlane v19, v4;
	[tilespmem:s16+$0x10] =	vst v15;
	v15, _, _ =	vpop (xrf0)  }
0x297: {  	v19 =	vld [tilespmem:s20+$0xFFFFFFF0];
	p0 =	slt.u32 s18, $0x7C;
	(xrf0) =	vadd.scan.msk.s32 $0xffff, v18;
	v15 =	vperm.xlane v15, v4;
	[tilespmem:s16+$0xFFFFFFF0] =	vst v16  }
0x298: {  	v16 =	vld [tilespmem:s20+$0x0];
	(xrf0) =	vadd.scan.msk.s32 $0xffff, v14;
	[tilespmem:s16+$0x0] =	vst v17  }
.Ltmp13:
0x299: {  	v14 =	vld [tilespmem:s20+$0xFFFFFFE0];
	[tilespmem:s16+$0xFFFFFFE0] =	vst v15;
	(pc) =	sbr.rel @p0 .LBB2_28-.Ltmp13, $4  }
0x29a: {  	[tilespmem:s20+$0xFFFFFFE0] =	vst v2  }
0x29b: {  	[tilespmem:s20+$0x0] =	vst v2;
	v20 =	vperm.xlane v20, v4;
	v15, _, _ =	vpop (xrf0)  }
0x29c: {  	v17 =	vperm.xlane v19, v4;
	[tilespmem:s17+$0xFFFFFFF0] =	vst v2;
	v15 =	vperm.xlane v15, v4;
	v19, _, _ =	vpop (xrf0)  }
0x29d: {  	s16 =	sadd.s32 $0x40, s16;
	v18 =	vperm.xlane v16, v4;
	(xrf0) =	vadd.scan.msk.s32 $0xffff, v20;
	v16 =	vperm.xlane v19, v4;
	[tilespmem:s17+$0x10] =	vst v2;
	v19, _, _ =	vpop (xrf0);
	s17 =	smov.u32 s20;
	s20 =	sadd.s32 $0x40, s20  }
0x29e: {  	v14 =	vperm.xlane v14, v4;
	(xrf0) =	vadd.scan.msk.s32 $0xffff, v17  }
0x29f: {  	[tilespmem:s16+$0x10] =	vst v15;
	v15, _, _ =	vpop (xrf0);
	(xrf0) =	vadd.scan.msk.s32 $0xffff, v18  }
0x2a0: {  	(xrf0) =	vadd.scan.msk.s32 $0xffff, v14;
	v14 =	vperm.xlane v15, v4;
	_ =	sdelay $0x3  }
0x2a1: {  	[tilespmem:s16+$0xFFFFFFE0] =	vst v14;
	v14, _, _ =	vpop (xrf0)  }
0x2a2: {  	[tilespmem:s17+$0xFFFFFFF0] =	vst v2;
	v14 =	vperm.xlane v14, v4  }
0x2a3: {  	v17 =	vperm.xlane v19, v4;
	[tilespmem:s17+$0x10] =	vst v2  }
0x2a4: {  	[tilespmem:s16+$0xFFFFFFF0] =	vst v16;
	v15, _, _ =	vpop (xrf0)  }
0x2a5: {  	s24 =	sadd.s32 $0x40, s16;
	[tilespmem:s16+$0x0] =	vst v17;
	v15 =	vperm.xlane v15, v4;
	v16, _, _ =	vpop (xrf0)  }
0x2a6: {  	v16 =	vperm.xlane v16, v4;
	[tilespmem:s24+$0x10] =	vst v14;
	v14, _, _ =	vpop (xrf0)  }
0x2a7: {  	[tilespmem:s24+$0xFFFFFFF0] =	vst v15;
	v14 =	vperm.xlane v14, v4  }
0x2a8: {  	[tilespmem:s24+$0x0] =	vst v16  }
0x2a9: {  	[tilespmem:s24+$0xFFFFFFE0] =	vst v14  }
0x2aa: {  	v14 =	vld.idx.msk [tilespmem:v1+s10+$0x0], $0xffff;
	_ =	sdelay $0x4  }
0x2ab: {  	v14 =	vperm.xlane v14, v4;
	_ =	sdelay $0x1  }
0x2ac: {  	(xrf0) =	vadd.scan.msk.s32 $0xffff, v14;
	_ =	sdelay $0x5  }
0x2ad: {  	v14, _, _ =	vpop (xrf0)  }
0x2ae: {  	v14 =	vperm.xlane v14, v4;
	_ =	sdelay $0x1  }
0x2af: {  	[tilespmem:$0x11000] =	vst v14  }
0x2b0: {  	v14 =	vld.idx.msk [tilespmem:v5+s10+$0x0], $0xffff;
	_ =	sdelay $0x4  }
0x2b1: {  	v14 =	vperm.xlane v14, v4;
	_ =	sdelay $0x1  }
0x2b2: {  	(xrf0) =	vadd.scan.msk.s32 $0xffff, v14;
	_ =	sdelay $0x5  }
0x2b3: {  	v14, _, _ =	vpop (xrf0)  }
0x2b4: {  	v14 =	vperm.xlane v14, v4;
	_ =	sdelay $0x1  }
0x2b5: {  	[tilespmem:$0x11010] =	vst v14  }
0x2b6: {  	v14 =	vld.idx.msk [tilespmem:v6+s10+$0x0], $0xffff;
	_ =	sdelay $0x4  }
0x2b7: {  	v14 =	vperm.xlane v14, v4;
	_ =	sdelay $0x1  }
0x2b8: {  	(xrf0) =	vadd.scan.msk.s32 $0xffff, v14;
	_ =	sdelay $0x5  }
0x2b9: {  	v14, _, _ =	vpop (xrf0)  }
0x2ba: {  	v14 =	vperm.xlane v14, v4;
	_ =	sdelay $0x1  }
0x2bb: {  	[tilespmem:$0x11020] =	vst v14  }
0x2bc: {  	v14 =	vld.idx.msk [tilespmem:v7+s10+$0x0], $0xffff;
	_ =	sdelay $0x4  }
0x2bd: {  	v14 =	vperm.xlane v14, v4;
	_ =	sdelay $0x1  }
0x2be: {  	(xrf0) =	vadd.scan.msk.s32 $0xffff, v14;
	_ =	sdelay $0x5  }
0x2bf: {  	v14, _, _ =	vpop (xrf0)  }
0x2c0: {  	v14 =	vperm.xlane v14, v4;
	_ =	sdelay $0x1  }
0x2c1: {  	[tilespmem:$0x11030] =	vst v14  }
0x2c2: {  	v14 =	vld.idx.msk [tilespmem:v8+s10+$0x0], $0xffff;
	_ =	sdelay $0x4  }
0x2c3: {  	v14 =	vperm.xlane v14, v4;
	_ =	sdelay $0x1  }
0x2c4: {  	(xrf0) =	vadd.scan.msk.s32 $0xffff, v14;
	_ =	sdelay $0x5  }
0x2c5: {  	v14, _, _ =	vpop (xrf0)  }
0x2c6: {  	v14 =	vperm.xlane v14, v4;
	_ =	sdelay $0x1  }
0x2c7: {  	[tilespmem:$0x11040] =	vst v14  }
0x2c8: {  	v14 =	vld.idx.msk [tilespmem:v9+s10+$0x0], $0xffff;
	_ =	sdelay $0x4  }
0x2c9: {  	v14 =	vperm.xlane v14, v4;
	_ =	sdelay $0x1  }
0x2ca: {  	(xrf0) =	vadd.scan.msk.s32 $0xffff, v14;
	_ =	sdelay $0x5  }
0x2cb: {  	v14, _, _ =	vpop (xrf0)  }
0x2cc: {  	v14 =	vperm.xlane v14, v4;
	_ =	sdelay $0x1  }
0x2cd: {  	[tilespmem:$0x11050] =	vst v14  }
0x2ce: {  	v14 =	vld.idx.msk [tilespmem:v10+s10+$0x0], $0xffff;
	_ =	sdelay $0x4  }
0x2cf: {  	v14 =	vperm.xlane v14, v4;
	_ =	sdelay $0x1  }
0x2d0: {  	(xrf0) =	vadd.scan.msk.s32 $0xffff, v14;
	_ =	sdelay $0x5  }
0x2d1: {  	v14, _, _ =	vpop (xrf0)  }
0x2d2: {  	v14 =	vperm.xlane v14, v4;
	_ =	sdelay $0x1  }
0x2d3: {  	[tilespmem:$0x11060] =	vst v14  }
0x2d4: {  	v14 =	vld.idx.msk [tilespmem:v11+s10+$0x0], $0xffff;
	_ =	sdelay $0x4  }
0x2d5: {  	v14 =	vperm.xlane v14, v4;
	_ =	sdelay $0x1  }
0x2d6: {  	(xrf0) =	vadd.scan.msk.s32 $0xffff, v14;
	_ =	sdelay $0x5  }
0x2d7: {  	v14, _, _ =	vpop (xrf0)  }
0x2d8: {  	v14 =	vperm.xlane v14, v4;
	_ =	sdelay $0x1  }
0x2d9: {  	[tilespmem:$0x11070] =	vst v14  }
0x2da: {  	v14 =	vld.idx.msk [tilespmem:v1+s11+$0x0], $0xffff;
	_ =	sdelay $0x4  }
0x2db: {  	v14 =	vperm.xlane v14, v4;
	_ =	sdelay $0x1  }
0x2dc: {  	(xrf0) =	vadd.scan.msk.s32 $0xffff, v14;
	_ =	sdelay $0x5  }
0x2dd: {  	v14, _, _ =	vpop (xrf0)  }
0x2de: {  	v14 =	vperm.xlane v14, v4;
	_ =	sdelay $0x1  }
0x2df: {  	vm0 =	vgt.s32 v14, $0x147  }
0x2e0: {  	v15 =	vnsel vm0, $0x7FFFFFFF, v12  }
0x2e1: {  	(xrf0) =	vmax.scan.msk.u32 $0xffff, v15;
	_ =	sdelay $0x5  }
0x2e2: {  	v15, _, _ =	vpop (xrf0)  }
0x2e3: {  	(v2sf) =	vpush v15, $0xF;
	_ =	sdelay $0xe  }
0x2e4: {  	s25 =	spop (v2sf)  }
0x2e5: {  	s26 =	sxor.u32 $0x80000000, s25  }
0x2e6: {  	v15 =	vmov s26  }
0x2e7: {  	v14 =	vxor.u32 $0x80000000, v14;
	vm0 =	veq.s32 v15, v13  }
0x2e8: {  	v14 =	vnsel vm0, $0x80000000, v14  }
0x2e9: {  	(xrf0) =	vmax.scan.msk.u32 $0xffff, v14;
	_ =	sdelay $0x5  }
0x2ea: {  	v14, _, _ =	vpop (xrf0)  }
0x2eb: {  	(v2sf) =	vpush v14, $0xF;
	_ =	sdelay $0x3  }
0x2ec: {  	vm0 =	vgt.s32 v15, $0x0  }
0x2ed: {  	v14 =	vnsel vm0, $0x0, v15  }
0x2ee: {  	v14 =	vshll.u32 v14, $0x4  }
0x2ef: {  	v14 =	vor.u32 v0, v14;
	_ =	sdelay $0x4  }
0x2f0: {  	v14 =	vld.idx.msk [tilespmem:v14+s11+$0x0], $0xffff;
	_ =	sdelay $0x2  }
0x2f1: {  	s28 =	spop (v2sf)  }
0x2f2: {  	s17 =	sxor.u32 $0x80000000, s28  }
0x2f3: {  	v14 =	vadd.s32 s17, v14  }
0x2f4: {  	vm0 =	vgt.s32 v14, $0x147  }
0x2f5: {  	v15 =	vnsel vm0, $0x7FFFFFFF, v12  }
0x2f6: {  	(xrf0) =	vmax.scan.msk.u32 $0xffff, v15;
	_ =	sdelay $0x5  }
0x2f7: {  	v15, _, _ =	vpop (xrf0)  }
0x2f8: {  	(v2sf) =	vpush v15, $0xF;
	_ =	sdelay $0xe  }
0x2f9: {  	s18 =	spop (v2sf)  }
0x2fa: {  	s19 =	sxor.u32 $0x80000000, s18  }
0x2fb: {  	v15 =	vmov s19  }
0x2fc: {  	v15 =	vadd.s32 $0x1, v15  }
0x2fd: {  	v15 =	vbroadcast v15, $0x0;
	_ =	sdelay $0x1  }
0x2fe: {  	v14 =	vxor.u32 $0x80000000, v14;
	vm0 =	veq.s32 v15, v0  }
0x2ff: {  	v14 =	vnsel vm0, $0x80000000, v14  }
0x300: {  	(xrf0) =	vmax.scan.msk.u32 $0xffff, v14;
	_ =	sdelay $0x5  }
0x301: {  	v14, _, _ =	vpop (xrf0)  }
0x302: {  	s16 =	sshll.u32 s25, $0x4;
	(v2sf) =	vpush v14, $0xF  }
0x303: {  	s19 =	sadd.s32 s16, s19  }
0x304: {  	v14 =	vmov s19  }
0x305: {  	vm0 =	vgt.s32 v14, $0x0  }
0x306: {  	v14 =	vnsel vm0, $0x0, v14  }
0x307: {  	v14 =	vshll.u32 v14, $0x4  }
0x308: {  	v14 =	vbroadcast v14, $0x0;
	_ =	sdelay $0x1  }
0x309: {  	v14 =	vor.u32 v0, v14;
	_ =	sdelay $0x4  }
0x30a: {  	v14 =	vld.idx.msk [tilespmem:v14+s10+$0x0], $0xffff;
	_ =	sdelay $0x1  }
0x30b: {  	s29 =	spop (v2sf)  }
0x30c: {  	p0 =	seq.s32 s18, $0x8000000F;
	s16 =	sxor.u32 $0x80000000, s29  }
0x30d: {  	s16 =	smov.u32 @p0 s17  }
0x30e: {  	v14 =	vadd.s32 s16, v14  }
0x30f: {  	vm0 =	vgt.s32 v14, $0x147  }
0x310: {  	v15 =	vnsel vm0, $0x7FFFFFFF, v12  }
0x311: {  	(xrf0) =	vmax.scan.msk.u32 $0xffff, v15;
	_ =	sdelay $0x5  }
0x312: {  	v15, _, _ =	vpop (xrf0)  }
0x313: {  	(v2sf) =	vpush v15, $0xF;
	_ =	sdelay $0x9  }
0x314: {  	s20 =	simm.s32 $0xF0  }
0x315: {  	v16 =	vld [tilespmem:s20+$0x0]  }
0x316: {  	v17 =	vld [tilespmem:s20+$0xFFFFFFA0]  }
0x317: {  	v18 =	vld [tilespmem:s20+$0xFFFFFFB0]  }
0x318: {  	v19 =	vld [tilespmem:s20+$0xFFFFFFC0]  }
0x319: {  	v23 =	vld [tilespmem:s20+$0xFFFFFF90];
	s18 =	spop (v2sf)  }
0x31a: {  	v20 =	vld [tilespmem:s20+$0xFFFFFFD0];
	s30 =	sshll.u32 s19, $0x18;
	s31 =	sshll.u32 s18, $0x14  }
0x31b: {  	v21 =	vld [tilespmem:s20+$0xFFFFFFE0];
	v16 =	vand.u32 $0x7FFFFFFF, v16;
	s17 =	sadd.s32 s30, s31  }
0x31c: {  	v22 =	vld [tilespmem:s20+$0xFFFFFFF0];
	v17 =	vand.u32 $0x7FFFFFFF, v17;
	v18 =	vand.u32 $0x7FFFFFFF, v18;
	v15 =	vmov s17  }
0x31d: {  	v16 =	vsub.s32 v16, v15;
	v17 =	vsub.s32 v17, v15;
	v24 =	vsub.s32 v18, v15  }
0x31e: {  	v18 =	vand.u32 $0x7FFFFFFF, v19;
	v19 =	vand.u32 $0x7FFFFFFF, v23;
	vm4 =	vlt.u32 v16, $0x100000  }
0x31f: {  	v16 =	vshra.s32 v16, $0xA;
	v25 =	vsub.s32 v18, v15;
	v18 =	vand.u32 $0x7FFFFFFF, v20  }
0x320: {  	vm0 =	vlt.u32 v17, $0x100000;
	v26 =	vsub.s32 v18, v15;
	v18 =	vand.u32 $0x7FFFFFFF, v21  }
0x321: {  	vm1 =	vlt.u32 v24, $0x100000;
	v21 =	vsub.s32 v18, v15;
	v18 =	vand.u32 $0x7FFFFFFF, v22  }
0x322: {  	vm2 =	vlt.u32 v25, $0x100000;
	vm3 =	vlt.u32 v26, $0x100000;
	v22 =	vsub.s32 v18, v15  }
0x323: {  	v18 =	vsub.s32 v19, v15;
	vm8 =	vlt.u32 v21, $0x100000;
	v19 =	vshra.s32 v24, $0xA  }
0x324: {  	vm7 =	vlt.u32 v22, $0x100000;
	vm6 =	vlt.u32 v18, $0x100000;
	v20 =	vshra.s32 v18, $0xA  }
0x325: {  	s21 =	simm.s32 $0x1F0;
	s20 =	simm.s32 $0x0;
	v18 =	vshra.s32 v17, $0xA;
	v17 =	vshra.s32 v25, $0xA;
	[tilespmem:v16+s9+$0x0] =	vst.idx.add.s32.msk vm4, v3;
	v16 =	vshra.s32 v26, $0xA  }
.LBB2_30:
0x326: {  	v23 =	vld [tilespmem:s21+$0x0];
	s20 =	sadd.s32 $0x8, s20;
	v24 =	vshra.s32 v21, $0xA;
	v25 =	vshra.s32 v22, $0xA;
	vm5 =	vmmov vm8  }
0x327: {  	vm4 =	vmmov vm7;
	v21 =	vld [tilespmem:s21+$0xFFFFFFA0];
	p0 =	slt.u32 s20, $0x7F8  }
0x328: {  	v22 =	vld [tilespmem:s21+$0xFFFFFFB0]  }
0x329: {  	v26 =	vld [tilespmem:s21+$0xFFFFFFC0]  }
0x32a: {  	v27 =	vld [tilespmem:s21+$0xFFFFFFD0]  }
0x32b: {  	v28 =	vld [tilespmem:s21+$0xFFFFFFE0];
	v23 =	vand.u32 $0x7FFFFFFF, v23  }
0x32c: {  	v21 =	vand.u32 $0x7FFFFFFF, v21;
	v29 =	vld [tilespmem:s21+$0xFFFFFFF0];
	v23 =	vsub.s32 v23, v15  }
0x32d: {  	v30 =	vld [tilespmem:s21+$0xFFFFFF90];
	v31 =	vsub.s32 v21, v15;
	v21 =	vand.u32 $0x7FFFFFFF, v22;
	vm9 =	vlt.u32 v23, $0x100000  }
0x32e: {  	v23 =	vshra.s32 v23, $0xA;
	v32 =	vsub.s32 v21, v15;
	v21 =	vand.u32 $0x7FFFFFFF, v26;
	[tilespmem:v20+s9+$0x0] =	vst.idx.add.s32.msk vm6, v3  }
0x32f: {  	v26 =	vsub.s32 v21, v15;
	v20 =	vand.u32 $0x7FFFFFFF, v27;
	[tilespmem:v18+s9+$0x0] =	vst.idx.add.s32.msk vm0, v3;
	vm0 =	vlt.u32 v31, $0x100000  }
0x330: {  	v27 =	vsub.s32 v20, v15;
	v18 =	vand.u32 $0x7FFFFFFF, v28;
	[tilespmem:v19+s9+$0x0] =	vst.idx.add.s32.msk vm1, v3;
	vm1 =	vlt.u32 v32, $0x100000  }
.Ltmp14:
0x331: {  	v21 =	vsub.s32 v18, v15;
	v18 =	vand.u32 $0x7FFFFFFF, v29;
	[tilespmem:v17+s9+$0x0] =	vst.idx.add.s32.msk vm2, v3;
	vm2 =	vlt.u32 v26, $0x100000;
	(pc) =	sbr.rel @p0 .LBB2_30-.Ltmp14, $4  }
0x332: {  	v17 =	vand.u32 $0x7FFFFFFF, v30;
	v22 =	vsub.s32 v18, v15;
	[tilespmem:v16+s9+$0x0] =	vst.idx.add.s32.msk vm3, v3;
	vm3 =	vlt.u32 v27, $0x100000  }
0x333: {  	s19 =	simm.s32 $0x10820;
	s22 =	simm.s32 $0x10020;
	vm8 =	vlt.u32 v21, $0x100000;
	v16 =	vsub.s32 v17, v15;
	vm7 =	vlt.u32 v22, $0x100000;
	[tilespmem:v23+s9+$0x0] =	vst.idx.add.s32.msk vm9, v3  }
0x334: {  	v18 =	vshra.s32 v31, $0xA;
	vm6 =	vlt.u32 v16, $0x100000;
	v20 =	vshra.s32 v16, $0xA;
	[tilespmem:v24+s9+$0x0] =	vst.idx.add.s32.msk vm5, v3  }
0x335: {  	s21 =	sadd.s32 $0x100, s21;
	v19 =	vshra.s32 v32, $0xA;
	v17 =	vshra.s32 v26, $0xA;
	v16 =	vshra.s32 v27, $0xA;
	[tilespmem:v25+s9+$0x0] =	vst.idx.add.s32.msk vm4, v3  }
0x336: {  	_ =	sdelay $0x4  }
0x337: {  	v15 =	vshra.s32 v21, $0xA;
	[tilespmem:v20+s9+$0x0] =	vst.idx.add.s32.msk vm6, v3  }
0x338: {  	v20 =	vshra.s32 v22, $0xA;
	[tilespmem:v18+s9+$0x0] =	vst.idx.add.s32.msk vm0, v3  }
0x339: {  	[tilespmem:v19+s9+$0x0] =	vst.idx.add.s32.msk vm1, v3  }
0x33a: {  	[tilespmem:v17+s9+$0x0] =	vst.idx.add.s32.msk vm2, v3  }
0x33b: {  	[tilespmem:v16+s9+$0x0] =	vst.idx.add.s32.msk vm3, v3  }
0x33c: {  	[tilespmem:v15+s9+$0x0] =	vst.idx.add.s32.msk vm8, v3  }
0x33d: {  	[tilespmem:v20+s9+$0x0] =	vst.idx.add.s32.msk vm7, v3  }
0x33e: {  	v15 =	vld [tilespmem:s22+$0x10];
	_ =	sdelay $0x3  }
0x33f: {  	v16 =	vld [tilespmem:s22+$0xFFFFFFF0]  }
0x340: {  	v17 =	vld [tilespmem:s22+$0x0];
	v15 =	vperm.xlane v15, v4  }
0x341: {  	v18 =	vld [tilespmem:s22+$0xFFFFFFE0]  }
0x342: {  	s20 =	simm.s32 $0x10060;
	(xrf0) =	vadd.scan.msk.s32 $0xffff, v15  }
0x343: {  	v19 =	vld [tilespmem:s20+$0x10]  }
0x344: {  	v16 =	vperm.xlane v16, v4  }
0x345: {  	v17 =	vperm.xlane v17, v4  }
0x346: {  	v18 =	vperm.xlane v18, v4;
	(xrf0) =	vadd.scan.msk.s32 $0xffff, v16  }
0x347: {  	v16 =	vld [tilespmem:s20+$0xFFFFFFF0];
	(xrf0) =	vadd.scan.msk.s32 $0xffff, v17  }
0x348: {  	[tilespmem:s22+$0xFFFFFFE0] =	vst v2;
	v20 =	vperm.xlane v19, v4;
	v17 =	vld [tilespmem:s20+$0x0];
	v19, _, _ =	vpop (xrf0);
	(xrf0) =	vadd.scan.msk.s32 $0xffff, v18  }
0x349: {  	[tilespmem:s22+$0x0] =	vst v2;
	v15 =	vld [tilespmem:s20+$0xFFFFFFE0]  }
0x34a: {  	[tilespmem:s22+$0xFFFFFFF0] =	vst v2  }
0x34b: {  	vm4 =	vmmov vm8;
	[tilespmem:s22+$0x10] =	vst v2  }
0x34c: {  	vm5 =	vmmov vm7;
	[tilespmem:s20+$0xFFFFFFE0] =	vst v2;
	v18 =	vperm.xlane v16, v4;
	v16 =	vperm.xlane v19, v4;
	v21, _, _ =	vpop (xrf0)  }
0x34d: {  	s21 =	simm.s32 $0x4;
	s23 =	simm.s32 $0x100A0;
	[tilespmem:s20+$0x0] =	vst v2;
	v19 =	vperm.xlane v17, v4;
	(xrf0) =	vadd.scan.msk.s32 $0xffff, v20;
	v17 =	vperm.xlane v21, v4;
	v20, _, _ =	vpop (xrf0)  }
.LBB2_32:
0x34e: {  	v21 =	vld [tilespmem:s23+$0x10];
	s21 =	sadd.s32 $0x4, s21;
	v15 =	vperm.xlane v15, v4;
	(xrf0) =	vadd.scan.msk.s32 $0xffff, v18;
	v18 =	vperm.xlane v20, v4;
	[tilespmem:s19+$0x10] =	vst v16;
	v16, _, _ =	vpop (xrf0)  }
0x34f: {  	v20 =	vld [tilespmem:s23+$0xFFFFFFF0];
	p0 =	slt.u32 s21, $0x3C;
	(xrf0) =	vadd.scan.msk.s32 $0xffff, v19;
	v16 =	vperm.xlane v16, v4;
	[tilespmem:s19+$0xFFFFFFF0] =	vst v17  }
0x350: {  	v17 =	vld [tilespmem:s23+$0x0];
	(xrf0) =	vadd.scan.msk.s32 $0xffff, v15;
	[tilespmem:s19+$0x0] =	vst v18  }
.Ltmp15:
0x351: {  	v15 =	vld [tilespmem:s23+$0xFFFFFFE0];
	[tilespmem:s19+$0xFFFFFFE0] =	vst v16;
	(pc) =	sbr.rel @p0 .LBB2_32-.Ltmp15, $4  }
0x352: {  	[tilespmem:s23+$0xFFFFFFE0] =	vst v2  }
0x353: {  	[tilespmem:s23+$0x0] =	vst v2;
	v21 =	vperm.xlane v21, v4;
	v16, _, _ =	vpop (xrf0)  }
0x354: {  	v18 =	vperm.xlane v20, v4;
	[tilespmem:s20+$0xFFFFFFF0] =	vst v2;
	v16 =	vperm.xlane v16, v4;
	v20, _, _ =	vpop (xrf0)  }
0x355: {  	s19 =	sadd.s32 $0x40, s19;
	v19 =	vperm.xlane v17, v4;
	(xrf0) =	vadd.scan.msk.s32 $0xffff, v21;
	v17 =	vperm.xlane v20, v4;
	[tilespmem:s20+$0x10] =	vst v2;
	v20, _, _ =	vpop (xrf0);
	s20 =	smov.u32 s23;
	s23 =	sadd.s32 $0x40, s23  }
0x356: {  	v15 =	vperm.xlane v15, v4;
	(xrf0) =	vadd.scan.msk.s32 $0xffff, v18  }
0x357: {  	[tilespmem:s19+$0x10] =	vst v16;
	v16, _, _ =	vpop (xrf0);
	(xrf0) =	vadd.scan.msk.s32 $0xffff, v19  }
0x358: {  	(xrf0) =	vadd.scan.msk.s32 $0xffff, v15;
	v15 =	vperm.xlane v16, v4;
	_ =	sdelay $0x3  }
0x359: {  	[tilespmem:s19+$0xFFFFFFE0] =	vst v15;
	v15, _, _ =	vpop (xrf0)  }
0x35a: {  	[tilespmem:s20+$0xFFFFFFF0] =	vst v2;
	v15 =	vperm.xlane v15, v4  }
0x35b: {  	v18 =	vperm.xlane v20, v4;
	[tilespmem:s20+$0x10] =	vst v2  }
0x35c: {  	[tilespmem:s19+$0xFFFFFFF0] =	vst v17;
	v16, _, _ =	vpop (xrf0)  }
0x35d: {  	s22 =	sadd.s32 $0x40, s19;
	[tilespmem:s19+$0x0] =	vst v18;
	v16 =	vperm.xlane v16, v4;
	v17, _, _ =	vpop (xrf0)  }
0x35e: {  	v17 =	vperm.xlane v17, v4;
	[tilespmem:s22+$0x10] =	vst v15;
	v15, _, _ =	vpop (xrf0)  }
0x35f: {  	[tilespmem:s22+$0xFFFFFFF0] =	vst v16;
	v15 =	vperm.xlane v15, v4  }
0x360: {  	[tilespmem:s22+$0x0] =	vst v17  }
0x361: {  	s23 =	sxor.u32 $0x80000000, s18;
	[tilespmem:s22+$0xFFFFFFE0] =	vst v15  }
0x362: {  	v15 =	vmov s23;
	v16 =	vld.idx.msk [tilespmem:v1+s10+$0x0], $0xffff  }
0x363: {  	v15 =	vadd.s32 $0x1, v15  }
0x364: {  	v15 =	vbroadcast v15, $0x0;
	_ =	sdelay $0x1  }
0x365: {  	v14 =	vxor.u32 $0x80000000, v14;
	vm0 =	veq.s32 v15, v0  }
0x366: {  	v14 =	vnsel vm0, $0x80000000, v14;
	v15 =	vperm.xlane v16, v4  }
0x367: {  	(xrf0) =	vmax.scan.msk.u32 $0xffff, v14  }
0x368: {  	(xrf0) =	vadd.scan.msk.s32 $0xffff, v15;
	_ =	sdelay $0x4  }
0x369: {  	v14, _, _ =	vpop (xrf0)  }
0x36a: {  	v15, _, _ =	vpop (xrf0)  }
0x36b: {  	v15 =	vperm.xlane v15, v4;
	_ =	sdelay $0x1  }
0x36c: {  	[tilespmem:$0x11000] =	vst v15  }
0x36d: {  	v15 =	vld.idx.msk [tilespmem:v5+s10+$0x0], $0xffff;
	_ =	sdelay $0x4  }
0x36e: {  	v15 =	vperm.xlane v15, v4;
	_ =	sdelay $0x1  }
0x36f: {  	(xrf0) =	vadd.scan.msk.s32 $0xffff, v15;
	_ =	sdelay $0x5  }
0x370: {  	v15, _, _ =	vpop (xrf0)  }
0x371: {  	v15 =	vperm.xlane v15, v4;
	_ =	sdelay $0x1  }
0x372: {  	[tilespmem:$0x11010] =	vst v15  }
0x373: {  	v15 =	vld.idx.msk [tilespmem:v6+s10+$0x0], $0xffff;
	_ =	sdelay $0x4  }
0x374: {  	v15 =	vperm.xlane v15, v4;
	_ =	sdelay $0x1  }
0x375: {  	(xrf0) =	vadd.scan.msk.s32 $0xffff, v15;
	_ =	sdelay $0x5  }
0x376: {  	v15, _, _ =	vpop (xrf0)  }
0x377: {  	v15 =	vperm.xlane v15, v4;
	_ =	sdelay $0x1  }
0x378: {  	[tilespmem:$0x11020] =	vst v15  }
0x379: {  	v15 =	vld.idx.msk [tilespmem:v7+s10+$0x0], $0xffff;
	_ =	sdelay $0x4  }
0x37a: {  	v15 =	vperm.xlane v15, v4;
	_ =	sdelay $0x1  }
0x37b: {  	(xrf0) =	vadd.scan.msk.s32 $0xffff, v15;
	_ =	sdelay $0x4  }
0x37c: {  	[tilespmem:$0x11040] =	vst v2  }
0x37d: {  	[tilespmem:$0x11050] =	vst v2;
	v15, _, _ =	vpop (xrf0)  }
0x37e: {  	(v2sf) =	vpush v14, $0xF;
	[tilespmem:$0x11060] =	vst v2;
	v15 =	vperm.xlane v15, v4  }
0x37f: {  	[tilespmem:$0x11070] =	vst v2  }
0x380: {  	[tilespmem:$0x11030] =	vst v15  }
0x381: {  	v14 =	vld.idx.msk [tilespmem:v1+s11+$0x0], $0xffff;
	_ =	sdelay $0x4  }
0x382: {  	v14 =	vperm.xlane v14, v4;
	_ =	sdelay $0x1  }
0x383: {  	(xrf0) =	vadd.scan.msk.s32 $0xffff, v14;
	_ =	sdelay $0x4  }
0x384: {  	s24 =	spop (v2sf)  }
0x385: {  	p0 =	seq.s32 s18, $0x8000000F;
	s19 =	sxor.u32 $0x80000000, s24;
	v14, _, _ =	vpop (xrf0)  }
0x386: {  	s19 =	smov.u32 @p0 s16;
	v14 =	vperm.xlane v14, v4  }
0x387: {  	s16 =	ssub.s32 $0x148, s19  }
0x388: {  	vm8 =	vlt.s32 v14, s16  }
0x389: {  	v15 =	vsel vm8, $0x7FFFFFFF, v12  }
0x38a: {  	(xrf0) =	vmax.scan.msk.u32 $0xffff, v15;
	_ =	sdelay $0x5  }
0x38b: {  	v15, _, _ =	vpop (xrf0)  }
0x38c: {  	(v2sf) =	vpush v15, $0xF;
	_ =	sdelay $0xe  }
0x38d: {  	s25 =	spop (v2sf)  }
0x38e: {  	s26 =	sxor.u32 $0x80000000, s25  }
0x38f: {  	v15 =	vmov s26  }
0x390: {  	v14 =	vxor.u32 $0x80000000, v14;
	vm9 =	veq.s32 v15, v13  }
0x391: {  	v14 =	vnsel vm9, $0x80000000, v14  }
0x392: {  	(xrf0) =	vmax.scan.msk.u32 $0xffff, v14;
	_ =	sdelay $0x5  }
0x393: {  	v14, _, _ =	vpop (xrf0)  }
0x394: {  	(v2sf) =	vpush v14, $0xF;
	_ =	sdelay $0x3  }
0x395: {  	vm10 =	vgt.s32 v15, $0x0  }
0x396: {  	v14 =	vnsel vm10, $0x0, v15  }
0x397: {  	v14 =	vshll.u32 v14, $0x4  }
0x398: {  	v14 =	vor.u32 v0, v14;
	_ =	sdelay $0x4  }
0x399: {  	v14 =	vld.idx.msk [tilespmem:v14+s11+$0x0], $0xffff;
	_ =	sdelay $0x2  }
0x39a: {  	s28 =	spop (v2sf)  }
0x39b: {  	s19 =	sxor.u32 $0x80000000, s28  }
0x39c: {  	v14 =	vadd.s32 s19, v14  }
0x39d: {  	vm11 =	vlt.s32 v14, s16  }
0x39e: {  	v15 =	vsel vm11, $0x7FFFFFFF, v12  }
0x39f: {  	(xrf0) =	vmax.scan.msk.u32 $0xffff, v15;
	_ =	sdelay $0x5  }
0x3a0: {  	v15, _, _ =	vpop (xrf0)  }
0x3a1: {  	(v2sf) =	vpush v15, $0xF;
	_ =	sdelay $0xe  }
0x3a2: {  	s29 =	spop (v2sf)  }
0x3a3: {  	s21 =	sxor.u32 $0x80000000, s29  }
0x3a4: {  	v15 =	vmov s21  }
0x3a5: {  	v15 =	vadd.s32 $0x1, v15  }
0x3a6: {  	v15 =	vbroadcast v15, $0x0;
	_ =	sdelay $0x1  }
0x3a7: {  	v14 =	vxor.u32 $0x80000000, v14;
	vm12 =	veq.s32 v15, v0  }
0x3a8: {  	v14 =	vnsel vm12, $0x80000000, v14  }
0x3a9: {  	(xrf0) =	vmax.scan.msk.u32 $0xffff, v14;
	_ =	sdelay $0x5  }
0x3aa: {  	v14, _, _ =	vpop (xrf0)  }
0x3ab: {  	s18 =	sshll.u32 s25, $0x4;
	(v2sf) =	vpush v14, $0xF  }
0x3ac: {  	s21 =	sadd.s32 s18, s21  }
0x3ad: {  	v14 =	vmov s21  }
0x3ae: {  	vm13 =	vgt.s32 v14, $0x0  }
0x3af: {  	v14 =	vnsel vm13, $0x0, v14  }
0x3b0: {  	v14 =	vshll.u32 v14, $0x4  }
0x3b1: {  	v14 =	vbroadcast v14, $0x0;
	_ =	sdelay $0x1  }
0x3b2: {  	v14 =	vor.u32 v0, v14;
	_ =	sdelay $0x4  }
0x3b3: {  	v14 =	vld.idx.msk [tilespmem:v14+s10+$0x0], $0xffff;
	_ =	sdelay $0x1  }
0x3b4: {  	s30 =	spop (v2sf)  }
0x3b5: {  	p0 =	seq.s32 s29, $0x8000000F;
	s18 =	sxor.u32 $0x80000000, s30  }
0x3b6: {  	s18 =	smov.u32 @p0 s19  }
0x3b7: {  	v14 =	vadd.s32 s18, v14  }
0x3b8: {  	vm14 =	vlt.s32 v14, s16  }
0x3b9: {  	v15 =	vsel vm14, $0x7FFFFFFF, v12  }
0x3ba: {  	(xrf0) =	vmax.scan.msk.u32 $0xffff, v15;
	_ =	sdelay $0x5  }
0x3bb: {  	v15, _, _ =	vpop (xrf0)  }
0x3bc: {  	(v2sf) =	vpush v15, $0xF;
	_ =	sdelay $0x8  }
0x3bd: {  	s31 =	simm.s32 $0xF0  }
0x3be: {  	v20 =	vld [tilespmem:s31+$0x0]  }
0x3bf: {  	v18 =	vld [tilespmem:s31+$0xFFFFFFA0]  }
0x3c0: {  	v33 =	vld [tilespmem:s31+$0xFFFFFFB0]  }
0x3c1: {  	v37 =	vld [tilespmem:s31+$0xFFFFFFC0]  }
0x3c2: {  	v35 =	vld [tilespmem:s31+$0xFFFFFF90]  }
0x3c3: {  	s19 =	spop (v2sf)  }
0x3c4: {  	s21 =	sshll.u32 s21, $0xE;
	s22 =	sshll.u32 s19, $0xA  }
0x3c5: {  	v19 =	vld [tilespmem:s31+$0xFFFFFFF0];
	v21 =	vand.u32 $0x7FFFFFFF, v20;
	v22 =	vand.u32 $0x7FFFFFFF, v18;
	s21 =	sadd.s32 s21, s22  }
0x3c6: {  	v16 =	vld [tilespmem:s31+$0xFFFFFFD0];
	v18 =	vand.u32 $0x7F, v18;
	v20 =	vand.u32 $0x7F, v20;
	v23 =	vand.u32 $0x7FFFFFFF, v33;
	s17 =	sor.u32 s17, s21  }
0x3c7: {  	v17 =	vld [tilespmem:s31+$0xFFFFFFE0];
	v24 =	vand.u32 $0x7FFFFFFF, v37;
	v26 =	vand.u32 $0x7FFFFFFF, v35;
	v15 =	vmov s17  }
0x3c8: {  	v21 =	vsub.s32 v21, v15;
	v25 =	vsub.s32 v22, v15;
	v22 =	vsub.s32 v23, v15  }
0x3c9: {  	v23 =	vsub.s32 v24, v15;
	vm15 =	vlt.u32 v21, $0x400;
	v21 =	vand.u32 $0xFFFFFF80, v21  }
0x3ca: {  	v24 =	vand.u32 $0x7FFFFFFF, v19;
	v32 =	vsub.s32 v26, v15;
	v36 =	vor.u32 v20, v21  }
0x3cb: {  	v27 =	vand.u32 $0xFFFFFF80, v25;
	v30 =	vand.u32 $0xFFFFFF80, v22;
	v24 =	vsub.s32 v24, v15  }
0x3cc: {  	v31 =	vand.u32 $0xFFFFFF80, v23;
	v20 =	vand.u32 $0x7FFFFFFF, v16;
	v21 =	vand.u32 $0x7FFFFFFF, v17  }
0x3cd: {  	v34 =	vand.u32 $0xFFFFFF80, v32;
	v20 =	vsub.s32 v20, v15;
	v21 =	vsub.s32 v21, v15  }
0x3ce: {  	v26 =	vand.u32 $0xFFFFFF80, v24;
	v28 =	vand.u32 $0xFFFFFF80, v20;
	v29 =	vand.u32 $0xFFFFFF80, v21  }
0x3cf: {  	s22 =	simm.s32 $0x1F0;
	s21 =	simm.s32 $0x0;
	[tilespmem:v36+s9+$0x0] =	vst.idx.add.s32.msk vm15, v3;
	v36 =	vand.u32 $0x7F, v35;
	v35 =	vand.u32 $0x7F, v33;
	v33 =	vand.u32 $0x7F, v37  }
.LBB2_34:
0x3d0: {  	v37 =	vld [tilespmem:s22+$0x0];
	s21 =	sadd.s32 $0x8, s21;
	v38 =	vand.u32 $0x7F, v16;
	v17 =	vand.u32 $0x7F, v17;
	v19 =	vand.u32 $0x7F, v19  }
0x3d1: {  	vm6 =	vlt.u32 v32, $0x400;
	v32 =	vor.u32 v36, v34;
	vm5 =	vlt.u32 v25, $0x400;
	v39 =	vld [tilespmem:s22+$0xFFFFFFA0];
	p0 =	slt.u32 s21, $0x7F8  }
0x3d2: {  	v27 =	vor.u32 v18, v27;
	vm4 =	vlt.u32 v22, $0x400;
	v30 =	vor.u32 v35, v30;
	v40 =	vld [tilespmem:s22+$0xFFFFFFB0]  }
0x3d3: {  	vm3 =	vlt.u32 v23, $0x400;
	v31 =	vor.u32 v33, v31;
	vm2 =	vlt.u32 v20, $0x400;
	v41 =	vld [tilespmem:s22+$0xFFFFFFC0]  }
0x3d4: {  	vm1 =	vlt.u32 v21, $0x400;
	v28 =	vor.u32 v38, v28;
	v33 =	vor.u32 v17, v29;
	v16 =	vld [tilespmem:s22+$0xFFFFFFD0]  }
0x3d5: {  	vm0 =	vlt.u32 v24, $0x400;
	v38 =	vor.u32 v19, v26;
	v17 =	vld [tilespmem:s22+$0xFFFFFFE0];
	v20 =	vand.u32 $0x7FFFFFFF, v37  }
0x3d6: {  	v21 =	vand.u32 $0x7FFFFFFF, v39;
	v18 =	vand.u32 $0x7F, v39;
	v19 =	vld [tilespmem:s22+$0xFFFFFFF0];
	v20 =	vsub.s32 v20, v15  }
0x3d7: {  	v22 =	vand.u32 $0x7F, v37;
	v35 =	vld [tilespmem:s22+$0xFFFFFF90];
	vm7 =	vlt.u32 v20, $0x400;
	v20 =	vand.u32 $0xFFFFFF80, v20  }
0x3d8: {  	v23 =	vand.u32 $0x7FFFFFFF, v40;
	v24 =	vand.u32 $0x7FFFFFFF, v41;
	v26 =	vor.u32 v22, v20;
	[tilespmem:v32+s9+$0x0] =	vst.idx.add.s32.msk vm6, v3  }
0x3d9: {  	v25 =	vsub.s32 v21, v15;
	v22 =	vsub.s32 v23, v15;
	v20 =	vand.u32 $0x7FFFFFFF, v16;
	[tilespmem:v27+s9+$0x0] =	vst.idx.add.s32.msk vm5, v3  }
0x3da: {  	v23 =	vsub.s32 v24, v15;
	v20 =	vsub.s32 v20, v15;
	v21 =	vand.u32 $0x7FFFFFFF, v17;
	[tilespmem:v30+s9+$0x0] =	vst.idx.add.s32.msk vm4, v3  }
.Ltmp16:
0x3db: {  	v27 =	vand.u32 $0xFFFFFF80, v25;
	v21 =	vsub.s32 v21, v15;
	v24 =	vand.u32 $0x7FFFFFFF, v19;
	[tilespmem:v31+s9+$0x0] =	vst.idx.add.s32.msk vm3, v3;
	(pc) =	sbr.rel @p0 .LBB2_34-.Ltmp16, $4  }
0x3dc: {  	v30 =	vand.u32 $0xFFFFFF80, v22;
	v29 =	vand.u32 $0x7FFFFFFF, v35;
	v24 =	vsub.s32 v24, v15;
	[tilespmem:v28+s9+$0x0] =	vst.idx.add.s32.msk vm2, v3  }
0x3dd: {  	s20 =	simm.s32 $0x10820;
	s23 =	simm.s32 $0x10020;
	v31 =	vand.u32 $0xFFFFFF80, v23;
	v28 =	vand.u32 $0xFFFFFF80, v20;
	v32 =	vsub.s32 v29, v15;
	[tilespmem:v26+s9+$0x0] =	vst.idx.add.s32.msk vm7, v3  }
0x3de: {  	v29 =	vand.u32 $0xFFFFFF80, v21;
	v26 =	vand.u32 $0xFFFFFF80, v24;
	v34 =	vand.u32 $0xFFFFFF80, v32;
	[tilespmem:v33+s9+$0x0] =	vst.idx.add.s32.msk vm1, v3  }
0x3df: {  	s22 =	sadd.s32 $0x100, s22;
	v36 =	vand.u32 $0x7F, v35;
	v35 =	vand.u32 $0x7F, v40;
	v33 =	vand.u32 $0x7F, v41;
	[tilespmem:v38+s9+$0x0] =	vst.idx.add.s32.msk vm0, v3  }
0x3e0: {  	vm0 =	vlt.u32 v32, $0x400  }
0x3e1: {  	v15 =	vor.u32 v36, v34;
	vm1 =	vlt.u32 v25, $0x400  }
0x3e2: {  	v18 =	vor.u32 v18, v27;
	vm2 =	vlt.u32 v22, $0x400  }
0x3e3: {  	v22 =	vor.u32 v35, v30;
	vm3 =	vlt.u32 v23, $0x400  }
0x3e4: {  	v16 =	vand.u32 $0x7F, v16;
	v23 =	vor.u32 v33, v31;
	vm4 =	vlt.u32 v20, $0x400  }
0x3e5: {  	v17 =	vand.u32 $0x7F, v17;
	vm5 =	vlt.u32 v21, $0x400;
	v16 =	vor.u32 v16, v28  }
0x3e6: {  	v19 =	vand.u32 $0x7F, v19;
	vm6 =	vlt.u32 v24, $0x400;
	v17 =	vor.u32 v17, v29;
	[tilespmem:v15+s9+$0x0] =	vst.idx.add.s32.msk vm0, v3  }
0x3e7: {  	v15 =	vor.u32 v19, v26;
	[tilespmem:v18+s9+$0x0] =	vst.idx.add.s32.msk vm1, v3  }
0x3e8: {  	[tilespmem:v22+s9+$0x0] =	vst.idx.add.s32.msk vm2, v3  }
0x3e9: {  	[tilespmem:v23+s9+$0x0] =	vst.idx.add.s32.msk vm3, v3  }
0x3ea: {  	[tilespmem:v16+s9+$0x0] =	vst.idx.add.s32.msk vm4, v3  }
0x3eb: {  	[tilespmem:v17+s9+$0x0] =	vst.idx.add.s32.msk vm5, v3  }
0x3ec: {  	[tilespmem:v15+s9+$0x0] =	vst.idx.add.s32.msk vm6, v3  }
0x3ed: {  	v15 =	vld [tilespmem:s23+$0x10];
	_ =	sdelay $0x3  }
0x3ee: {  	v16 =	vld [tilespmem:s23+$0xFFFFFFF0]  }
0x3ef: {  	v17 =	vld [tilespmem:s23+$0x0];
	v15 =	vperm.xlane v15, v4  }
0x3f0: {  	v18 =	vld [tilespmem:s23+$0xFFFFFFE0]  }
0x3f1: {  	s21 =	simm.s32 $0x10060;
	(xrf0) =	vadd.scan.msk.s32 $0xffff, v15  }
0x3f2: {  	v19 =	vld [tilespmem:s21+$0x10]  }
0x3f3: {  	v16 =	vperm.xlane v16, v4  }
0x3f4: {  	v17 =	vperm.xlane v17, v4  }
0x3f5: {  	v18 =	vperm.xlane v18, v4;
	(xrf0) =	vadd.scan.msk.s32 $0xffff, v16  }
0x3f6: {  	v16 =	vld [tilespmem:s21+$0xFFFFFFF0];
	(xrf0) =	vadd.scan.msk.s32 $0xffff, v17  }
0x3f7: {  	[tilespmem:s23+$0xFFFFFFE0] =	vst v2;
	v20 =	vperm.xlane v19, v4;
	v17 =	vld [tilespmem:s21+$0x0];
	v19, _, _ =	vpop (xrf0);
	(xrf0) =	vadd.scan.msk.s32 $0xffff, v18  }
0x3f8: {  	[tilespmem:s23+$0x0] =	vst v2;
	v15 =	vld [tilespmem:s21+$0xFFFFFFE0]  }
0x3f9: {  	[tilespmem:s23+$0xFFFFFFF0] =	vst v2  }
0x3fa: {  	[tilespmem:s23+$0x10] =	vst v2  }
0x3fb: {  	[tilespmem:s21+$0xFFFFFFE0] =	vst v2;
	v18 =	vperm.xlane v16, v4;
	v16 =	vperm.xlane v19, v4;
	v21, _, _ =	vpop (xrf0)  }
0x3fc: {  	s22 =	simm.s32 $0x4;
	s24 =	simm.s32 $0x100A0;
	[tilespmem:s21+$0x0] =	vst v2;
	v19 =	vperm.xlane v17, v4;
	(xrf0) =	vadd.scan.msk.s32 $0xffff, v20;
	v17 =	vperm.xlane v21, v4;
	v20, _, _ =	vpop (xrf0)  }
.LBB2_36:
0x3fd: {  	v21 =	vld [tilespmem:s24+$0x10];
	s22 =	sadd.s32 $0x4, s22;
	v15 =	vperm.xlane v15, v4;
	(xrf0) =	vadd.scan.msk.s32 $0xffff, v18;
	v18 =	vperm.xlane v20, v4;
	[tilespmem:s20+$0x10] =	vst v16;
	v16, _, _ =	vpop (xrf0)  }
0x3fe: {  	v20 =	vld [tilespmem:s24+$0xFFFFFFF0];
	p0 =	slt.u32 s22, $0x3C;
	(xrf0) =	vadd.scan.msk.s32 $0xffff, v19;
	v16 =	vperm.xlane v16, v4;
	[tilespmem:s20+$0xFFFFFFF0] =	vst v17  }
0x3ff: {  	v17 =	vld [tilespmem:s24+$0x0];
	(xrf0) =	vadd.scan.msk.s32 $0xffff, v15;
	[tilespmem:s20+$0x0] =	vst v18  }
.Ltmp17:
0x400: {  	v15 =	vld [tilespmem:s24+$0xFFFFFFE0];
	[tilespmem:s20+$0xFFFFFFE0] =	vst v16;
	(pc) =	sbr.rel @p0 .LBB2_36-.Ltmp17, $4  }
0x401: {  	[tilespmem:s24+$0xFFFFFFE0] =	vst v2  }
0x402: {  	[tilespmem:s24+$0x0] =	vst v2;
	v21 =	vperm.xlane v21, v4;
	v16, _, _ =	vpop (xrf0)  }
0x403: {  	v18 =	vperm.xlane v20, v4;
	[tilespmem:s21+$0xFFFFFFF0] =	vst v2;
	v16 =	vperm.xlane v16, v4;
	v20, _, _ =	vpop (xrf0)  }
0x404: {  	s20 =	sadd.s32 $0x40, s20;
	v19 =	vperm.xlane v17, v4;
	(xrf0) =	vadd.scan.msk.s32 $0xffff, v21;
	v17 =	vperm.xlane v20, v4;
	[tilespmem:s21+$0x10] =	vst v2;
	v20, _, _ =	vpop (xrf0);
	s21 =	smov.u32 s24;
	s24 =	sadd.s32 $0x40, s24  }
0x405: {  	v15 =	vperm.xlane v15, v4;
	(xrf0) =	vadd.scan.msk.s32 $0xffff, v18  }
0x406: {  	[tilespmem:s20+$0x10] =	vst v16;
	v16, _, _ =	vpop (xrf0);
	(xrf0) =	vadd.scan.msk.s32 $0xffff, v19  }
0x407: {  	(xrf0) =	vadd.scan.msk.s32 $0xffff, v15;
	v15 =	vperm.xlane v16, v4;
	_ =	sdelay $0x3  }
0x408: {  	[tilespmem:s20+$0xFFFFFFE0] =	vst v15;
	v15, _, _ =	vpop (xrf0)  }
0x409: {  	[tilespmem:s21+$0xFFFFFFF0] =	vst v2;
	v15 =	vperm.xlane v15, v4  }
0x40a: {  	v18 =	vperm.xlane v20, v4;
	[tilespmem:s21+$0x10] =	vst v2  }
0x40b: {  	[tilespmem:s20+$0xFFFFFFF0] =	vst v17;
	v16, _, _ =	vpop (xrf0)  }
0x40c: {  	s21 =	sadd.s32 $0x40, s20;
	[tilespmem:s20+$0x0] =	vst v18;
	v16 =	vperm.xlane v16, v4;
	v17, _, _ =	vpop (xrf0)  }
0x40d: {  	v17 =	vperm.xlane v17, v4;
	[tilespmem:s21+$0x10] =	vst v15;
	v15, _, _ =	vpop (xrf0)  }
0x40e: {  	[tilespmem:s21+$0xFFFFFFF0] =	vst v16;
	v15 =	vperm.xlane v15, v4  }
0x40f: {  	[tilespmem:s21+$0x0] =	vst v17  }
0x410: {  	s22 =	sxor.u32 $0x80000000, s19;
	[tilespmem:s21+$0xFFFFFFE0] =	vst v15  }
0x411: {  	v15 =	vmov s22;
	v16 =	vld.idx.msk [tilespmem:v1+s10+$0x0], $0xffff  }
0x412: {  	v15 =	vadd.s32 $0x1, v15  }
0x413: {  	v15 =	vbroadcast v15, $0x0;
	_ =	sdelay $0x1  }
0x414: {  	v14 =	vxor.u32 $0x80000000, v14;
	vm0 =	veq.s32 v15, v0  }
0x415: {  	v14 =	vnsel vm0, $0x80000000, v14;
	v15 =	vperm.xlane v16, v4  }
0x416: {  	(xrf0) =	vmax.scan.msk.u32 $0xffff, v14  }
0x417: {  	(xrf0) =	vadd.scan.msk.s32 $0xffff, v15;
	_ =	sdelay $0x4  }
0x418: {  	v14, _, _ =	vpop (xrf0)  }
0x419: {  	v15, _, _ =	vpop (xrf0)  }
0x41a: {  	v15 =	vperm.xlane v15, v4;
	_ =	sdelay $0x1  }
0x41b: {  	[tilespmem:$0x11000] =	vst v15  }
0x41c: {  	v15 =	vld.idx.msk [tilespmem:v5+s10+$0x0], $0xffff;
	_ =	sdelay $0x4  }
0x41d: {  	v15 =	vperm.xlane v15, v4;
	_ =	sdelay $0x1  }
0x41e: {  	(xrf0) =	vadd.scan.msk.s32 $0xffff, v15;
	_ =	sdelay $0x5  }
0x41f: {  	v15, _, _ =	vpop (xrf0)  }
0x420: {  	v15 =	vperm.xlane v15, v4;
	_ =	sdelay $0x1  }
0x421: {  	[tilespmem:$0x11010] =	vst v15  }
0x422: {  	v15 =	vld.idx.msk [tilespmem:v6+s10+$0x0], $0xffff;
	_ =	sdelay $0x4  }
0x423: {  	v15 =	vperm.xlane v15, v4;
	_ =	sdelay $0x1  }
0x424: {  	(xrf0) =	vadd.scan.msk.s32 $0xffff, v15;
	_ =	sdelay $0x5  }
0x425: {  	v15, _, _ =	vpop (xrf0)  }
0x426: {  	v15 =	vperm.xlane v15, v4;
	_ =	sdelay $0x1  }
0x427: {  	[tilespmem:$0x11020] =	vst v15  }
0x428: {  	v15 =	vld.idx.msk [tilespmem:v7+s10+$0x0], $0xffff;
	_ =	sdelay $0x4  }
0x429: {  	v15 =	vperm.xlane v15, v4;
	_ =	sdelay $0x1  }
0x42a: {  	(xrf0) =	vadd.scan.msk.s32 $0xffff, v15;
	_ =	sdelay $0x4  }
0x42b: {  	[tilespmem:$0x11040] =	vst v2  }
0x42c: {  	[tilespmem:$0x11050] =	vst v2;
	v15, _, _ =	vpop (xrf0)  }
0x42d: {  	(v2sf) =	vpush v14, $0xF;
	[tilespmem:$0x11060] =	vst v2;
	v15 =	vperm.xlane v15, v4  }
0x42e: {  	[tilespmem:$0x11070] =	vst v2  }
0x42f: {  	[tilespmem:$0x11030] =	vst v15  }
0x430: {  	v14 =	vld.idx.msk [tilespmem:v1+s11+$0x0], $0xffff;
	_ =	sdelay $0x4  }
0x431: {  	v14 =	vperm.xlane v14, v4;
	_ =	sdelay $0x1  }
0x432: {  	(xrf0) =	vadd.scan.msk.s32 $0xffff, v14;
	_ =	sdelay $0x4  }
0x433: {  	s23 =	spop (v2sf)  }
0x434: {  	p0 =	seq.s32 s19, $0x8000000F;
	s20 =	sxor.u32 $0x80000000, s23;
	v14, _, _ =	vpop (xrf0)  }
0x435: {  	s20 =	smov.u32 @p0 s18;
	v14 =	vperm.xlane v14, v4  }
0x436: {  	s16 =	ssub.s32 s16, s20  }
0x437: {  	vm0 =	vlt.s32 v14, s16  }
0x438: {  	v15 =	vsel vm0, $0x7FFFFFFF, v12  }
0x439: {  	(xrf0) =	vmax.scan.msk.u32 $0xffff, v15;
	_ =	sdelay $0x5  }
0x43a: {  	v15, _, _ =	vpop (xrf0)  }
0x43b: {  	(v2sf) =	vpush v15, $0xF;
	_ =	sdelay $0xe  }
0x43c: {  	s24 =	spop (v2sf)  }
0x43d: {  	s25 =	sxor.u32 $0x80000000, s24  }
0x43e: {  	v15 =	vmov s25  }
0x43f: {  	v14 =	vxor.u32 $0x80000000, v14;
	vm0 =	veq.s32 v15, v13  }
0x440: {  	v14 =	vnsel vm0, $0x80000000, v14  }
0x441: {  	(xrf0) =	vmax.scan.msk.u32 $0xffff, v14;
	_ =	sdelay $0x5  }
0x442: {  	v14, _, _ =	vpop (xrf0)  }
0x443: {  	(v2sf) =	vpush v14, $0xF;
	_ =	sdelay $0x3  }
0x444: {  	vm0 =	vgt.s32 v15, $0x0  }
0x445: {  	v14 =	vnsel vm0, $0x0, v15  }
0x446: {  	v14 =	vshll.u32 v14, $0x4  }
0x447: {  	v14 =	vor.u32 v0, v14;
	_ =	sdelay $0x4  }
0x448: {  	v14 =	vld.idx.msk [tilespmem:v14+s11+$0x0], $0xffff;
	_ =	sdelay $0x2  }
0x449: {  	s26 =	spop (v2sf)  }
0x44a: {  	s19 =	sxor.u32 $0x80000000, s26  }
0x44b: {  	v14 =	vadd.s32 s19, v14  }
0x44c: {  	vm0 =	vlt.s32 v14, s16  }
0x44d: {  	v15 =	vsel vm0, $0x7FFFFFFF, v12  }
0x44e: {  	(xrf0) =	vmax.scan.msk.u32 $0xffff, v15;
	_ =	sdelay $0x5  }
0x44f: {  	v15, _, _ =	vpop (xrf0)  }
0x450: {  	(v2sf) =	vpush v15, $0xF;
	_ =	sdelay $0xe  }
0x451: {  	s28 =	spop (v2sf)  }
0x452: {  	s29 =	sxor.u32 $0x80000000, s28  }
0x453: {  	v15 =	vmov s29  }
0x454: {  	v15 =	vadd.s32 $0x1, v15  }
0x455: {  	v15 =	vbroadcast v15, $0x0;
	_ =	sdelay $0x1  }
0x456: {  	v14 =	vxor.u32 $0x80000000, v14;
	vm0 =	veq.s32 v15, v0  }
0x457: {  	v14 =	vnsel vm0, $0x80000000, v14  }
0x458: {  	(xrf0) =	vmax.scan.msk.u32 $0xffff, v14;
	_ =	sdelay $0x5  }
0x459: {  	v14, _, _ =	vpop (xrf0)  }
0x45a: {  	s18 =	sshll.u32 s24, $0x4;
	(v2sf) =	vpush v14, $0xF  }
0x45b: {  	s18 =	sadd.s32 s18, s29  }
0x45c: {  	v14 =	vmov s18  }
0x45d: {  	vm0 =	vgt.s32 v14, $0x0  }
0x45e: {  	v14 =	vnsel vm0, $0x0, v14  }
0x45f: {  	v14 =	vshll.u32 v14, $0x4  }
0x460: {  	v14 =	vbroadcast v14, $0x0;
	_ =	sdelay $0x1  }
0x461: {  	v14 =	vor.u32 v0, v14;
	_ =	sdelay $0x4  }
0x462: {  	v14 =	vld.idx.msk [tilespmem:v14+s10+$0x0], $0xffff;
	_ =	sdelay $0x1  }
0x463: {  	s30 =	spop (v2sf)  }
0x464: {  	p0 =	seq.s32 s28, $0x8000000F;
	s21 =	sxor.u32 $0x80000000, s30  }
0x465: {  	s21 =	smov.u32 @p0 s19  }
0x466: {  	v14 =	vadd.s32 s21, v14  }
0x467: {  	vm0 =	vlt.s32 v14, s16  }
0x468: {  	v14 =	vsel vm0, $0x7FFFFFFF, v12  }
0x469: {  	(xrf0) =	vmax.scan.msk.u32 $0xffff, v14;
	_ =	sdelay $0x5  }
0x46a: {  	v14, _, _ =	vpop (xrf0)  }
0x46b: {  	(v2sf) =	vpush v14, $0xF;
	_ =	sdelay $0xc  }
0x46c: {  	s16 =	simm.s32 $0xF0  }
0x46d: {  	v22 =	vld [tilespmem:s16+$0x0]  }
0x46e: {  	s18 =	sshll.u32 s18, $0x4;
	v21 =	vld [tilespmem:s16+$0xFFFFFFA0];
	s31 =	spop (v2sf)  }
0x46f: {  	v20 =	vld [tilespmem:s16+$0xFFFFFFB0];
	s18 =	sadd.s32 s31, s18  }
0x470: {  	v19 =	vld [tilespmem:s16+$0xFFFFFFC0];
	s18 =	sadd.s32 $0x80000000, s18  }
0x471: {  	v18 =	vld [tilespmem:s16+$0xFFFFFFD0];
	s17 =	sor.u32 s17, s18  }
0x472: {  	v16 =	vld [tilespmem:s16+$0xFFFFFFE0];
	v17 =	vand.u32 $0x7FFFFFFF, v22;
	v14 =	vmov s17  }
0x473: {  	v15 =	vld [tilespmem:s16+$0xFFFFFFF0];
	v23 =	vand.u32 $0x7FFFFFFF, v21;
	vm1 =	vgt.s32 v14, v17  }
0x474: {  	s18 =	simm.s32 $0x1F0;
	s17 =	simm.s32 $0x0;
	v17 =	vld [tilespmem:s16+$0xFFFFFF90];
	vm0 =	vgt.s32 v14, v23;
	v23 =	vand.u32 $0x7FFFFFFF, v20;
	v22 =	vsel vm1, $0x0, v22  }
.LBB2_38:
0x475: {  	v24 =	vld [tilespmem:s18+$0x0];
	s17 =	sadd.s32 $0x8, s17;
	v25 =	vsel vm0, $0x0, v21;
	vm0 =	vgt.s32 v14, v23;
	v23 =	vand.u32 $0x7FFFFFFF, v19;
	[tilespmem:s16+$0x0] =	vst v22  }
0x476: {  	v21 =	vld [tilespmem:s18+$0xFFFFFFA0];
	p0 =	slt.u32 s17, $0x7F8;
	[tilespmem:s16+$0xFFFFFFA0] =	vst v25;
	v22 =	vsel vm0, $0x0, v20;
	vm0 =	vgt.s32 v14, v23;
	v23 =	vand.u32 $0x7FFFFFFF, v18  }
0x477: {  	v20 =	vld [tilespmem:s18+$0xFFFFFFB0];
	[tilespmem:s16+$0xFFFFFFB0] =	vst v22;
	v22 =	vsel vm0, $0x0, v19;
	vm0 =	vgt.s32 v14, v23;
	v23 =	vand.u32 $0x7FFFFFFF, v16  }
.Ltmp18:
0x478: {  	v19 =	vld [tilespmem:s18+$0xFFFFFFC0];
	[tilespmem:s16+$0xFFFFFFC0] =	vst v22;
	v22 =	vsel vm0, $0x0, v18;
	vm0 =	vgt.s32 v14, v23;
	v23 =	vand.u32 $0x7FFFFFFF, v15;
	(pc) =	sbr.rel @p0 .LBB2_38-.Ltmp18, $4  }
0x479: {  	v18 =	vld [tilespmem:s18+$0xFFFFFFD0];
	v25 =	vand.u32 $0x7FFFFFFF, v17;
	[tilespmem:s16+$0xFFFFFFD0] =	vst v22;
	v22 =	vsel vm0, $0x0, v16;
	vm0 =	vgt.s32 v14, v23  }
0x47a: {  	v16 =	vld [tilespmem:s18+$0xFFFFFFE0];
	v23 =	vand.u32 $0x7FFFFFFF, v24;
	vm1 =	vgt.s32 v14, v25;
	[tilespmem:s16+$0xFFFFFFE0] =	vst v22;
	v22 =	vsel vm0, $0x0, v15  }
0x47b: {  	v25 =	vand.u32 $0x7FFFFFFF, v21;
	v15 =	vld [tilespmem:s18+$0xFFFFFFF0];
	vm2 =	vgt.s32 v14, v23;
	v26 =	vsel vm1, $0x0, v17;
	[tilespmem:s16+$0xFFFFFFF0] =	vst v22  }
0x47c: {  	v17 =	vld [tilespmem:s18+$0xFFFFFF90];
	vm0 =	vgt.s32 v14, v25;
	v23 =	vand.u32 $0x7FFFFFFF, v20;
	v22 =	vsel vm2, $0x0, v24;
	[tilespmem:s16+$0xFFFFFF90] =	vst v26;
	s16 =	smov.u32 s18;
	s18 =	sadd.s32 $0x100, s18  }
0x47d: {  	v21 =	vsel vm0, $0x0, v21;
	vm11 =	vgt.s32 v14, v23;
	v56 =	vand.u32 $0x7FFFFFFF, v19;
	[tilespmem:s16+$0x0] =	vst v22  }
0x47e: {  	[tilespmem:s16+$0xFFFFFFA0] =	vst v21;
	v20 =	vsel vm11, $0x0, v20;
	vm12 =	vgt.s32 v14, v56;
	v57 =	vand.u32 $0x7FFFFFFF, v18  }
0x47f: {  	[tilespmem:s16+$0xFFFFFFB0] =	vst v20;
	v58 =	vsel vm12, $0x0, v19;
	vm13 =	vgt.s32 v14, v57;
	v59 =	vand.u32 $0x7FFFFFFF, v16  }
0x480: {  	[tilespmem:s16+$0xFFFFFFC0] =	vst v58;
	v60 =	vsel vm13, $0x0, v18;
	vm14 =	vgt.s32 v14, v59;
	v61 =	vand.u32 $0x7FFFFFFF, v15  }
0x481: {  	v62 =	vand.u32 $0x7FFFFFFF, v17;
	[tilespmem:s16+$0xFFFFFFD0] =	vst v60;
	v63 =	vsel vm14, $0x0, v16;
	vm15 =	vgt.s32 v14, v61  }
0x482: {  	vm1 =	vgt.s32 v14, v62;
	[tilespmem:s16+$0xFFFFFFE0] =	vst v63;
	v14 =	vsel vm15, $0x0, v15  }
0x483: {  	s17 =	simm.s32 $0x80;
	v15 =	vsel vm1, $0x0, v17;
	[tilespmem:s16+$0xFFFFFFF0] =	vst v14  }
0x484: {  	s19 =	sadd.s32 $0x0, s6;
	s18 =	simm.s32 $0x180;
	[tilespmem:s16+$0xFFFFFF90] =	vst v15;
	s16 =	simm.s32 $0x80  }
.LBB2_40:
0x485: {  	[hbm4b:s19+s2] =	stream.linear.scatter [tilespmem:s17], [sflag:$0x4], $0x80, $0x38;
	[tilespmem:$0x11100] =	vst v63  }
0x486: {  	s19 =	smov.u32 s16;
	s17 =	smov.u32 s18;
	p0 =	sne.s32 s16, $0x7F80  }
.Ltmp19:
0x487: {  	s16 =	sadd.s32 $0x80, s16;
	(pc) =	sbr.rel @p0 .LBB2_40-.Ltmp19, $2  }
0x488: {  	_ =	sdelay $0x2  }
0x489: {  	s18 =	sadd.s32 $0x100, s18;
	s19 =	sadd.s32 s19, s6  }
0x48a: {  	[hbm4b:s19+s2] =	stream.linear.scatter [tilespmem:s17], [sflag:$0x4], $0x80, $0x38;
	[tilespmem:$0x11100] =	vst v63  }
0x48b: {  	s15 =	sadd.s32 $0x1, s15  }
0x48c: {  	_ =	swait.ge [sflag:s13], $0x8000;
	p0 =	sne.s32 s15, s7  }
.Ltmp20:
0x48d: {  	[sflag:s13] =	ssyncset.done $0x0;
	(pc) =	sbr.rel @p0 .LBB2_1-.Ltmp20, $4  }
0x48e: {  	[sflag:s13] =	ssyncadd.s32 $0xFFFF8000  }
0x48f: {  	_ =	swait.ge [sflag:s14], $0x8000  }
0x490: {  	[sflag:s14] =	ssyncset.done $0x0  }
0x491: {  	[sflag:s14] =	ssyncadd.s32 $0xFFFF8000  }
0x492: {  	_ =	sfence.sel $0x180000  }
0x493: {  	[bflag:$0x0] =	sbarrier.arrive $0xFFFF  }
0x494: {  	p0 =	sne.s32 s1, $0x0;
	_ =	strace $0x90000047  }
0x495: {  	s0 =	sadd.s32 @!p0 $0x100000, s0;
	[bflag:$0x2] =	sbarrier.arrive $0xFFFF  }
0x496: {  	[sflag:s0] =	ssyncadd.tile.s32 @!p0 $0x1;
	_ =	shalt  }
.Lfunc_end2:
_tile_overlayer_lowered:
.L_overlay_start_2:
0x497: {  	(tag) =	ssettag $0x2  }
0x498: {  	s0 =	rddreg [dreg:$0x0];
	s2 =	stileid.u32  }
0x499: {  	s1 =	rddreg [dreg:$0x1];
	p0 =	sne.s32 s2, $0x0  }
0x49a: {  	s3 =	rddreg [dreg:$0x2];
	[bflag:$0x3] =	sbarrier.arrive $0xFFFF;
	s2 =	simm.s32 @!p0 $0x1C05  }
0x49b: {  	[timem:s3], [sflag:s2] =	dma.local @!p0 [hbm:s0], s1  }
0x49c: {  	s0 =	simm.s32 @!p0 $0x5  }
0x49d: {  	_ =	swait.ge @!p0 [sflag:s0], s1  }
0x49e: {  	s1 =	ssub.s32 @!p0 $0x0, s1;
	[sflag:s0] =	ssyncset.done @!p0 $0x0  }
0x49f: {  	[sflag:s0] =	ssyncadd.s32 @!p0 s1  }
0x4a0: {  	[bflag:$0x3] =	sbarrier.arrive $0xFFFF  }
0x4a1: {  	_ =	shalt  }

</sc_bundles>
